<compile_context>
chip_gen: v7x
topology: tpu7x:2x2x1
jax: 0.10.2.dev20260603
libtpu: 0.0.44.dev20260713+nightly
codegen_flags: <defaults>
</compile_context>

<pallas_src>
import functools

import jax
import jax.numpy as jnp
from jax import lax
from jax.experimental import pallas as pl
from jax.experimental.pallas import tpu as pltpu
from jax.experimental.pallas import tpu_sc as plsc

N = 10000
E = 320000
F_IN = 128
H = 16
C = 100

NC = 2
NS = 16
NW = NC * NS
BB = 128
NB = 79
EPT = NB * BB
EPAD = NW * EPT - E
PADN = 10200
NPAD = 10240
RPS = NPAD // NS
BLK = 2000
DEPTH = 4

_mesh = plsc.VectorSubcoreMesh(core_axis_name="c", subcore_axis_name="s")
_sc_params = pltpu.CompilerParams(use_tc_tiling_on_sc=False)


@functools.partial(
    pl.kernel,
    out_type=jax.ShapeDtypeStruct((NC, NPAD, H), jnp.float32),
    mesh=_mesh,
    scratch_types=[
        pltpu.VMEM((NB, BB), jnp.int32),
        pltpu.VMEM((BB,), jnp.float32),
        pltpu.VMEM((RPS,), jnp.float32),
        pltpu.VMEM((RPS, H), jnp.float32),
        pltpu.VMEM_SHARED((NPAD,), jnp.float32),
        pltpu.SemaphoreType.DMA,
        pltpu.SemaphoreType.DMA,
    ],
    compiler_params=_sc_params,
)
def _sc_degree(dst_hbm, ones_hbm, zeros_hbm, out_hbm,
               idx_v, ones_v, buf_v, rep_v, tbl, sem, isem):
    c = lax.axis_index("c")
    s = lax.axis_index("s")
    wid = c * NS + s

    idx = pltpu.async_copy(dst_hbm.at[wid], idx_v, isem)
    pltpu.sync_copy(ones_hbm, ones_v)
    pltpu.sync_copy(zeros_hbm, buf_v)
    pltpu.sync_copy(buf_v, tbl.at[pl.ds(s * RPS, RPS)])
    idx.wait()
    plsc.subcore_barrier()

    def _fire(j, _):
        pltpu.async_copy(ones_v, tbl.at[idx_v.at[j]], sem, add=True)
        return 0

    lax.fori_loop(0, NB, _fire, 0)

    def _drain(j, _):
        pltpu.make_async_copy(ones_v, tbl.at[idx_v.at[0]], sem).wait()
        return 0

    lax.fori_loop(0, NB, _drain, 0)

    plsc.subcore_barrier()
    pltpu.sync_copy(tbl.at[pl.ds(s * RPS, RPS)], buf_v)

    def _rep(i, _):
        v = buf_v[pl.ds(i * 16, 16)]
        for k in range(16):
            rep_v[i * 16 + k] = jnp.full((H,), v[k], jnp.float32)
        return 0

    lax.fori_loop(0, RPS // 16, _rep, 0)
    pltpu.sync_copy(rep_v, out_hbm.at[c, pl.ds(s * RPS, RPS)])


@functools.partial(
    pl.kernel,
    out_type=jax.ShapeDtypeStruct((NC, NPAD, H), jnp.float32),
    mesh=_mesh,
    scratch_types=(
        [
            pltpu.VMEM((NB, BB), jnp.int32),
            pltpu.VMEM((NB, BB), jnp.int32),
            pltpu.VMEM((DEPTH, BB, H), jnp.float32),
            pltpu.VMEM((RPS, H), jnp.float32),
            pltpu.VMEM((RPS, H), jnp.float32),
            pltpu.VMEM_SHARED((NPAD, H), jnp.float32),
            pltpu.VMEM_SHARED((NPAD, H), jnp.float32),
        ]
        + [pltpu.SemaphoreType.DMA] * (2 * DEPTH + 2)
    ),
    compiler_params=_sc_params,
)
def _sc_aggregate(xs_hbm, src_hbm, dst_hbm, zeros_hbm, out_hbm,
                  src_v, dst_v, rows_v, zbuf_v, sbuf_v, xs_sh, tbl,
                  g0, g1, g2, g3, s0, s1, s2, s3, isem, stg):
    c = lax.axis_index("c")
    s = lax.axis_index("s")
    wid = c * NS + s
    gsem = (g0, g1, g2, g3)
    ssem = (s0, s1, s2, s3)

    pltpu.async_copy(src_hbm.at[wid], src_v, isem)
    stage = pltpu.async_copy(xs_hbm.at[pl.ds(s * RPS, RPS)], sbuf_v, stg)
    pltpu.async_copy(dst_hbm.at[wid], dst_v, isem)

    pltpu.sync_copy(zeros_hbm, zbuf_v)
    pltpu.sync_copy(zbuf_v, tbl.at[pl.ds(s * RPS, RPS)])
    stage.wait()
    pltpu.sync_copy(sbuf_v, xs_sh.at[pl.ds(s * RPS, RPS)])

    pltpu.make_async_copy(src_hbm.at[wid], src_v, isem).wait()
    pltpu.make_async_copy(dst_hbm.at[wid], dst_v, isem).wait()
    plsc.subcore_barrier()

    def _gather(j, b):
        pltpu.async_copy(xs_sh.at[src_v.at[j]], rows_v.at[b], gsem[b])

    def _gwait(b):
        pltpu.make_async_copy(xs_sh.at[src_v.at[0]],
                              rows_v.at[b], gsem[b]).wait()

    def _scatter(j, b):
        pltpu.async_copy(rows_v.at[b], tbl.at[dst_v.at[j]], ssem[b], add=True)

    def _swait(b):
        pltpu.make_async_copy(
            rows_v.at[b], tbl.at[dst_v.at[0]], ssem[b]).wait()

    for b in range(DEPTH):
        _gather(b, b)

    def _round(i, _):
        for b in range(DEPTH):
            j = DEPTH * i + b
            _gwait(b)
            _scatter(j, b)
            _swait(b)
            _gather(j + DEPTH, b)
        return 0

    lax.fori_loop(0, 18, _round, 0)
    for b in range(DEPTH):
        j = 72 + b
        _gwait(b)
        _scatter(j, b)
        _swait(b)
        if j + DEPTH < NB:
            _gather(j + DEPTH, b)
    for b in range(3):
        _gwait(b)
        _scatter(76 + b, b)
        _swait(b)

    plsc.subcore_barrier()
    pltpu.sync_copy(tbl.at[pl.ds(s * RPS, RPS)], zbuf_v)
    pltpu.sync_copy(zbuf_v, out_hbm.at[c, pl.ds(s * RPS, RPS)])


def _tc_edges_body(e_ref, src_ref, dst_ref):
    src_ref[pl.ds(0, E)] = e_ref[0]
    dst_ref[pl.ds(0, E)] = e_ref[1]
    padv = jnp.full((EPAD,), PADN, jnp.int32)
    src_ref[pl.ds(E, EPAD)] = padv
    dst_ref[pl.ds(E, EPAD)] = padv


_tc_edges = pl.pallas_call(
    _tc_edges_body,
    out_shape=[
        jax.ShapeDtypeStruct((NW * NB * BB,), jnp.int32),
        jax.ShapeDtypeStruct((NW * NB * BB,), jnp.int32),
    ],
)


NF = NPAD * H // 128
FB = NF // 5
NFV = N * H // 128
FBV = NFV // 5


def _tc_matmul_body(x8_ref, w1_ref, hw_ref):
    w1 = w1_ref[...]
    blocks = [
        jnp.pad(w1, ((0, 0), (16 * k, 112 - 16 * k))) for k in range(8)
    ]
    w1big = jnp.concatenate(blocks, axis=0)
    hw_ref[pl.ds(0, NFV), :] = jnp.dot(x8_ref[...], w1big,
                                       preferred_element_type=jnp.float32)


_tc_matmul = pl.pallas_call(
    _tc_matmul_body,
    out_shape=jax.ShapeDtypeStruct((NF, 128), jnp.float32),
)


def _tc_scale_body(deg_ref, hw_ref, norm_ref, xs1_ref):
    nrm = lax.rsqrt(1.0 + deg_ref[0] + deg_ref[1])
    norm_ref[...] = nrm
    xs1_ref[...] = hw_ref[...] * nrm


_tc_scale = pl.pallas_call(
    _tc_scale_body,
    grid=(5,),
    in_specs=[
        pl.BlockSpec((NC, FB, 128), lambda j: (0, j, 0)),
        pl.BlockSpec((FB, 128), lambda j: (j, 0)),
    ],
    out_specs=[
        pl.BlockSpec((FB, 128), lambda j: (j, 0)),
        pl.BlockSpec((FB, 128), lambda j: (j, 0)),
    ],
    out_shape=[
        jax.ShapeDtypeStruct((NF, 128), jnp.float32),
        jax.ShapeDtypeStruct((NF, 128), jnp.float32),
    ],
)


def _tc_mid_body(agg_ref, xs1_ref, norm_ref, b1_ref, xs2_ref):
    nrm = norm_ref[...]
    tot = agg_ref[0] + agg_ref[1] + xs1_ref[...]
    pre = tot * nrm + b1_ref[...]
    xs2_ref[...] = jnp.maximum(pre, 0.0) * nrm


_tc_mid = pl.pallas_call(
    _tc_mid_body,
    grid=(5,),
    in_specs=[
        pl.BlockSpec((NC, FB, 128), lambda j: (0, j, 0)),
        pl.BlockSpec((FB, 128), lambda j: (j, 0)),
        pl.BlockSpec((FB, 128), lambda j: (j, 0)),
        pl.BlockSpec((1, 128), lambda j: (0, 0)),
    ],
    out_specs=pl.BlockSpec((FB, 128), lambda j: (j, 0)),
    out_shape=jax.ShapeDtypeStruct((NF, 128), jnp.float32),
)


def _tc_z_body(agg_ref, xs2_ref, norm_ref, z_ref):
    z_ref[...] = (agg_ref[0] + agg_ref[1] + xs2_ref[...]) * norm_ref[...]


_tc_z = pl.pallas_call(
    _tc_z_body,
    grid=(5,),
    in_specs=[
        pl.BlockSpec((NC, FB, 128), lambda j: (0, j, 0)),
        pl.BlockSpec((FB, 128), lambda j: (j, 0)),
        pl.BlockSpec((FB, 128), lambda j: (j, 0)),
    ],
    out_specs=pl.BlockSpec((FB, 128), lambda j: (j, 0)),
    out_shape=jax.ShapeDtypeStruct((NF, 128), jnp.float32),
)


def _tc_out_body(z_ref, w2_ref, b2_ref, out_ref):
    logits = jnp.dot(z_ref[...], w2_ref[...],
                     preferred_element_type=jnp.float32)
    logits = logits + b2_ref[...]
    m = jnp.max(logits, axis=1, keepdims=True)
    shifted = logits - m
    lse = jnp.log(jnp.sum(jnp.exp(shifted), axis=1, keepdims=True))
    out_ref[...] = (shifted - lse).T


_tc_out = pl.pallas_call(
    _tc_out_body,
    out_shape=jax.ShapeDtypeStruct((C, N), jnp.float32),
)


def kernel(x, edge_index, W1, b1, W2, b2):
    ones1 = jnp.ones((BB,), jnp.float32)
    z1 = jnp.zeros((RPS,), jnp.float32)
    z2 = jnp.zeros((RPS, H), jnp.float32)

    src1, dst1 = _tc_edges(edge_index)
    src3 = src1.reshape(NW, NB, BB)
    dst3 = dst1.reshape(NW, NB, BB)
    degp = _sc_degree(dst3, ones1, z1)
    hw = _tc_matmul(x.reshape(N // 8, 1024), W1)
    norm, xs1 = _tc_scale(degp.reshape(NC, NF, 128), hw)
    a1 = _sc_aggregate(xs1.reshape(NPAD, H), src3, dst3, z2)
    xs2 = _tc_mid(a1.reshape(NC, NF, 128), xs1, norm,
                  jnp.tile(b1, 8).reshape(1, 128))
    a2 = _sc_aggregate(xs2.reshape(NPAD, H), src3, dst3, z2)
    zf = _tc_z(a2.reshape(NC, NF, 128), xs2, norm)
    z16 = zf[0:NFV].reshape(N, H)
    return _tc_out(z16, W2, b2.reshape(1, C)).T

# --- scband reference (transcript-rebuilt; emitter-appended) ---
"""Pipeline reference for scband-gcn-10222022164973 (READ-ONLY COPY).

The authoritative reference and input builder live on the scoring server;
editing this copy changes nothing except your own understanding.
"""

import jax, jax.numpy as jnp
import numpy as np

N = 10000
E = 320000
F_IN = 128
H = 16
C = 100


def setup_inputs(seed: int = 0) -> dict:
    key = jax.random.key(seed)
    k1, k2, k3, k4 = jax.random.split(key, 4)
    x = jax.random.normal(k1, (N, F_IN), dtype=jnp.float32)
    edge_index = jax.random.randint(k2, (2, E), 0, N, dtype=jnp.int32)
    W1 = jax.random.normal(k3, (F_IN, H), dtype=jnp.float32) * (1.0 / np.sqrt(F_IN))
    b1 = jnp.zeros((H,), dtype=jnp.float32)
    W2 = jax.random.normal(k4, (H, C), dtype=jnp.float32) * (1.0 / np.sqrt(H))
    b2 = jnp.zeros((C,), dtype=jnp.float32)
    return {"x": x, "edge_index": edge_index, "W1": W1, "b1": b1, "W2": W2, "b2": b2}


def _gcn_conv(h, W, b, src, dst, norm, n):
    # GCNConv: linear transform, then symmetric-normalized scatter-add aggregation
    hw = h @ W
    coeff = (norm[src] * norm[dst])[:, None]
    msg = hw[src] * coeff
    out = jnp.zeros((n, W.shape[1]), dtype=hw.dtype).at[dst].add(msg)
    return out + b


def reference(x, edge_index, W1, b1, W2, b2):
    n = x.shape[0]
    loop = jnp.arange(n, dtype=edge_index.dtype)
    # add self-loops (A + I) as in adj_normalize(adj + sp.eye(N))
    src = jnp.concatenate([edge_index[0], loop])
    dst = jnp.concatenate([edge_index[1], loop])
    # symmetric degree normalization D^{-1/2} A D^{-1/2}
    deg = jnp.zeros((n,), dtype=jnp.float32).at[dst].add(1.0)
    norm = jax.lax.rsqrt(jnp.maximum(deg, 1.0))
    h = jax.nn.relu(_gcn_conv(x, W1, b1, src, dst, norm, n))
    # dropout is identity in eval mode
    h = _gcn_conv(h, W2, b2, src, dst, norm, n)
    return jax.nn.log_softmax(h, axis=1)

if __name__ == "__main__":
    import jax
    _d = setup_inputs()
    print(jax.jit(kernel)(*tuple(_d.values())))

</pallas_src>

<mosaic_0001>
#map = affine_map<(d0, d1) -> (0, 0, 0)>
#map1 = affine_map<(d0, d1) -> (0)>
module attributes {stable_mosaic.version = 14 : i64} {
  func.func @_sc_degree(%arg0: i32, %arg1: i32, %arg2: memref<32x79x128xi32, #tpu.memory_space<hbm>>, %arg3: memref<128xf32, #tpu.memory_space<hbm>>, %arg4: memref<640xf32, #tpu.memory_space<hbm>>, %arg5: memref<2x10240x16xf32, #tpu.memory_space<hbm>>, %arg6: memref<79x128xi32, #tpu.memory_space<vmem>>, %arg7: memref<128xf32, #tpu.memory_space<vmem>>, %arg8: memref<640xf32, #tpu.memory_space<vmem>>, %arg9: memref<640x16xf32, #tpu.memory_space<vmem>>, %arg10: memref<10240xf32, #tpu.memory_space<vmem_shared>>, %arg11: memref<!tpu.dma_semaphore, #tpu.memory_space<semaphore_mem>>, %arg12: memref<!tpu.dma_semaphore, #tpu.memory_space<semaphore_mem>>) attributes {dimension_semantics = [#tpu.dimension_semantics<core_parallel>, #tpu.dimension_semantics<subcore_parallel>], iteration_bounds = array<i64: 2, 16>, scalar_prefetch = 0 : i64, scratch_operands = 7 : i64, tpu.core_type = #tpu.core_type<sc_vector_subcore>, window_params = [{transform_indices = #map}, {transform_indices = #map1}, {transform_indices = #map1}, {transform_indices = #map}]} {
    %mul3A = arith.constant 16 : i32
    %mul3A_0 = arith.muli %arg0, %mul3A : i32
    %add3A = arith.addi %mul3A_0, %arg1 : i32
    %dma_start3A = arith.constant 0 : i32
    %dma_start3A_1 = arith.constant 0 : i32
    %dma_start3A_2 = tpu.memref_slice %arg2[%add3A, %dma_start3A, %dma_start3A_1] : memref<32x79x128xi32, #tpu.memory_space<hbm>> -> memref<1x79x128xi32, #tpu.memory_space<hbm>>
    %dma_start3A_3 = tpu.memref_squeeze %dma_start3A_2 : memref<1x79x128xi32, #tpu.memory_space<hbm>> -> memref<79x128xi32, #tpu.memory_space<hbm>>
    %dma_start3A_4 = arith.constant 0 : i32
    %dma_start3A_5 = arith.constant 0 : i32
    %dma_start3A_6 = tpu.memref_slice %arg2[%add3A, %dma_start3A_4, %dma_start3A_5] : memref<32x79x128xi32, #tpu.memory_space<hbm>> -> memref<1x79x128xi32, #tpu.memory_space<hbm>>
    %dma_start3A_7 = tpu.memref_squeeze %dma_start3A_6 : memref<1x79x128xi32, #tpu.memory_space<hbm>> -> memref<79x128xi32, #tpu.memory_space<hbm>>
    tpu.enqueue_dma source(%dma_start3A_7 : memref<79x128xi32, #tpu.memory_space<hbm>>) target(%arg6 : memref<79x128xi32, #tpu.memory_space<vmem>>) target_semaphore(%arg12 : memref<!tpu.dma_semaphore, #tpu.memory_space<semaphore_mem>>)
    "tpu.region"() ({
      %run_scoped3A = tpu.sem_alloc : memref<!tpu.dma_semaphore, #tpu.memory_space<semaphore_mem>>
      tpu.enqueue_dma source(%arg3 : memref<128xf32, #tpu.memory_space<hbm>>) target(%arg7 : memref<128xf32, #tpu.memory_space<vmem>>) target_semaphore(%run_scoped3A : memref<!tpu.dma_semaphore, #tpu.memory_space<semaphore_mem>>)
      tpu.wait_dma2 semaphore(%run_scoped3A : memref<!tpu.dma_semaphore, #tpu.memory_space<semaphore_mem>>) src(%arg3 : memref<128xf32, #tpu.memory_space<hbm>>) dst(%arg7 : memref<128xf32, #tpu.memory_space<vmem>>)
      tpu.yield
    }) : () -> ()
    "tpu.region"() ({
      %run_scoped3A = tpu.sem_alloc : memref<!tpu.dma_semaphore, #tpu.memory_space<semaphore_mem>>
      tpu.enqueue_dma source(%arg4 : memref<640xf32, #tpu.memory_space<hbm>>) target(%arg8 : memref<640xf32, #tpu.memory_space<vmem>>) target_semaphore(%run_scoped3A : memref<!tpu.dma_semaphore, #tpu.memory_space<semaphore_mem>>)
      tpu.wait_dma2 semaphore(%run_scoped3A : memref<!tpu.dma_semaphore, #tpu.memory_space<semaphore_mem>>) src(%arg4 : memref<640xf32, #tpu.memory_space<hbm>>) dst(%arg8 : memref<640xf32, #tpu.memory_space<vmem>>)
      tpu.yield
    }) : () -> ()
    %mul3A_8 = arith.constant 640 : i32
    %mul3A_9 = arith.muli %arg1, %mul3A_8 : i32
    "tpu.region"() ({
      %run_scoped3A = tpu.sem_alloc : memref<!tpu.dma_semaphore, #tpu.memory_space<semaphore_mem>>
      %dma_start3A_42 = tpu.memref_slice %arg10[%mul3A_9] : memref<10240xf32, #tpu.memory_space<vmem_shared>> -> memref<640xf32, #tpu.memory_space<vmem_shared>>
      %dma_start3A_43 = tpu.memref_slice %arg10[%mul3A_9] : memref<10240xf32, #tpu.memory_space<vmem_shared>> -> memref<640xf32, #tpu.memory_space<vmem_shared>>
      tpu.enqueue_dma source(%arg8 : memref<640xf32, #tpu.memory_space<vmem>>) target(%dma_start3A_43 : memref<640xf32, #tpu.memory_space<vmem_shared>>) target_semaphore(%run_scoped3A : memref<!tpu.dma_semaphore, #tpu.memory_space<semaphore_mem>>)
      %dma_wait3A_44 = tpu.memref_slice %arg10[%mul3A_9] : memref<10240xf32, #tpu.memory_space<vmem_shared>> -> memref<640xf32, #tpu.memory_space<vmem_shared>>
      %dma_wait3A_45 = tpu.memref_slice %arg10[%mul3A_9] : memref<10240xf32, #tpu.memory_space<vmem_shared>> -> memref<640xf32, #tpu.memory_space<vmem_shared>>
      tpu.wait_dma2 semaphore(%run_scoped3A : memref<!tpu.dma_semaphore, #tpu.memory_space<semaphore_mem>>) src(%arg8 : memref<640xf32, #tpu.memory_space<vmem>>) dst(%dma_wait3A_45 : memref<640xf32, #tpu.memory_space<vmem_shared>>)
      tpu.yield
    }) : () -> ()
    %dma_wait3A = arith.constant 0 : i32
    %dma_wait3A_10 = arith.constant 0 : i32
    %dma_wait3A_11 = tpu.memref_slice %arg2[%add3A, %dma_wait3A, %dma_wait3A_10] : memref<32x79x128xi32, #tpu.memory_space<hbm>> -> memref<1x79x128xi32, #tpu.memory_space<hbm>>
    %dma_wait3A_12 = tpu.memref_squeeze %dma_wait3A_11 : memref<1x79x128xi32, #tpu.memory_space<hbm>> -> memref<79x128xi32, #tpu.memory_space<hbm>>
    %dma_wait3A_13 = arith.constant 0 : i32
    %dma_wait3A_14 = arith.constant 0 : i32
    %dma_wait3A_15 = tpu.memref_slice %arg2[%add3A, %dma_wait3A_13, %dma_wait3A_14] : memref<32x79x128xi32, #tpu.memory_space<hbm>> -> memref<1x79x128xi32, #tpu.memory_space<hbm>>
    %dma_wait3A_16 = tpu.memref_squeeze %dma_wait3A_15 : memref<1x79x128xi32, #tpu.memory_space<hbm>> -> memref<79x128xi32, #tpu.memory_space<hbm>>
    tpu.wait_dma2 semaphore(%arg12 : memref<!tpu.dma_semaphore, #tpu.memory_space<semaphore_mem>>) src(%dma_wait3A_16 : memref<79x128xi32, #tpu.memory_space<hbm>>) dst(%arg6 : memref<79x128xi32, #tpu.memory_space<vmem>>)
    %barrier3A = arith.constant 0 : index
    tpu.barrier barrier_id(%barrier3A)
    %scan3A = arith.constant 0 : i32
    %scan3A_17 = arith.constant 0 : i32
    %scan3A_18 = arith.constant 79 : i32
    %scan3A_19 = arith.addi %scan3A_17, %scan3A_18 : i32
    %scan3A_20 = arith.constant 1 : i32
    %scan3A_21 = scf.for %scan3A_42 = %scan3A_17 to %scan3A_19 step %scan3A_20 iter_args(%scan3A_43 = %scan3A) -> (i32)  : i32 {
      %dma_start3A_44 = arith.constant 0 : i32
      %dma_start3A_45 = tpu.memref_slice %arg6[%scan3A_42, %dma_start3A_44] : memref<79x128xi32, #tpu.memory_space<vmem>> -> memref<1x128xi32, #tpu.memory_space<vmem>>
      %dma_start3A_46 = tpu.memref_squeeze %dma_start3A_45 : memref<1x128xi32, #tpu.memory_space<vmem>> -> memref<128xi32, #tpu.memory_space<vmem>>
      %dma_start3A_47 = arith.constant 0 : i32
      %dma_start3A_48 = tpu.memref_slice %arg10[%dma_start3A_47] : memref<10240xf32, #tpu.memory_space<vmem_shared>> -> memref<10240xf32, #tpu.memory_space<vmem_shared>>
      tpu.enqueue_indirect_dma source(%arg7 : memref<128xf32, #tpu.memory_space<vmem>>) target(%dma_start3A_48 : memref<10240xf32, #tpu.memory_space<vmem_shared>>) offsets(%dma_start3A_46 : memref<128xi32, #tpu.memory_space<vmem>>) semaphore(%arg11 : memref<!tpu.dma_semaphore, #tpu.memory_space<semaphore_mem>>) {add = true}
      %scan3A_49 = arith.constant 0 : i32
      scf.yield %scan3A_49 : i32
    }
    %scan3A_22 = arith.constant 79 : i32
    %scan3A_23 = arith.constant 0 : i32
    %scan3A_24 = arith.constant 0 : i32
    %scan3A_25 = arith.constant 79 : i32
    %scan3A_26 = arith.addi %scan3A_24, %scan3A_25 : i32
    %scan3A_27 = arith.constant 1 : i32
    %scan3A_28 = scf.for %scan3A_42 = %scan3A_24 to %scan3A_26 step %scan3A_27 iter_args(%scan3A_43 = %scan3A_23) -> (i32)  : i32 {
      %dma_wait3A_44 = arith.constant 0 : i32
      %dma_wait3A_45 = arith.constant 0 : i32
      %dma_wait3A_46 = tpu.memref_slice %arg6[%dma_wait3A_44, %dma_wait3A_45] : memref<79x128xi32, #tpu.memory_space<vmem>> -> memref<1x128xi32, #tpu.memory_space<vmem>>
      %dma_wait3A_47 = tpu.memref_squeeze %dma_wait3A_46 : memref<1x128xi32, #tpu.memory_space<vmem>> -> memref<128xi32, #tpu.memory_space<vmem>>
      %dma_wait3A_48 = arith.constant 0 : i32
      %dma_wait3A_49 = tpu.memref_slice %arg10[%dma_wait3A_48] : memref<10240xf32, #tpu.memory_space<vmem_shared>> -> memref<10240xf32, #tpu.memory_space<vmem_shared>>
      tpu.wait_indirect_dma semaphore(%arg11 : memref<!tpu.dma_semaphore, #tpu.memory_space<semaphore_mem>>) src(%arg7 : memref<128xf32, #tpu.memory_space<vmem>>) dst(%dma_wait3A_49 : memref<10240xf32, #tpu.memory_space<vmem_shared>>)
      %scan3A_50 = arith.constant 0 : i32
      scf.yield %scan3A_50 : i32
    }
    %scan3A_29 = arith.constant 79 : i32
    %barrier3A_30 = arith.constant 0 : index
    tpu.barrier barrier_id(%barrier3A_30)
    %mul3A_31 = arith.constant 640 : i32
    %mul3A_32 = arith.muli %arg1, %mul3A_31 : i32
    "tpu.region"() ({
      %run_scoped3A = tpu.sem_alloc : memref<!tpu.dma_semaphore, #tpu.memory_space<semaphore_mem>>
      %dma_start3A_42 = tpu.memref_slice %arg10[%mul3A_32] : memref<10240xf32, #tpu.memory_space<vmem_shared>> -> memref<640xf32, #tpu.memory_space<vmem_shared>>
      %dma_start3A_43 = tpu.memref_slice %arg10[%mul3A_32] : memref<10240xf32, #tpu.memory_space<vmem_shared>> -> memref<640xf32, #tpu.memory_space<vmem_shared>>
      tpu.enqueue_dma source(%dma_start3A_43 : memref<640xf32, #tpu.memory_space<vmem_shared>>) target(%arg8 : memref<640xf32, #tpu.memory_space<vmem>>) target_semaphore(%run_scoped3A : memref<!tpu.dma_semaphore, #tpu.memory_space<semaphore_mem>>)
      %dma_wait3A_44 = tpu.memref_slice %arg10[%mul3A_32] : memref<10240xf32, #tpu.memory_space<vmem_shared>> -> memref<640xf32, #tpu.memory_space<vmem_shared>>
      %dma_wait3A_45 = tpu.memref_slice %arg10[%mul3A_32] : memref<10240xf32, #tpu.memory_space<vmem_shared>> -> memref<640xf32, #tpu.memory_space<vmem_shared>>
      tpu.wait_dma2 semaphore(%run_scoped3A : memref<!tpu.dma_semaphore, #tpu.memory_space<semaphore_mem>>) src(%dma_wait3A_45 : memref<640xf32, #tpu.memory_space<vmem_shared>>) dst(%arg8 : memref<640xf32, #tpu.memory_space<vmem>>)
      tpu.yield
    }) : () -> ()
    %scan3A_33 = arith.constant 0 : i32
    %scan3A_34 = arith.constant 0 : i32
    %scan3A_35 = arith.constant 40 : i32
    %scan3A_36 = arith.addi %scan3A_34, %scan3A_35 : i32
    %scan3A_37 = arith.constant 1 : i32
    %scan3A_38 = scf.for %scan3A_42 = %scan3A_34 to %scan3A_36 step %scan3A_37 iter_args(%scan3A_43 = %scan3A_33) -> (i32)  : i32 {
      %mul3A_44 = arith.constant 16 : i32
      %mul3A_45 = arith.muli %scan3A_42, %mul3A_44 : i32
      %get3A = arith.index_cast %mul3A_45 : i32 to index
      %get3A_46 = tpu.vector_load %arg8[%get3A] {strides = array<i32>} : memref<640xf32, #tpu.memory_space<vmem>>, vector<16xf32>,
      %get3A_47 = vector.shape_cast %get3A_46 : vector<16xf32> to vector<16xf32>
      %slice3A = vector.extract_strided_slice %get3A_47 {offsets = [0], sizes = [1], strides = [1]} : vector<16xf32> to vector<1xf32>
      %squeeze3A = vector.extract %slice3A[0] : f32 from vector<1xf32>
      %broadcast_in_dim3A = vector.broadcast %squeeze3A : f32 to vector<16xf32>
      %mul3A_48 = arith.constant 16 : i32
      %mul3A_49 = arith.muli %scan3A_42, %mul3A_48 : i32
      %add3A_50 = arith.constant 0 : i32
      %add3A_51 = arith.addi %mul3A_49, %add3A_50 : i32
      %swap3A = arith.index_cast %add3A_51 : i32 to index
      %swap3A_52 = arith.constant 0 : index
      %swap3A_53 = tpu.vector_load %arg9[%swap3A, %swap3A_52] {strides = array<i32>} : memref<640x16xf32, #tpu.memory_space<vmem>>, vector<1x16xf32>,
      %swap3A_54 = vector.shape_cast %swap3A_53 : vector<1x16xf32> to vector<16xf32>
      %swap3A_55 = vector.shape_cast %broadcast_in_dim3A : vector<16xf32> to vector<1x16xf32>
      tpu.vector_store %arg9[%swap3A, %swap3A_52], %swap3A_55 {strides = array<i32>} : memref<640x16xf32, #tpu.memory_space<vmem>>, vector<1x16xf32>,
      %slice3A_56 = vector.extract_strided_slice %get3A_47 {offsets = [1], sizes = [1], strides = [1]} : vector<16xf32> to vector<1xf32>
      %squeeze3A_57 = vector.extract %slice3A_56[0] : f32 from vector<1xf32>
      %broadcast_in_dim3A_58 = vector.broadcast %squeeze3A_57 : f32 to vector<16xf32>
      %mul3A_59 = arith.constant 16 : i32
      %mul3A_60 = arith.muli %scan3A_42, %mul3A_59 : i32
      %add3A_61 = arith.constant 1 : i32
      %add3A_62 = arith.addi %mul3A_60, %add3A_61 : i32
      %swap3A_63 = arith.index_cast %add3A_62 : i32 to index
      %swap3A_64 = arith.constant 0 : index
      %swap3A_65 = tpu.vector_load %arg9[%swap3A_63, %swap3A_64] {strides = array<i32>} : memref<640x16xf32, #tpu.memory_space<vmem>>, vector<1x16xf32>,
      %swap3A_66 = vector.shape_cast %swap3A_65 : vector<1x16xf32> to vector<16xf32>
      %swap3A_67 = vector.shape_cast %broadcast_in_dim3A_58 : vector<16xf32> to vector<1x16xf32>
      tpu.vector_store %arg9[%swap3A_63, %swap3A_64], %swap3A_67 {strides = array<i32>} : memref<640x16xf32, #tpu.memory_space<vmem>>, vector<1x16xf32>,
      %slice3A_68 = vector.extract_strided_slice %get3A_47 {offsets = [2], sizes = [1], strides = [1]} : vector<16xf32> to vector<1xf32>
      %squeeze3A_69 = vector.extract %slice3A_68[0] : f32 from vector<1xf32>
      %broadcast_in_dim3A_70 = vector.broadcast %squeeze3A_69 : f32 to vector<16xf32>
      %mul3A_71 = arith.constant 16 : i32
      %mul3A_72 = arith.muli %scan3A_42, %mul3A_71 : i32
      %add3A_73 = arith.constant 2 : i32
      %add3A_74 = arith.addi %mul3A_72, %add3A_73 : i32
      %swap3A_75 = arith.index_cast %add3A_74 : i32 to index
      %swap3A_76 = arith.constant 0 : index
      %swap3A_77 = tpu.vector_load %arg9[%swap3A_75, %swap3A_76] {strides = array<i32>} : memref<640x16xf32, #tpu.memory_space<vmem>>, vector<1x16xf32>,
      %swap3A_78 = vector.shape_cast %swap3A_77 : vector<1x16xf32> to vector<16xf32>
      %swap3A_79 = vector.shape_cast %broadcast_in_dim3A_70 : vector<16xf32> to vector<1x16xf32>
      tpu.vector_store %arg9[%swap3A_75, %swap3A_76], %swap3A_79 {strides = array<i32>} : memref<640x16xf32, #tpu.memory_space<vmem>>, vector<1x16xf32>,
      %slice3A_80 = vector.extract_strided_slice %get3A_47 {offsets = [3], sizes = [1], strides = [1]} : vector<16xf32> to vector<1xf32>
      %squeeze3A_81 = vector.extract %slice3A_80[0] : f32 from vector<1xf32>
      %broadcast_in_dim3A_82 = vector.broadcast %squeeze3A_81 : f32 to vector<16xf32>
      %mul3A_83 = arith.constant 16 : i32
      %mul3A_84 = arith.muli %scan3A_42, %mul3A_83 : i32
      %add3A_85 = arith.constant 3 : i32
      %add3A_86 = arith.addi %mul3A_84, %add3A_85 : i32
      %swap3A_87 = arith.index_cast %add3A_86 : i32 to index
      %swap3A_88 = arith.constant 0 : index
      %swap3A_89 = tpu.vector_load %arg9[%swap3A_87, %swap3A_88] {strides = array<i32>} : memref<640x16xf32, #tpu.memory_space<vmem>>, vector<1x16xf32>,
      %swap3A_90 = vector.shape_cast %swap3A_89 : vector<1x16xf32> to vector<16xf32>
      %swap3A_91 = vector.shape_cast %broadcast_in_dim3A_82 : vector<16xf32> to vector<1x16xf32>
      tpu.vector_store %arg9[%swap3A_87, %swap3A_88], %swap3A_91 {strides = array<i32>} : memref<640x16xf32, #tpu.memory_space<vmem>>, vector<1x16xf32>,
      %slice3A_92 = vector.extract_strided_slice %get3A_47 {offsets = [4], sizes = [1], strides = [1]} : vector<16xf32> to vector<1xf32>
      %squeeze3A_93 = vector.extract %slice3A_92[0] : f32 from vector<1xf32>
      %broadcast_in_dim3A_94 = vector.broadcast %squeeze3A_93 : f32 to vector<16xf32>
      %mul3A_95 = arith.constant 16 : i32
      %mul3A_96 = arith.muli %scan3A_42, %mul3A_95 : i32
      %add3A_97 = arith.constant 4 : i32
      %add3A_98 = arith.addi %mul3A_96, %add3A_97 : i32
      %swap3A_99 = arith.index_cast %add3A_98 : i32 to index
      %swap3A_100 = arith.constant 0 : index
      %swap3A_101 = tpu.vector_load %arg9[%swap3A_99, %swap3A_100] {strides = array<i32>} : memref<640x16xf32, #tpu.memory_space<vmem>>, vector<1x16xf32>,
      %swap3A_102 = vector.shape_cast %swap3A_101 : vector<1x16xf32> to vector<16xf32>
      %swap3A_103 = vector.shape_cast %broadcast_in_dim3A_94 : vector<16xf32> to vector<1x16xf32>
      tpu.vector_store %arg9[%swap3A_99, %swap3A_100], %swap3A_103 {strides = array<i32>} : memref<640x16xf32, #tpu.memory_space<vmem>>, vector<1x16xf32>,
      %slice3A_104 = vector.extract_strided_slice %get3A_47 {offsets = [5], sizes = [1], strides = [1]} : vector<16xf32> to vector<1xf32>
      %squeeze3A_105 = vector.extract %slice3A_104[0] : f32 from vector<1xf32>
      %broadcast_in_dim3A_106 = vector.broadcast %squeeze3A_105 : f32 to vector<16xf32>
      %mul3A_107 = arith.constant 16 : i32
      %mul3A_108 = arith.muli %scan3A_42, %mul3A_107 : i32
      %add3A_109 = arith.constant 5 : i32
      %add3A_110 = arith.addi %mul3A_108, %add3A_109 : i32
      %swap3A_111 = arith.index_cast %add3A_110 : i32 to index
      %swap3A_112 = arith.constant 0 : index
      %swap3A_113 = tpu.vector_load %arg9[%swap3A_111, %swap3A_112] {strides = array<i32>} : memref<640x16xf32, #tpu.memory_space<vmem>>, vector<1x16xf32>,
      %swap3A_114 = vector.shape_cast %swap3A_113 : vector<1x16xf32> to vector<16xf32>
      %swap3A_115 = vector.shape_cast %broadcast_in_dim3A_106 : vector<16xf32> to vector<1x16xf32>
      tpu.vector_store %arg9[%swap3A_111, %swap3A_112], %swap3A_115 {strides = array<i32>} : memref<640x16xf32, #tpu.memory_space<vmem>>, vector<1x16xf32>,
      %slice3A_116 = vector.extract_strided_slice %get3A_47 {offsets = [6], sizes = [1], strides = [1]} : vector<16xf32> to vector<1xf32>
      %squeeze3A_117 = vector.extract %slice3A_116[0] : f32 from vector<1xf32>
      %broadcast_in_dim3A_118 = vector.broadcast %squeeze3A_117 : f32 to vector<16xf32>
      %mul3A_119 = arith.constant 16 : i32
      %mul3A_120 = arith.muli %scan3A_42, %mul3A_119 : i32
      %add3A_121 = arith.constant 6 : i32
      %add3A_122 = arith.addi %mul3A_120, %add3A_121 : i32
      %swap3A_123 = arith.index_cast %add3A_122 : i32 to index
      %swap3A_124 = arith.constant 0 : index
      %swap3A_125 = tpu.vector_load %arg9[%swap3A_123, %swap3A_124] {strides = array<i32>} : memref<640x16xf32, #tpu.memory_space<vmem>>, vector<1x16xf32>,
      %swap3A_126 = vector.shape_cast %swap3A_125 : vector<1x16xf32> to vector<16xf32>
      %swap3A_127 = vector.shape_cast %broadcast_in_dim3A_118 : vector<16xf32> to vector<1x16xf32>
      tpu.vector_store %arg9[%swap3A_123, %swap3A_124], %swap3A_127 {strides = array<i32>} : memref<640x16xf32, #tpu.memory_space<vmem>>, vector<1x16xf32>,
      %slice3A_128 = vector.extract_strided_slice %get3A_47 {offsets = [7], sizes = [1], strides = [1]} : vector<16xf32> to vector<1xf32>
      %squeeze3A_129 = vector.extract %slice3A_128[0] : f32 from vector<1xf32>
      %broadcast_in_dim3A_130 = vector.broadcast %squeeze3A_129 : f32 to vector<16xf32>
      %mul3A_131 = arith.constant 16 : i32
      %mul3A_132 = arith.muli %scan3A_42, %mul3A_131 : i32
      %add3A_133 = arith.constant 7 : i32
      %add3A_134 = arith.addi %mul3A_132, %add3A_133 : i32
      %swap3A_135 = arith.index_cast %add3A_134 : i32 to index
      %swap3A_136 = arith.constant 0 : index
      %swap3A_137 = tpu.vector_load %arg9[%swap3A_135, %swap3A_136] {strides = array<i32>} : memref<640x16xf32, #tpu.memory_space<vmem>>, vector<1x16xf32>,
      %swap3A_138 = vector.shape_cast %swap3A_137 : vector<1x16xf32> to vector<16xf32>
      %swap3A_139 = vector.shape_cast %broadcast_in_dim3A_130 : vector<16xf32> to vector<1x16xf32>
      tpu.vector_store %arg9[%swap3A_135, %swap3A_136], %swap3A_139 {strides = array<i32>} : memref<640x16xf32, #tpu.memory_space<vmem>>, vector<1x16xf32>,
      %slice3A_140 = vector.extract_strided_slice %get3A_47 {offsets = [8], sizes = [1], strides = [1]} : vector<16xf32> to vector<1xf32>
      %squeeze3A_141 = vector.extract %slice3A_140[0] : f32 from vector<1xf32>
      %broadcast_in_dim3A_142 = vector.broadcast %squeeze3A_141 : f32 to vector<16xf32>
      %mul3A_143 = arith.constant 16 : i32
      %mul3A_144 = arith.muli %scan3A_42, %mul3A_143 : i32
      %add3A_145 = arith.constant 8 : i32
      %add3A_146 = arith.addi %mul3A_144, %add3A_145 : i32
      %swap3A_147 = arith.index_cast %add3A_146 : i32 to index
      %swap3A_148 = arith.constant 0 : index
      %swap3A_149 = tpu.vector_load %arg9[%swap3A_147, %swap3A_148] {strides = array<i32>} : memref<640x16xf32, #tpu.memory_space<vmem>>, vector<1x16xf32>,
      %swap3A_150 = vector.shape_cast %swap3A_149 : vector<1x16xf32> to vector<16xf32>
      %swap3A_151 = vector.shape_cast %broadcast_in_dim3A_142 : vector<16xf32> to vector<1x16xf32>
      tpu.vector_store %arg9[%swap3A_147, %swap3A_148], %swap3A_151 {strides = array<i32>} : memref<640x16xf32, #tpu.memory_space<vmem>>, vector<1x16xf32>,
      %slice3A_152 = vector.extract_strided_slice %get3A_47 {offsets = [9], sizes = [1], strides = [1]} : vector<16xf32> to vector<1xf32>
      %squeeze3A_153 = vector.extract %slice3A_152[0] : f32 from vector<1xf32>
      %broadcast_in_dim3A_154 = vector.broadcast %squeeze3A_153 : f32 to vector<16xf32>
      %mul3A_155 = arith.constant 16 : i32
      %mul3A_156 = arith.muli %scan3A_42, %mul3A_155 : i32
      %add3A_157 = arith.constant 9 : i32
      %add3A_158 = arith.addi %mul3A_156, %add3A_157 : i32
      %swap3A_159 = arith.index_cast %add3A_158 : i32 to index
      %swap3A_160 = arith.constant 0 : index
      %swap3A_161 = tpu.vector_load %arg9[%swap3A_159, %swap3A_160] {strides = array<i32>} : memref<640x16xf32, #tpu.memory_space<vmem>>, vector<1x16xf32>,
      %swap3A_162 = vector.shape_cast %swap3A_161 : vector<1x16xf32> to vector<16xf32>
      %swap3A_163 = vector.shape_cast %broadcast_in_dim3A_154 : vector<16xf32> to vector<1x16xf32>
      tpu.vector_store %arg9[%swap3A_159, %swap3A_160], %swap3A_163 {strides = array<i32>} : memref<640x16xf32, #tpu.memory_space<vmem>>, vector<1x16xf32>,
      %slice3A_164 = vector.extract_strided_slice %get3A_47 {offsets = [10], sizes = [1], strides = [1]} : vector<16xf32> to vector<1xf32>
      %squeeze3A_165 = vector.extract %slice3A_164[0] : f32 from vector<1xf32>
      %broadcast_in_dim3A_166 = vector.broadcast %squeeze3A_165 : f32 to vector<16xf32>
      %mul3A_167 = arith.constant 16 : i32
      %mul3A_168 = arith.muli %scan3A_42, %mul3A_167 : i32
      %add3A_169 = arith.constant 10 : i32
      %add3A_170 = arith.addi %mul3A_168, %add3A_169 : i32
      %swap3A_171 = arith.index_cast %add3A_170 : i32 to index
      %swap3A_172 = arith.constant 0 : index
      %swap3A_173 = tpu.vector_load %arg9[%swap3A_171, %swap3A_172] {strides = array<i32>} : memref<640x16xf32, #tpu.memory_space<vmem>>, vector<1x16xf32>,
      %swap3A_174 = vector.shape_cast %swap3A_173 : vector<1x16xf32> to vector<16xf32>
      %swap3A_175 = vector.shape_cast %broadcast_in_dim3A_166 : vector<16xf32> to vector<1x16xf32>
      tpu.vector_store %arg9[%swap3A_171, %swap3A_172], %swap3A_175 {strides = array<i32>} : memref<640x16xf32, #tpu.memory_space<vmem>>, vector<1x16xf32>,
      %slice3A_176 = vector.extract_strided_slice %get3A_47 {offsets = [11], sizes = [1], strides = [1]} : vector<16xf32> to vector<1xf32>
      %squeeze3A_177 = vector.extract %slice3A_176[0] : f32 from vector<1xf32>
      %broadcast_in_dim3A_178 = vector.broadcast %squeeze3A_177 : f32 to vector<16xf32>
      %mul3A_179 = arith.constant 16 : i32
      %mul3A_180 = arith.muli %scan3A_42, %mul3A_179 : i32
      %add3A_181 = arith.constant 11 : i32
      %add3A_182 = arith.addi %mul3A_180, %add3A_181 : i32
      %swap3A_183 = arith.index_cast %add3A_182 : i32 to index
      %swap3A_184 = arith.constant 0 : index
      %swap3A_185 = tpu.vector_load %arg9[%swap3A_183, %swap3A_184] {strides = array<i32>} : memref<640x16xf32, #tpu.memory_space<vmem>>, vector<1x16xf32>,
      %swap3A_186 = vector.shape_cast %swap3A_185 : vector<1x16xf32> to vector<16xf32>
      %swap3A_187 = vector.shape_cast %broadcast_in_dim3A_178 : vector<16xf32> to vector<1x16xf32>
      tpu.vector_store %arg9[%swap3A_183, %swap3A_184], %swap3A_187 {strides = array<i32>} : memref<640x16xf32, #tpu.memory_space<vmem>>, vector<1x16xf32>,
      %slice3A_188 = vector.extract_strided_slice %get3A_47 {offsets = [12], sizes = [1], strides = [1]} : vector<16xf32> to vector<1xf32>
      %squeeze3A_189 = vector.extract %slice3A_188[0] : f32 from vector<1xf32>
      %broadcast_in_dim3A_190 = vector.broadcast %squeeze3A_189 : f32 to vector<16xf32>
      %mul3A_191 = arith.constant 16 : i32
      %mul3A_192 = arith.muli %scan3A_42, %mul3A_191 : i32
      %add3A_193 = arith.constant 12 : i32
      %add3A_194 = arith.addi %mul3A_192, %add3A_193 : i32
      %swap3A_195 = arith.index_cast %add3A_194 : i32 to index
      %swap3A_196 = arith.constant 0 : index
      %swap3A_197 = tpu.vector_load %arg9[%swap3A_195, %swap3A_196] {strides = array<i32>} : memref<640x16xf32, #tpu.memory_space<vmem>>, vector<1x16xf32>,
      %swap3A_198 = vector.shape_cast %swap3A_197 : vector<1x16xf32> to vector<16xf32>
      %swap3A_199 = vector.shape_cast %broadcast_in_dim3A_190 : vector<16xf32> to vector<1x16xf32>
      tpu.vector_store %arg9[%swap3A_195, %swap3A_196], %swap3A_199 {strides = array<i32>} : memref<640x16xf32, #tpu.memory_space<vmem>>, vector<1x16xf32>,
      %slice3A_200 = vector.extract_strided_slice %get3A_47 {offsets = [13], sizes = [1], strides = [1]} : vector<16xf32> to vector<1xf32>
      %squeeze3A_201 = vector.extract %slice3A_200[0] : f32 from vector<1xf32>
      %broadcast_in_dim3A_202 = vector.broadcast %squeeze3A_201 : f32 to vector<16xf32>
      %mul3A_203 = arith.constant 16 : i32
      %mul3A_204 = arith.muli %scan3A_42, %mul3A_203 : i32
      %add3A_205 = arith.constant 13 : i32
      %add3A_206 = arith.addi %mul3A_204, %add3A_205 : i32
      %swap3A_207 = arith.index_cast %add3A_206 : i32 to index
      %swap3A_208 = arith.constant 0 : index
      %swap3A_209 = tpu.vector_load %arg9[%swap3A_207, %swap3A_208] {strides = array<i32>} : memref<640x16xf32, #tpu.memory_space<vmem>>, vector<1x16xf32>,
      %swap3A_210 = vector.shape_cast %swap3A_209 : vector<1x16xf32> to vector<16xf32>
      %swap3A_211 = vector.shape_cast %broadcast_in_dim3A_202 : vector<16xf32> to vector<1x16xf32>
      tpu.vector_store %arg9[%swap3A_207, %swap3A_208], %swap3A_211 {strides = array<i32>} : memref<640x16xf32, #tpu.memory_space<vmem>>, vector<1x16xf32>,
      %slice3A_212 = vector.extract_strided_slice %get3A_47 {offsets = [14], sizes = [1], strides = [1]} : vector<16xf32> to vector<1xf32>
      %squeeze3A_213 = vector.extract %slice3A_212[0] : f32 from vector<1xf32>
      %broadcast_in_dim3A_214 = vector.broadcast %squeeze3A_213 : f32 to vector<16xf32>
      %mul3A_215 = arith.constant 16 : i32
      %mul3A_216 = arith.muli %scan3A_42, %mul3A_215 : i32
      %add3A_217 = arith.constant 14 : i32
      %add3A_218 = arith.addi %mul3A_216, %add3A_217 : i32
      %swap3A_219 = arith.index_cast %add3A_218 : i32 to index
      %swap3A_220 = arith.constant 0 : index
      %swap3A_221 = tpu.vector_load %arg9[%swap3A_219, %swap3A_220] {strides = array<i32>} : memref<640x16xf32, #tpu.memory_space<vmem>>, vector<1x16xf32>,
      %swap3A_222 = vector.shape_cast %swap3A_221 : vector<1x16xf32> to vector<16xf32>
      %swap3A_223 = vector.shape_cast %broadcast_in_dim3A_214 : vector<16xf32> to vector<1x16xf32>
      tpu.vector_store %arg9[%swap3A_219, %swap3A_220], %swap3A_223 {strides = array<i32>} : memref<640x16xf32, #tpu.memory_space<vmem>>, vector<1x16xf32>,
      %slice3A_224 = vector.extract_strided_slice %get3A_47 {offsets = [15], sizes = [1], strides = [1]} : vector<16xf32> to vector<1xf32>
      %squeeze3A_225 = vector.extract %slice3A_224[0] : f32 from vector<1xf32>
      %broadcast_in_dim3A_226 = vector.broadcast %squeeze3A_225 : f32 to vector<16xf32>
      %mul3A_227 = arith.constant 16 : i32
      %mul3A_228 = arith.muli %scan3A_42, %mul3A_227 : i32
      %add3A_229 = arith.constant 15 : i32
      %add3A_230 = arith.addi %mul3A_228, %add3A_229 : i32
      %swap3A_231 = arith.index_cast %add3A_230 : i32 to index
      %swap3A_232 = arith.constant 0 : index
      %swap3A_233 = tpu.vector_load %arg9[%swap3A_231, %swap3A_232] {strides = array<i32>} : memref<640x16xf32, #tpu.memory_space<vmem>>, vector<1x16xf32>,
      %swap3A_234 = vector.shape_cast %swap3A_233 : vector<1x16xf32> to vector<16xf32>
      %swap3A_235 = vector.shape_cast %broadcast_in_dim3A_226 : vector<16xf32> to vector<1x16xf32>
      tpu.vector_store %arg9[%swap3A_231, %swap3A_232], %swap3A_235 {strides = array<i32>} : memref<640x16xf32, #tpu.memory_space<vmem>>, vector<1x16xf32>,
      %scan3A_236 = arith.constant 0 : i32
      scf.yield %scan3A_236 : i32
    }
    %scan3A_39 = arith.constant 40 : i32
    %mul3A_40 = arith.constant 640 : i32
    %mul3A_41 = arith.muli %arg1, %mul3A_40 : i32
    "tpu.region"() ({
      %run_scoped3A = tpu.sem_alloc : memref<!tpu.dma_semaphore, #tpu.memory_space<semaphore_mem>>
      %dma_start3A_42 = arith.constant 0 : i32
      %dma_start3A_43 = tpu.memref_slice %arg5[%arg0, %mul3A_41, %dma_start3A_42] : memref<2x10240x16xf32, #tpu.memory_space<hbm>> -> memref<1x640x16xf32, #tpu.memory_space<hbm>>
      %dma_start3A_44 = tpu.memref_squeeze %dma_start3A_43 : memref<1x640x16xf32, #tpu.memory_space<hbm>> -> memref<640x16xf32, #tpu.memory_space<hbm>>
      %dma_start3A_45 = arith.constant 0 : i32
      %dma_start3A_46 = tpu.memref_slice %arg5[%arg0, %mul3A_41, %dma_start3A_45] : memref<2x10240x16xf32, #tpu.memory_space<hbm>> -> memref<1x640x16xf32, #tpu.memory_space<hbm>>
      %dma_start3A_47 = tpu.memref_squeeze %dma_start3A_46 : memref<1x640x16xf32, #tpu.memory_space<hbm>> -> memref<640x16xf32, #tpu.memory_space<hbm>>
      tpu.enqueue_dma source(%arg9 : memref<640x16xf32, #tpu.memory_space<vmem>>) target(%dma_start3A_47 : memref<640x16xf32, #tpu.memory_space<hbm>>) target_semaphore(%run_scoped3A : memref<!tpu.dma_semaphore, #tpu.memory_space<semaphore_mem>>)
      %dma_wait3A_48 = arith.constant 0 : i32
      %dma_wait3A_49 = tpu.memref_slice %arg5[%arg0, %mul3A_41, %dma_wait3A_48] : memref<2x10240x16xf32, #tpu.memory_space<hbm>> -> memref<1x640x16xf32, #tpu.memory_space<hbm>>
      %dma_wait3A_50 = tpu.memref_squeeze %dma_wait3A_49 : memref<1x640x16xf32, #tpu.memory_space<hbm>> -> memref<640x16xf32, #tpu.memory_space<hbm>>
      %dma_wait3A_51 = arith.constant 0 : i32
      %dma_wait3A_52 = tpu.memref_slice %arg5[%arg0, %mul3A_41, %dma_wait3A_51] : memref<2x10240x16xf32, #tpu.memory_space<hbm>> -> memref<1x640x16xf32, #tpu.memory_space<hbm>>
      %dma_wait3A_53 = tpu.memref_squeeze %dma_wait3A_52 : memref<1x640x16xf32, #tpu.memory_space<hbm>> -> memref<640x16xf32, #tpu.memory_space<hbm>>
      tpu.wait_dma2 semaphore(%run_scoped3A : memref<!tpu.dma_semaphore, #tpu.memory_space<semaphore_mem>>) src(%arg9 : memref<640x16xf32, #tpu.memory_space<vmem>>) dst(%dma_wait3A_53 : memref<640x16xf32, #tpu.memory_space<hbm>>)
      tpu.yield
    }) : () -> ()
    return
  }
}

#map = affine_map<(d0, d1) -> (0, 0)>
#map1 = affine_map<(d0, d1) -> (0, 0, 0)>
module attributes {stable_mosaic.version = 14 : i64} {
  func.func @_sc_aggregate(%arg0: i32, %arg1: i32, %arg2: memref<10240x16xf32, #tpu.memory_space<hbm>>, %arg3: memref<32x79x128xi32, #tpu.memory_space<hbm>>, %arg4: memref<32x79x128xi32, #tpu.memory_space<hbm>>, %arg5: memref<640x16xf32, #tpu.memory_space<hbm>>, %arg6: memref<2x10240x16xf32, #tpu.memory_space<hbm>>, %arg7: memref<79x128xi32, #tpu.memory_space<vmem>>, %arg8: memref<79x128xi32, #tpu.memory_space<vmem>>, %arg9: memref<4x128x16xf32, #tpu.memory_space<vmem>>, %arg10: memref<640x16xf32, #tpu.memory_space<vmem>>, %arg11: memref<640x16xf32, #tpu.memory_space<vmem>>, %arg12: memref<10240x16xf32, #tpu.memory_space<vmem_shared>>, %arg13: memref<10240x16xf32, #tpu.memory_space<vmem_shared>>, %arg14: memref<!tpu.dma_semaphore, #tpu.memory_space<semaphore_mem>>, %arg15: memref<!tpu.dma_semaphore, #tpu.memory_space<semaphore_mem>>, %arg16: memref<!tpu.dma_semaphore, #tpu.memory_space<semaphore_mem>>, %arg17: memref<!tpu.dma_semaphore, #tpu.memory_space<semaphore_mem>>, %arg18: memref<!tpu.dma_semaphore, #tpu.memory_space<semaphore_mem>>, %arg19: memref<!tpu.dma_semaphore, #tpu.memory_space<semaphore_mem>>, %arg20: memref<!tpu.dma_semaphore, #tpu.memory_space<semaphore_mem>>, %arg21: memref<!tpu.dma_semaphore, #tpu.memory_space<semaphore_mem>>, %arg22: memref<!tpu.dma_semaphore, #tpu.memory_space<semaphore_mem>>, %arg23: memref<!tpu.dma_semaphore, #tpu.memory_space<semaphore_mem>>) attributes {dimension_semantics = [#tpu.dimension_semantics<core_parallel>, #tpu.dimension_semantics<subcore_parallel>], iteration_bounds = array<i64: 2, 16>, scalar_prefetch = 0 : i64, scratch_operands = 17 : i64, tpu.core_type = #tpu.core_type<sc_vector_subcore>, window_params = [{transform_indices = #map}, {transform_indices = #map1}, {transform_indices = #map1}, {transform_indices = #map}, {transform_indices = #map1}]} {
    %mul3A = arith.constant 16 : i32
    %mul3A_0 = arith.muli %arg0, %mul3A : i32
    %add3A = arith.addi %mul3A_0, %arg1 : i32
    %dma_start3A = arith.constant 0 : i32
    %dma_start3A_1 = arith.constant 0 : i32
    %dma_start3A_2 = tpu.memref_slice %arg3[%add3A, %dma_start3A, %dma_start3A_1] : memref<32x79x128xi32, #tpu.memory_space<hbm>> -> memref<1x79x128xi32, #tpu.memory_space<hbm>>
    %dma_start3A_3 = tpu.memref_squeeze %dma_start3A_2 : memref<1x79x128xi32, #tpu.memory_space<hbm>> -> memref<79x128xi32, #tpu.memory_space<hbm>>
    %dma_start3A_4 = arith.constant 0 : i32
    %dma_start3A_5 = arith.constant 0 : i32
    %dma_start3A_6 = tpu.memref_slice %arg3[%add3A, %dma_start3A_4, %dma_start3A_5] : memref<32x79x128xi32, #tpu.memory_space<hbm>> -> memref<1x79x128xi32, #tpu.memory_space<hbm>>
    %dma_start3A_7 = tpu.memref_squeeze %dma_start3A_6 : memref<1x79x128xi32, #tpu.memory_space<hbm>> -> memref<79x128xi32, #tpu.memory_space<hbm>>
    tpu.enqueue_dma source(%dma_start3A_7 : memref<79x128xi32, #tpu.memory_space<hbm>>) target(%arg7 : memref<79x128xi32, #tpu.memory_space<vmem>>) target_semaphore(%arg22 : memref<!tpu.dma_semaphore, #tpu.memory_space<semaphore_mem>>)
    %mul3A_8 = arith.constant 640 : i32
    %mul3A_9 = arith.muli %arg1, %mul3A_8 : i32
    %dma_start3A_10 = arith.constant 0 : i32
    %dma_start3A_11 = tpu.memref_slice %arg2[%mul3A_9, %dma_start3A_10] : memref<10240x16xf32, #tpu.memory_space<hbm>> -> memref<640x16xf32, #tpu.memory_space<hbm>>
    %dma_start3A_12 = arith.constant 0 : i32
    %dma_start3A_13 = tpu.memref_slice %arg2[%mul3A_9, %dma_start3A_12] : memref<10240x16xf32, #tpu.memory_space<hbm>> -> memref<640x16xf32, #tpu.memory_space<hbm>>
    tpu.enqueue_dma source(%dma_start3A_13 : memref<640x16xf32, #tpu.memory_space<hbm>>) target(%arg11 : memref<640x16xf32, #tpu.memory_space<vmem>>) target_semaphore(%arg23 : memref<!tpu.dma_semaphore, #tpu.memory_space<semaphore_mem>>)
    %dma_start3A_14 = arith.constant 0 : i32
    %dma_start3A_15 = arith.constant 0 : i32
    %dma_start3A_16 = tpu.memref_slice %arg4[%add3A, %dma_start3A_14, %dma_start3A_15] : memref<32x79x128xi32, #tpu.memory_space<hbm>> -> memref<1x79x128xi32, #tpu.memory_space<hbm>>
    %dma_start3A_17 = tpu.memref_squeeze %dma_start3A_16 : memref<1x79x128xi32, #tpu.memory_space<hbm>> -> memref<79x128xi32, #tpu.memory_space<hbm>>
    %dma_start3A_18 = arith.constant 0 : i32
    %dma_start3A_19 = arith.constant 0 : i32
    %dma_start3A_20 = tpu.memref_slice %arg4[%add3A, %dma_start3A_18, %dma_start3A_19] : memref<32x79x128xi32, #tpu.memory_space<hbm>> -> memref<1x79x128xi32, #tpu.memory_space<hbm>>
    %dma_start3A_21 = tpu.memref_squeeze %dma_start3A_20 : memref<1x79x128xi32, #tpu.memory_space<hbm>> -> memref<79x128xi32, #tpu.memory_space<hbm>>
    tpu.enqueue_dma source(%dma_start3A_21 : memref<79x128xi32, #tpu.memory_space<hbm>>) target(%arg8 : memref<79x128xi32, #tpu.memory_space<vmem>>) target_semaphore(%arg22 : memref<!tpu.dma_semaphore, #tpu.memory_space<semaphore_mem>>)
    "tpu.region"() ({
      %run_scoped3A = tpu.sem_alloc : memref<!tpu.dma_semaphore, #tpu.memory_space<semaphore_mem>>
      tpu.enqueue_dma source(%arg5 : memref<640x16xf32, #tpu.memory_space<hbm>>) target(%arg10 : memref<640x16xf32, #tpu.memory_space<vmem>>) target_semaphore(%run_scoped3A : memref<!tpu.dma_semaphore, #tpu.memory_space<semaphore_mem>>)
      tpu.wait_dma2 semaphore(%run_scoped3A : memref<!tpu.dma_semaphore, #tpu.memory_space<semaphore_mem>>) src(%arg5 : memref<640x16xf32, #tpu.memory_space<hbm>>) dst(%arg10 : memref<640x16xf32, #tpu.memory_space<vmem>>)
      tpu.yield
    }) : () -> ()
    %mul3A_22 = arith.constant 640 : i32
    %mul3A_23 = arith.muli %arg1, %mul3A_22 : i32
    "tpu.region"() ({
      %run_scoped3A = tpu.sem_alloc : memref<!tpu.dma_semaphore, #tpu.memory_space<semaphore_mem>>
      %dma_start3A_392 = arith.constant 0 : i32
      %dma_start3A_393 = tpu.memref_slice %arg13[%mul3A_23, %dma_start3A_392] : memref<10240x16xf32, #tpu.memory_space<vmem_shared>> -> memref<640x16xf32, #tpu.memory_space<vmem_shared>>
      %dma_start3A_394 = arith.constant 0 : i32
      %dma_start3A_395 = tpu.memref_slice %arg13[%mul3A_23, %dma_start3A_394] : memref<10240x16xf32, #tpu.memory_space<vmem_shared>> -> memref<640x16xf32, #tpu.memory_space<vmem_shared>>
      tpu.enqueue_dma source(%arg10 : memref<640x16xf32, #tpu.memory_space<vmem>>) target(%dma_start3A_395 : memref<640x16xf32, #tpu.memory_space<vmem_shared>>) target_semaphore(%run_scoped3A : memref<!tpu.dma_semaphore, #tpu.memory_space<semaphore_mem>>)
      %dma_wait3A_396 = arith.constant 0 : i32
      %dma_wait3A_397 = tpu.memref_slice %arg13[%mul3A_23, %dma_wait3A_396] : memref<10240x16xf32, #tpu.memory_space<vmem_shared>> -> memref<640x16xf32, #tpu.memory_space<vmem_shared>>
      %dma_wait3A_398 = arith.constant 0 : i32
      %dma_wait3A_399 = tpu.memref_slice %arg13[%mul3A_23, %dma_wait3A_398] : memref<10240x16xf32, #tpu.memory_space<vmem_shared>> -> memref<640x16xf32, #tpu.memory_space<vmem_shared>>
      tpu.wait_dma2 semaphore(%run_scoped3A : memref<!tpu.dma_semaphore, #tpu.memory_space<semaphore_mem>>) src(%arg10 : memref<640x16xf32, #tpu.memory_space<vmem>>) dst(%dma_wait3A_399 : memref<640x16xf32, #tpu.memory_space<vmem_shared>>)
      tpu.yield
    }) : () -> ()
    %dma_wait3A = arith.constant 0 : i32
    %dma_wait3A_24 = tpu.memref_slice %arg2[%mul3A_9, %dma_wait3A] : memref<10240x16xf32, #tpu.memory_space<hbm>> -> memref<640x16xf32, #tpu.memory_space<hbm>>
    %dma_wait3A_25 = arith.constant 0 : i32
    %dma_wait3A_26 = tpu.memref_slice %arg2[%mul3A_9, %dma_wait3A_25] : memref<10240x16xf32, #tpu.memory_space<hbm>> -> memref<640x16xf32, #tpu.memory_space<hbm>>
    tpu.wait_dma2 semaphore(%arg23 : memref<!tpu.dma_semaphore, #tpu.memory_space<semaphore_mem>>) src(%dma_wait3A_26 : memref<640x16xf32, #tpu.memory_space<hbm>>) dst(%arg11 : memref<640x16xf32, #tpu.memory_space<vmem>>)
    %mul3A_27 = arith.constant 640 : i32
    %mul3A_28 = arith.muli %arg1, %mul3A_27 : i32
    "tpu.region"() ({
      %run_scoped3A = tpu.sem_alloc : memref<!tpu.dma_semaphore, #tpu.memory_space<semaphore_mem>>
      %dma_start3A_392 = arith.constant 0 : i32
      %dma_start3A_393 = tpu.memref_slice %arg12[%mul3A_28, %dma_start3A_392] : memref<10240x16xf32, #tpu.memory_space<vmem_shared>> -> memref<640x16xf32, #tpu.memory_space<vmem_shared>>
      %dma_start3A_394 = arith.constant 0 : i32
      %dma_start3A_395 = tpu.memref_slice %arg12[%mul3A_28, %dma_start3A_394] : memref<10240x16xf32, #tpu.memory_space<vmem_shared>> -> memref<640x16xf32, #tpu.memory_space<vmem_shared>>
      tpu.enqueue_dma source(%arg11 : memref<640x16xf32, #tpu.memory_space<vmem>>) target(%dma_start3A_395 : memref<640x16xf32, #tpu.memory_space<vmem_shared>>) target_semaphore(%run_scoped3A : memref<!tpu.dma_semaphore, #tpu.memory_space<semaphore_mem>>)
      %dma_wait3A_396 = arith.constant 0 : i32
      %dma_wait3A_397 = tpu.memref_slice %arg12[%mul3A_28, %dma_wait3A_396] : memref<10240x16xf32, #tpu.memory_space<vmem_shared>> -> memref<640x16xf32, #tpu.memory_space<vmem_shared>>
      %dma_wait3A_398 = arith.constant 0 : i32
      %dma_wait3A_399 = tpu.memref_slice %arg12[%mul3A_28, %dma_wait3A_398] : memref<10240x16xf32, #tpu.memory_space<vmem_shared>> -> memref<640x16xf32, #tpu.memory_space<vmem_shared>>
      tpu.wait_dma2 semaphore(%run_scoped3A : memref<!tpu.dma_semaphore, #tpu.memory_space<semaphore_mem>>) src(%arg11 : memref<640x16xf32, #tpu.memory_space<vmem>>) dst(%dma_wait3A_399 : memref<640x16xf32, #tpu.memory_space<vmem_shared>>)
      tpu.yield
    }) : () -> ()
    %dma_wait3A_29 = arith.constant 0 : i32
    %dma_wait3A_30 = arith.constant 0 : i32
    %dma_wait3A_31 = tpu.memref_slice %arg3[%add3A, %dma_wait3A_29, %dma_wait3A_30] : memref<32x79x128xi32, #tpu.memory_space<hbm>> -> memref<1x79x128xi32, #tpu.memory_space<hbm>>
    %dma_wait3A_32 = tpu.memref_squeeze %dma_wait3A_31 : memref<1x79x128xi32, #tpu.memory_space<hbm>> -> memref<79x128xi32, #tpu.memory_space<hbm>>
    %dma_wait3A_33 = arith.constant 0 : i32
    %dma_wait3A_34 = arith.constant 0 : i32
    %dma_wait3A_35 = tpu.memref_slice %arg3[%add3A, %dma_wait3A_33, %dma_wait3A_34] : memref<32x79x128xi32, #tpu.memory_space<hbm>> -> memref<1x79x128xi32, #tpu.memory_space<hbm>>
    %dma_wait3A_36 = tpu.memref_squeeze %dma_wait3A_35 : memref<1x79x128xi32, #tpu.memory_space<hbm>> -> memref<79x128xi32, #tpu.memory_space<hbm>>
    tpu.wait_dma2 semaphore(%arg22 : memref<!tpu.dma_semaphore, #tpu.memory_space<semaphore_mem>>) src(%dma_wait3A_36 : memref<79x128xi32, #tpu.memory_space<hbm>>) dst(%arg7 : memref<79x128xi32, #tpu.memory_space<vmem>>)
    %dma_wait3A_37 = arith.constant 0 : i32
    %dma_wait3A_38 = arith.constant 0 : i32
    %dma_wait3A_39 = tpu.memref_slice %arg4[%add3A, %dma_wait3A_37, %dma_wait3A_38] : memref<32x79x128xi32, #tpu.memory_space<hbm>> -> memref<1x79x128xi32, #tpu.memory_space<hbm>>
    %dma_wait3A_40 = tpu.memref_squeeze %dma_wait3A_39 : memref<1x79x128xi32, #tpu.memory_space<hbm>> -> memref<79x128xi32, #tpu.memory_space<hbm>>
    %dma_wait3A_41 = arith.constant 0 : i32
    %dma_wait3A_42 = arith.constant 0 : i32
    %dma_wait3A_43 = tpu.memref_slice %arg4[%add3A, %dma_wait3A_41, %dma_wait3A_42] : memref<32x79x128xi32, #tpu.memory_space<hbm>> -> memref<1x79x128xi32, #tpu.memory_space<hbm>>
    %dma_wait3A_44 = tpu.memref_squeeze %dma_wait3A_43 : memref<1x79x128xi32, #tpu.memory_space<hbm>> -> memref<79x128xi32, #tpu.memory_space<hbm>>
    tpu.wait_dma2 semaphore(%arg22 : memref<!tpu.dma_semaphore, #tpu.memory_space<semaphore_mem>>) src(%dma_wait3A_44 : memref<79x128xi32, #tpu.memory_space<hbm>>) dst(%arg8 : memref<79x128xi32, #tpu.memory_space<vmem>>)
    %barrier3A = arith.constant 0 : index
    tpu.barrier barrier_id(%barrier3A)
    %dma_start3A_45 = arith.constant 0 : i32
    %dma_start3A_46 = arith.constant 0 : i32
    %dma_start3A_47 = arith.constant 0 : i32
    %dma_start3A_48 = arith.constant 0 : i32
    %dma_start3A_49 = tpu.memref_slice %arg9[%dma_start3A_46, %dma_start3A_47, %dma_start3A_48] : memref<4x128x16xf32, #tpu.memory_space<vmem>> -> memref<1x128x16xf32, #tpu.memory_space<vmem>>
    %dma_start3A_50 = tpu.memref_squeeze %dma_start3A_49 : memref<1x128x16xf32, #tpu.memory_space<vmem>> -> memref<128x16xf32, #tpu.memory_space<vmem>>
    %dma_start3A_51 = arith.constant 0 : i32
    %dma_start3A_52 = tpu.memref_slice %arg7[%dma_start3A_45, %dma_start3A_51] : memref<79x128xi32, #tpu.memory_space<vmem>> -> memref<1x128xi32, #tpu.memory_space<vmem>>
    %dma_start3A_53 = tpu.memref_squeeze %dma_start3A_52 : memref<1x128xi32, #tpu.memory_space<vmem>> -> memref<128xi32, #tpu.memory_space<vmem>>
    %dma_start3A_54 = arith.constant 0 : i32
    %dma_start3A_55 = arith.constant 0 : i32
    %dma_start3A_56 = tpu.memref_slice %arg12[%dma_start3A_54, %dma_start3A_55] : memref<10240x16xf32, #tpu.memory_space<vmem_shared>> -> memref<10240x16xf32, #tpu.memory_space<vmem_shared>>
    tpu.enqueue_indirect_dma source(%dma_start3A_56 : memref<10240x16xf32, #tpu.memory_space<vmem_shared>>) target(%dma_start3A_50 : memref<128x16xf32, #tpu.memory_space<vmem>>) offsets(%dma_start3A_53 : memref<128xi32, #tpu.memory_space<vmem>>) semaphore(%arg14 : memref<!tpu.dma_semaphore, #tpu.memory_space<semaphore_mem>>)
    %dma_start3A_57 = arith.constant 1 : i32
    %dma_start3A_58 = arith.constant 1 : i32
    %dma_start3A_59 = arith.constant 0 : i32
    %dma_start3A_60 = arith.constant 0 : i32
    %dma_start3A_61 = tpu.memref_slice %arg9[%dma_start3A_58, %dma_start3A_59, %dma_start3A_60] : memref<4x128x16xf32, #tpu.memory_space<vmem>> -> memref<1x128x16xf32, #tpu.memory_space<vmem>>
    %dma_start3A_62 = tpu.memref_squeeze %dma_start3A_61 : memref<1x128x16xf32, #tpu.memory_space<vmem>> -> memref<128x16xf32, #tpu.memory_space<vmem>>
    %dma_start3A_63 = arith.constant 0 : i32
    %dma_start3A_64 = tpu.memref_slice %arg7[%dma_start3A_57, %dma_start3A_63] : memref<79x128xi32, #tpu.memory_space<vmem>> -> memref<1x128xi32, #tpu.memory_space<vmem>>
    %dma_start3A_65 = tpu.memref_squeeze %dma_start3A_64 : memref<1x128xi32, #tpu.memory_space<vmem>> -> memref<128xi32, #tpu.memory_space<vmem>>
    %dma_start3A_66 = arith.constant 0 : i32
    %dma_start3A_67 = arith.constant 0 : i32
    %dma_start3A_68 = tpu.memref_slice %arg12[%dma_start3A_66, %dma_start3A_67] : memref<10240x16xf32, #tpu.memory_space<vmem_shared>> -> memref<10240x16xf32, #tpu.memory_space<vmem_shared>>
    tpu.enqueue_indirect_dma source(%dma_start3A_68 : memref<10240x16xf32, #tpu.memory_space<vmem_shared>>) target(%dma_start3A_62 : memref<128x16xf32, #tpu.memory_space<vmem>>) offsets(%dma_start3A_65 : memref<128xi32, #tpu.memory_space<vmem>>) semaphore(%arg15 : memref<!tpu.dma_semaphore, #tpu.memory_space<semaphore_mem>>)
    %dma_start3A_69 = arith.constant 2 : i32
    %dma_start3A_70 = arith.constant 2 : i32
    %dma_start3A_71 = arith.constant 0 : i32
    %dma_start3A_72 = arith.constant 0 : i32
    %dma_start3A_73 = tpu.memref_slice %arg9[%dma_start3A_70, %dma_start3A_71, %dma_start3A_72] : memref<4x128x16xf32, #tpu.memory_space<vmem>> -> memref<1x128x16xf32, #tpu.memory_space<vmem>>
    %dma_start3A_74 = tpu.memref_squeeze %dma_start3A_73 : memref<1x128x16xf32, #tpu.memory_space<vmem>> -> memref<128x16xf32, #tpu.memory_space<vmem>>
    %dma_start3A_75 = arith.constant 0 : i32
    %dma_start3A_76 = tpu.memref_slice %arg7[%dma_start3A_69, %dma_start3A_75] : memref<79x128xi32, #tpu.memory_space<vmem>> -> memref<1x128xi32, #tpu.memory_space<vmem>>
    %dma_start3A_77 = tpu.memref_squeeze %dma_start3A_76 : memref<1x128xi32, #tpu.memory_space<vmem>> -> memref<128xi32, #tpu.memory_space<vmem>>
    %dma_start3A_78 = arith.constant 0 : i32
    %dma_start3A_79 = arith.constant 0 : i32
    %dma_start3A_80 = tpu.memref_slice %arg12[%dma_start3A_78, %dma_start3A_79] : memref<10240x16xf32, #tpu.memory_space<vmem_shared>> -> memref<10240x16xf32, #tpu.memory_space<vmem_shared>>
    tpu.enqueue_indirect_dma source(%dma_start3A_80 : memref<10240x16xf32, #tpu.memory_space<vmem_shared>>) target(%dma_start3A_74 : memref<128x16xf32, #tpu.memory_space<vmem>>) offsets(%dma_start3A_77 : memref<128xi32, #tpu.memory_space<vmem>>) semaphore(%arg16 : memref<!tpu.dma_semaphore, #tpu.memory_space<semaphore_mem>>)
    %dma_start3A_81 = arith.constant 3 : i32
    %dma_start3A_82 = arith.constant 3 : i32
    %dma_start3A_83 = arith.constant 0 : i32
    %dma_start3A_84 = arith.constant 0 : i32
    %dma_start3A_85 = tpu.memref_slice %arg9[%dma_start3A_82, %dma_start3A_83, %dma_start3A_84] : memref<4x128x16xf32, #tpu.memory_space<vmem>> -> memref<1x128x16xf32, #tpu.memory_space<vmem>>
    %dma_start3A_86 = tpu.memref_squeeze %dma_start3A_85 : memref<1x128x16xf32, #tpu.memory_space<vmem>> -> memref<128x16xf32, #tpu.memory_space<vmem>>
    %dma_start3A_87 = arith.constant 0 : i32
    %dma_start3A_88 = tpu.memref_slice %arg7[%dma_start3A_81, %dma_start3A_87] : memref<79x128xi32, #tpu.memory_space<vmem>> -> memref<1x128xi32, #tpu.memory_space<vmem>>
    %dma_start3A_89 = tpu.memref_squeeze %dma_start3A_88 : memref<1x128xi32, #tpu.memory_space<vmem>> -> memref<128xi32, #tpu.memory_space<vmem>>
    %dma_start3A_90 = arith.constant 0 : i32
    %dma_start3A_91 = arith.constant 0 : i32
    %dma_start3A_92 = tpu.memref_slice %arg12[%dma_start3A_90, %dma_start3A_91] : memref<10240x16xf32, #tpu.memory_space<vmem_shared>> -> memref<10240x16xf32, #tpu.memory_space<vmem_shared>>
    tpu.enqueue_indirect_dma source(%dma_start3A_92 : memref<10240x16xf32, #tpu.memory_space<vmem_shared>>) target(%dma_start3A_86 : memref<128x16xf32, #tpu.memory_space<vmem>>) offsets(%dma_start3A_89 : memref<128xi32, #tpu.memory_space<vmem>>) semaphore(%arg17 : memref<!tpu.dma_semaphore, #tpu.memory_space<semaphore_mem>>)
    %scan3A = arith.constant 0 : i32
    %scan3A_93 = arith.constant 0 : i32
    %scan3A_94 = arith.constant 18 : i32
    %scan3A_95 = arith.addi %scan3A_93, %scan3A_94 : i32
    %scan3A_96 = arith.constant 1 : i32
    %scan3A_97 = scf.for %scan3A_392 = %scan3A_93 to %scan3A_95 step %scan3A_96 iter_args(%scan3A_393 = %scan3A) -> (i32)  : i32 {
      %mul3A_394 = arith.constant 4 : i32
      %mul3A_395 = arith.muli %mul3A_394, %scan3A_392 : i32
      %add3A_396 = arith.constant 0 : i32
      %add3A_397 = arith.addi %mul3A_395, %add3A_396 : i32
      %dma_wait3A_398 = arith.constant 0 : i32
      %dma_wait3A_399 = arith.constant 0 : i32
      %dma_wait3A_400 = arith.constant 0 : i32
      %dma_wait3A_401 = arith.constant 0 : i32
      %dma_wait3A_402 = tpu.memref_slice %arg9[%dma_wait3A_399, %dma_wait3A_400, %dma_wait3A_401] : memref<4x128x16xf32, #tpu.memory_space<vmem>> -> memref<1x128x16xf32, #tpu.memory_space<vmem>>
      %dma_wait3A_403 = tpu.memref_squeeze %dma_wait3A_402 : memref<1x128x16xf32, #tpu.memory_space<vmem>> -> memref<128x16xf32, #tpu.memory_space<vmem>>
      %dma_wait3A_404 = arith.constant 0 : i32
      %dma_wait3A_405 = tpu.memref_slice %arg7[%dma_wait3A_398, %dma_wait3A_404] : memref<79x128xi32, #tpu.memory_space<vmem>> -> memref<1x128xi32, #tpu.memory_space<vmem>>
      %dma_wait3A_406 = tpu.memref_squeeze %dma_wait3A_405 : memref<1x128xi32, #tpu.memory_space<vmem>> -> memref<128xi32, #tpu.memory_space<vmem>>
      %dma_wait3A_407 = arith.constant 0 : i32
      %dma_wait3A_408 = arith.constant 0 : i32
      %dma_wait3A_409 = tpu.memref_slice %arg12[%dma_wait3A_407, %dma_wait3A_408] : memref<10240x16xf32, #tpu.memory_space<vmem_shared>> -> memref<10240x16xf32, #tpu.memory_space<vmem_shared>>
      tpu.wait_indirect_dma semaphore(%arg14 : memref<!tpu.dma_semaphore, #tpu.memory_space<semaphore_mem>>) src(%dma_wait3A_409 : memref<10240x16xf32, #tpu.memory_space<vmem_shared>>) dst(%dma_wait3A_403 : memref<128x16xf32, #tpu.memory_space<vmem>>)
      %dma_start3A_410 = arith.constant 0 : i32
      %dma_start3A_411 = arith.constant 0 : i32
      %dma_start3A_412 = arith.constant 0 : i32
      %dma_start3A_413 = tpu.memref_slice %arg9[%dma_start3A_410, %dma_start3A_411, %dma_start3A_412] : memref<4x128x16xf32, #tpu.memory_space<vmem>> -> memref<1x128x16xf32, #tpu.memory_space<vmem>>
      %dma_start3A_414 = tpu.memref_squeeze %dma_start3A_413 : memref<1x128x16xf32, #tpu.memory_space<vmem>> -> memref<128x16xf32, #tpu.memory_space<vmem>>
      %dma_start3A_415 = arith.constant 0 : i32
      %dma_start3A_416 = tpu.memref_slice %arg8[%add3A_397, %dma_start3A_415] : memref<79x128xi32, #tpu.memory_space<vmem>> -> memref<1x128xi32, #tpu.memory_space<vmem>>
      %dma_start3A_417 = tpu.memref_squeeze %dma_start3A_416 : memref<1x128xi32, #tpu.memory_space<vmem>> -> memref<128xi32, #tpu.memory_space<vmem>>
      %dma_start3A_418 = arith.constant 0 : i32
      %dma_start3A_419 = arith.constant 0 : i32
      %dma_start3A_420 = tpu.memref_slice %arg13[%dma_start3A_418, %dma_start3A_419] : memref<10240x16xf32, #tpu.memory_space<vmem_shared>> -> memref<10240x16xf32, #tpu.memory_space<vmem_shared>>
      tpu.enqueue_indirect_dma source(%dma_start3A_414 : memref<128x16xf32, #tpu.memory_space<vmem>>) target(%dma_start3A_420 : memref<10240x16xf32, #tpu.memory_space<vmem_shared>>) offsets(%dma_start3A_417 : memref<128xi32, #tpu.memory_space<vmem>>) semaphore(%arg18 : memref<!tpu.dma_semaphore, #tpu.memory_space<semaphore_mem>>) {add = true}
      %dma_wait3A_421 = arith.constant 0 : i32
      %dma_wait3A_422 = arith.constant 0 : i32
      %dma_wait3A_423 = arith.constant 0 : i32
      %dma_wait3A_424 = arith.constant 0 : i32
      %dma_wait3A_425 = tpu.memref_slice %arg9[%dma_wait3A_421, %dma_wait3A_423, %dma_wait3A_424] : memref<4x128x16xf32, #tpu.memory_space<vmem>> -> memref<1x128x16xf32, #tpu.memory_space<vmem>>
      %dma_wait3A_426 = tpu.memref_squeeze %dma_wait3A_425 : memref<1x128x16xf32, #tpu.memory_space<vmem>> -> memref<128x16xf32, #tpu.memory_space<vmem>>
      %dma_wait3A_427 = arith.constant 0 : i32
      %dma_wait3A_428 = tpu.memref_slice %arg8[%dma_wait3A_422, %dma_wait3A_427] : memref<79x128xi32, #tpu.memory_space<vmem>> -> memref<1x128xi32, #tpu.memory_space<vmem>>
      %dma_wait3A_429 = tpu.memref_squeeze %dma_wait3A_428 : memref<1x128xi32, #tpu.memory_space<vmem>> -> memref<128xi32, #tpu.memory_space<vmem>>
      %dma_wait3A_430 = arith.constant 0 : i32
      %dma_wait3A_431 = arith.constant 0 : i32
      %dma_wait3A_432 = tpu.memref_slice %arg13[%dma_wait3A_430, %dma_wait3A_431] : memref<10240x16xf32, #tpu.memory_space<vmem_shared>> -> memref<10240x16xf32, #tpu.memory_space<vmem_shared>>
      tpu.wait_indirect_dma semaphore(%arg18 : memref<!tpu.dma_semaphore, #tpu.memory_space<semaphore_mem>>) src(%dma_wait3A_426 : memref<128x16xf32, #tpu.memory_space<vmem>>) dst(%dma_wait3A_432 : memref<10240x16xf32, #tpu.memory_space<vmem_shared>>)
      %add3A_433 = arith.constant 4 : i32
      %add3A_434 = arith.addi %add3A_397, %add3A_433 : i32
      %dma_start3A_435 = arith.constant 0 : i32
      %dma_start3A_436 = arith.constant 0 : i32
      %dma_start3A_437 = arith.constant 0 : i32
      %dma_start3A_438 = tpu.memref_slice %arg9[%dma_start3A_435, %dma_start3A_436, %dma_start3A_437] : memref<4x128x16xf32, #tpu.memory_space<vmem>> -> memref<1x128x16xf32, #tpu.memory_space<vmem>>
      %dma_start3A_439 = tpu.memref_squeeze %dma_start3A_438 : memref<1x128x16xf32, #tpu.memory_space<vmem>> -> memref<128x16xf32, #tpu.memory_space<vmem>>
      %dma_start3A_440 = arith.constant 0 : i32
      %dma_start3A_441 = tpu.memref_slice %arg7[%add3A_434, %dma_start3A_440] : memref<79x128xi32, #tpu.memory_space<vmem>> -> memref<1x128xi32, #tpu.memory_space<vmem>>
      %dma_start3A_442 = tpu.memref_squeeze %dma_start3A_441 : memref<1x128xi32, #tpu.memory_space<vmem>> -> memref<128xi32, #tpu.memory_space<vmem>>
      %dma_start3A_443 = arith.constant 0 : i32
      %dma_start3A_444 = arith.constant 0 : i32
      %dma_start3A_445 = tpu.memref_slice %arg12[%dma_start3A_443, %dma_start3A_444] : memref<10240x16xf32, #tpu.memory_space<vmem_shared>> -> memref<10240x16xf32, #tpu.memory_space<vmem_shared>>
      tpu.enqueue_indirect_dma source(%dma_start3A_445 : memref<10240x16xf32, #tpu.memory_space<vmem_shared>>) target(%dma_start3A_439 : memref<128x16xf32, #tpu.memory_space<vmem>>) offsets(%dma_start3A_442 : memref<128xi32, #tpu.memory_space<vmem>>) semaphore(%arg14 : memref<!tpu.dma_semaphore, #tpu.memory_space<semaphore_mem>>)
      %mul3A_446 = arith.constant 4 : i32
      %mul3A_447 = arith.muli %mul3A_446, %scan3A_392 : i32
      %add3A_448 = arith.constant 1 : i32
      %add3A_449 = arith.addi %mul3A_447, %add3A_448 : i32
      %dma_wait3A_450 = arith.constant 0 : i32
      %dma_wait3A_451 = arith.constant 1 : i32
      %dma_wait3A_452 = arith.constant 0 : i32
      %dma_wait3A_453 = arith.constant 0 : i32
      %dma_wait3A_454 = tpu.memref_slice %arg9[%dma_wait3A_451, %dma_wait3A_452, %dma_wait3A_453] : memref<4x128x16xf32, #tpu.memory_space<vmem>> -> memref<1x128x16xf32, #tpu.memory_space<vmem>>
      %dma_wait3A_455 = tpu.memref_squeeze %dma_wait3A_454 : memref<1x128x16xf32, #tpu.memory_space<vmem>> -> memref<128x16xf32, #tpu.memory_space<vmem>>
      %dma_wait3A_456 = arith.constant 0 : i32
      %dma_wait3A_457 = tpu.memref_slice %arg7[%dma_wait3A_450, %dma_wait3A_456] : memref<79x128xi32, #tpu.memory_space<vmem>> -> memref<1x128xi32, #tpu.memory_space<vmem>>
      %dma_wait3A_458 = tpu.memref_squeeze %dma_wait3A_457 : memref<1x128xi32, #tpu.memory_space<vmem>> -> memref<128xi32, #tpu.memory_space<vmem>>
      %dma_wait3A_459 = arith.constant 0 : i32
      %dma_wait3A_460 = arith.constant 0 : i32
      %dma_wait3A_461 = tpu.memref_slice %arg12[%dma_wait3A_459, %dma_wait3A_460] : memref<10240x16xf32, #tpu.memory_space<vmem_shared>> -> memref<10240x16xf32, #tpu.memory_space<vmem_shared>>
      tpu.wait_indirect_dma semaphore(%arg15 : memref<!tpu.dma_semaphore, #tpu.memory_space<semaphore_mem>>) src(%dma_wait3A_461 : memref<10240x16xf32, #tpu.memory_space<vmem_shared>>) dst(%dma_wait3A_455 : memref<128x16xf32, #tpu.memory_space<vmem>>)
      %dma_start3A_462 = arith.constant 1 : i32
      %dma_start3A_463 = arith.constant 0 : i32
      %dma_start3A_464 = arith.constant 0 : i32
      %dma_start3A_465 = tpu.memref_slice %arg9[%dma_start3A_462, %dma_start3A_463, %dma_start3A_464] : memref<4x128x16xf32, #tpu.memory_space<vmem>> -> memref<1x128x16xf32, #tpu.memory_space<vmem>>
      %dma_start3A_466 = tpu.memref_squeeze %dma_start3A_465 : memref<1x128x16xf32, #tpu.memory_space<vmem>> -> memref<128x16xf32, #tpu.memory_space<vmem>>
      %dma_start3A_467 = arith.constant 0 : i32
      %dma_start3A_468 = tpu.memref_slice %arg8[%add3A_449, %dma_start3A_467] : memref<79x128xi32, #tpu.memory_space<vmem>> -> memref<1x128xi32, #tpu.memory_space<vmem>>
      %dma_start3A_469 = tpu.memref_squeeze %dma_start3A_468 : memref<1x128xi32, #tpu.memory_space<vmem>> -> memref<128xi32, #tpu.memory_space<vmem>>
      %dma_start3A_470 = arith.constant 0 : i32
      %dma_start3A_471 = arith.constant 0 : i32
      %dma_start3A_472 = tpu.memref_slice %arg13[%dma_start3A_470, %dma_start3A_471] : memref<10240x16xf32, #tpu.memory_space<vmem_shared>> -> memref<10240x16xf32, #tpu.memory_space<vmem_shared>>
      tpu.enqueue_indirect_dma source(%dma_start3A_466 : memref<128x16xf32, #tpu.memory_space<vmem>>) target(%dma_start3A_472 : memref<10240x16xf32, #tpu.memory_space<vmem_shared>>) offsets(%dma_start3A_469 : memref<128xi32, #tpu.memory_space<vmem>>) semaphore(%arg19 : memref<!tpu.dma_semaphore, #tpu.memory_space<semaphore_mem>>) {add = true}
      %dma_wait3A_473 = arith.constant 1 : i32
      %dma_wait3A_474 = arith.constant 0 : i32
      %dma_wait3A_475 = arith.constant 0 : i32
      %dma_wait3A_476 = arith.constant 0 : i32
      %dma_wait3A_477 = tpu.memref_slice %arg9[%dma_wait3A_473, %dma_wait3A_475, %dma_wait3A_476] : memref<4x128x16xf32, #tpu.memory_space<vmem>> -> memref<1x128x16xf32, #tpu.memory_space<vmem>>
      %dma_wait3A_478 = tpu.memref_squeeze %dma_wait3A_477 : memref<1x128x16xf32, #tpu.memory_space<vmem>> -> memref<128x16xf32, #tpu.memory_space<vmem>>
      %dma_wait3A_479 = arith.constant 0 : i32
      %dma_wait3A_480 = tpu.memref_slice %arg8[%dma_wait3A_474, %dma_wait3A_479] : memref<79x128xi32, #tpu.memory_space<vmem>> -> memref<1x128xi32, #tpu.memory_space<vmem>>
      %dma_wait3A_481 = tpu.memref_squeeze %dma_wait3A_480 : memref<1x128xi32, #tpu.memory_space<vmem>> -> memref<128xi32, #tpu.memory_space<vmem>>
      %dma_wait3A_482 = arith.constant 0 : i32
      %dma_wait3A_483 = arith.constant 0 : i32
      %dma_wait3A_484 = tpu.memref_slice %arg13[%dma_wait3A_482, %dma_wait3A_483] : memref<10240x16xf32, #tpu.memory_space<vmem_shared>> -> memref<10240x16xf32, #tpu.memory_space<vmem_shared>>
      tpu.wait_indirect_dma semaphore(%arg19 : memref<!tpu.dma_semaphore, #tpu.memory_space<semaphore_mem>>) src(%dma_wait3A_478 : memref<128x16xf32, #tpu.memory_space<vmem>>) dst(%dma_wait3A_484 : memref<10240x16xf32, #tpu.memory_space<vmem_shared>>)
      %add3A_485 = arith.constant 4 : i32
      %add3A_486 = arith.addi %add3A_449, %add3A_485 : i32
      %dma_start3A_487 = arith.constant 1 : i32
      %dma_start3A_488 = arith.constant 0 : i32
      %dma_start3A_489 = arith.constant 0 : i32
      %dma_start3A_490 = tpu.memref_slice %arg9[%dma_start3A_487, %dma_start3A_488, %dma_start3A_489] : memref<4x128x16xf32, #tpu.memory_space<vmem>> -> memref<1x128x16xf32, #tpu.memory_space<vmem>>
      %dma_start3A_491 = tpu.memref_squeeze %dma_start3A_490 : memref<1x128x16xf32, #tpu.memory_space<vmem>> -> memref<128x16xf32, #tpu.memory_space<vmem>>
      %dma_start3A_492 = arith.constant 0 : i32
      %dma_start3A_493 = tpu.memref_slice %arg7[%add3A_486, %dma_start3A_492] : memref<79x128xi32, #tpu.memory_space<vmem>> -> memref<1x128xi32, #tpu.memory_space<vmem>>
      %dma_start3A_494 = tpu.memref_squeeze %dma_start3A_493 : memref<1x128xi32, #tpu.memory_space<vmem>> -> memref<128xi32, #tpu.memory_space<vmem>>
      %dma_start3A_495 = arith.constant 0 : i32
      %dma_start3A_496 = arith.constant 0 : i32
      %dma_start3A_497 = tpu.memref_slice %arg12[%dma_start3A_495, %dma_start3A_496] : memref<10240x16xf32, #tpu.memory_space<vmem_shared>> -> memref<10240x16xf32, #tpu.memory_space<vmem_shared>>
      tpu.enqueue_indirect_dma source(%dma_start3A_497 : memref<10240x16xf32, #tpu.memory_space<vmem_shared>>) target(%dma_start3A_491 : memref<128x16xf32, #tpu.memory_space<vmem>>) offsets(%dma_start3A_494 : memref<128xi32, #tpu.memory_space<vmem>>) semaphore(%arg15 : memref<!tpu.dma_semaphore, #tpu.memory_space<semaphore_mem>>)
      %mul3A_498 = arith.constant 4 : i32
      %mul3A_499 = arith.muli %mul3A_498, %scan3A_392 : i32
      %add3A_500 = arith.constant 2 : i32
      %add3A_501 = arith.addi %mul3A_499, %add3A_500 : i32
      %dma_wait3A_502 = arith.constant 0 : i32
      %dma_wait3A_503 = arith.constant 2 : i32
      %dma_wait3A_504 = arith.constant 0 : i32
      %dma_wait3A_505 = arith.constant 0 : i32
      %dma_wait3A_506 = tpu.memref_slice %arg9[%dma_wait3A_503, %dma_wait3A_504, %dma_wait3A_505] : memref<4x128x16xf32, #tpu.memory_space<vmem>> -> memref<1x128x16xf32, #tpu.memory_space<vmem>>
      %dma_wait3A_507 = tpu.memref_squeeze %dma_wait3A_506 : memref<1x128x16xf32, #tpu.memory_space<vmem>> -> memref<128x16xf32, #tpu.memory_space<vmem>>
      %dma_wait3A_508 = arith.constant 0 : i32
      %dma_wait3A_509 = tpu.memref_slice %arg7[%dma_wait3A_502, %dma_wait3A_508] : memref<79x128xi32, #tpu.memory_space<vmem>> -> memref<1x128xi32, #tpu.memory_space<vmem>>
      %dma_wait3A_510 = tpu.memref_squeeze %dma_wait3A_509 : memref<1x128xi32, #tpu.memory_space<vmem>> -> memref<128xi32, #tpu.memory_space<vmem>>
      %dma_wait3A_511 = arith.constant 0 : i32
      %dma_wait3A_512 = arith.constant 0 : i32
      %dma_wait3A_513 = tpu.memref_slice %arg12[%dma_wait3A_511, %dma_wait3A_512] : memref<10240x16xf32, #tpu.memory_space<vmem_shared>> -> memref<10240x16xf32, #tpu.memory_space<vmem_shared>>
      tpu.wait_indirect_dma semaphore(%arg16 : memref<!tpu.dma_semaphore, #tpu.memory_space<semaphore_mem>>) src(%dma_wait3A_513 : memref<10240x16xf32, #tpu.memory_space<vmem_shared>>) dst(%dma_wait3A_507 : memref<128x16xf32, #tpu.memory_space<vmem>>)
      %dma_start3A_514 = arith.constant 2 : i32
      %dma_start3A_515 = arith.constant 0 : i32
      %dma_start3A_516 = arith.constant 0 : i32
      %dma_start3A_517 = tpu.memref_slice %arg9[%dma_start3A_514, %dma_start3A_515, %dma_start3A_516] : memref<4x128x16xf32, #tpu.memory_space<vmem>> -> memref<1x128x16xf32, #tpu.memory_space<vmem>>
      %dma_start3A_518 = tpu.memref_squeeze %dma_start3A_517 : memref<1x128x16xf32, #tpu.memory_space<vmem>> -> memref<128x16xf32, #tpu.memory_space<vmem>>
      %dma_start3A_519 = arith.constant 0 : i32
      %dma_start3A_520 = tpu.memref_slice %arg8[%add3A_501, %dma_start3A_519] : memref<79x128xi32, #tpu.memory_space<vmem>> -> memref<1x128xi32, #tpu.memory_space<vmem>>
      %dma_start3A_521 = tpu.memref_squeeze %dma_start3A_520 : memref<1x128xi32, #tpu.memory_space<vmem>> -> memref<128xi32, #tpu.memory_space<vmem>>
      %dma_start3A_522 = arith.constant 0 : i32
      %dma_start3A_523 = arith.constant 0 : i32
      %dma_start3A_524 = tpu.memref_slice %arg13[%dma_start3A_522, %dma_start3A_523] : memref<10240x16xf32, #tpu.memory_space<vmem_shared>> -> memref<10240x16xf32, #tpu.memory_space<vmem_shared>>
      tpu.enqueue_indirect_dma source(%dma_start3A_518 : memref<128x16xf32, #tpu.memory_space<vmem>>) target(%dma_start3A_524 : memref<10240x16xf32, #tpu.memory_space<vmem_shared>>) offsets(%dma_start3A_521 : memref<128xi32, #tpu.memory_space<vmem>>) semaphore(%arg20 : memref<!tpu.dma_semaphore, #tpu.memory_space<semaphore_mem>>) {add = true}
      %dma_wait3A_525 = arith.constant 2 : i32
      %dma_wait3A_526 = arith.constant 0 : i32
      %dma_wait3A_527 = arith.constant 0 : i32
      %dma_wait3A_528 = arith.constant 0 : i32
      %dma_wait3A_529 = tpu.memref_slice %arg9[%dma_wait3A_525, %dma_wait3A_527, %dma_wait3A_528] : memref<4x128x16xf32, #tpu.memory_space<vmem>> -> memref<1x128x16xf32, #tpu.memory_space<vmem>>
      %dma_wait3A_530 = tpu.memref_squeeze %dma_wait3A_529 : memref<1x128x16xf32, #tpu.memory_space<vmem>> -> memref<128x16xf32, #tpu.memory_space<vmem>>
      %dma_wait3A_531 = arith.constant 0 : i32
      %dma_wait3A_532 = tpu.memref_slice %arg8[%dma_wait3A_526, %dma_wait3A_531] : memref<79x128xi32, #tpu.memory_space<vmem>> -> memref<1x128xi32, #tpu.memory_space<vmem>>
      %dma_wait3A_533 = tpu.memref_squeeze %dma_wait3A_532 : memref<1x128xi32, #tpu.memory_space<vmem>> -> memref<128xi32, #tpu.memory_space<vmem>>
      %dma_wait3A_534 = arith.constant 0 : i32
      %dma_wait3A_535 = arith.constant 0 : i32
      %dma_wait3A_536 = tpu.memref_slice %arg13[%dma_wait3A_534, %dma_wait3A_535] : memref<10240x16xf32, #tpu.memory_space<vmem_shared>> -> memref<10240x16xf32, #tpu.memory_space<vmem_shared>>
      tpu.wait_indirect_dma semaphore(%arg20 : memref<!tpu.dma_semaphore, #tpu.memory_space<semaphore_mem>>) src(%dma_wait3A_530 : memref<128x16xf32, #tpu.memory_space<vmem>>) dst(%dma_wait3A_536 : memref<10240x16xf32, #tpu.memory_space<vmem_shared>>)
      %add3A_537 = arith.constant 4 : i32
      %add3A_538 = arith.addi %add3A_501, %add3A_537 : i32
      %dma_start3A_539 = arith.constant 2 : i32
      %dma_start3A_540 = arith.constant 0 : i32
      %dma_start3A_541 = arith.constant 0 : i32
      %dma_start3A_542 = tpu.memref_slice %arg9[%dma_start3A_539, %dma_start3A_540, %dma_start3A_541] : memref<4x128x16xf32, #tpu.memory_space<vmem>> -> memref<1x128x16xf32, #tpu.memory_space<vmem>>
      %dma_start3A_543 = tpu.memref_squeeze %dma_start3A_542 : memref<1x128x16xf32, #tpu.memory_space<vmem>> -> memref<128x16xf32, #tpu.memory_space<vmem>>
      %dma_start3A_544 = arith.constant 0 : i32
      %dma_start3A_545 = tpu.memref_slice %arg7[%add3A_538, %dma_start3A_544] : memref<79x128xi32, #tpu.memory_space<vmem>> -> memref<1x128xi32, #tpu.memory_space<vmem>>
      %dma_start3A_546 = tpu.memref_squeeze %dma_start3A_545 : memref<1x128xi32, #tpu.memory_space<vmem>> -> memref<128xi32, #tpu.memory_space<vmem>>
      %dma_start3A_547 = arith.constant 0 : i32
      %dma_start3A_548 = arith.constant 0 : i32
      %dma_start3A_549 = tpu.memref_slice %arg12[%dma_start3A_547, %dma_start3A_548] : memref<10240x16xf32, #tpu.memory_space<vmem_shared>> -> memref<10240x16xf32, #tpu.memory_space<vmem_shared>>
      tpu.enqueue_indirect_dma source(%dma_start3A_549 : memref<10240x16xf32, #tpu.memory_space<vmem_shared>>) target(%dma_start3A_543 : memref<128x16xf32, #tpu.memory_space<vmem>>) offsets(%dma_start3A_546 : memref<128xi32, #tpu.memory_space<vmem>>) semaphore(%arg16 : memref<!tpu.dma_semaphore, #tpu.memory_space<semaphore_mem>>)
      %mul3A_550 = arith.constant 4 : i32
      %mul3A_551 = arith.muli %mul3A_550, %scan3A_392 : i32
      %add3A_552 = arith.constant 3 : i32
      %add3A_553 = arith.addi %mul3A_551, %add3A_552 : i32
      %dma_wait3A_554 = arith.constant 0 : i32
      %dma_wait3A_555 = arith.constant 3 : i32
      %dma_wait3A_556 = arith.constant 0 : i32
      %dma_wait3A_557 = arith.constant 0 : i32
      %dma_wait3A_558 = tpu.memref_slice %arg9[%dma_wait3A_555, %dma_wait3A_556, %dma_wait3A_557] : memref<4x128x16xf32, #tpu.memory_space<vmem>> -> memref<1x128x16xf32, #tpu.memory_space<vmem>>
      %dma_wait3A_559 = tpu.memref_squeeze %dma_wait3A_558 : memref<1x128x16xf32, #tpu.memory_space<vmem>> -> memref<128x16xf32, #tpu.memory_space<vmem>>
      %dma_wait3A_560 = arith.constant 0 : i32
      %dma_wait3A_561 = tpu.memref_slice %arg7[%dma_wait3A_554, %dma_wait3A_560] : memref<79x128xi32, #tpu.memory_space<vmem>> -> memref<1x128xi32, #tpu.memory_space<vmem>>
      %dma_wait3A_562 = tpu.memref_squeeze %dma_wait3A_561 : memref<1x128xi32, #tpu.memory_space<vmem>> -> memref<128xi32, #tpu.memory_space<vmem>>
      %dma_wait3A_563 = arith.constant 0 : i32
      %dma_wait3A_564 = arith.constant 0 : i32
      %dma_wait3A_565 = tpu.memref_slice %arg12[%dma_wait3A_563, %dma_wait3A_564] : memref<10240x16xf32, #tpu.memory_space<vmem_shared>> -> memref<10240x16xf32, #tpu.memory_space<vmem_shared>>
      tpu.wait_indirect_dma semaphore(%arg17 : memref<!tpu.dma_semaphore, #tpu.memory_space<semaphore_mem>>) src(%dma_wait3A_565 : memref<10240x16xf32, #tpu.memory_space<vmem_shared>>) dst(%dma_wait3A_559 : memref<128x16xf32, #tpu.memory_space<vmem>>)
      %dma_start3A_566 = arith.constant 3 : i32
      %dma_start3A_567 = arith.constant 0 : i32
      %dma_start3A_568 = arith.constant 0 : i32
      %dma_start3A_569 = tpu.memref_slice %arg9[%dma_start3A_566, %dma_start3A_567, %dma_start3A_568] : memref<4x128x16xf32, #tpu.memory_space<vmem>> -> memref<1x128x16xf32, #tpu.memory_space<vmem>>
      %dma_start3A_570 = tpu.memref_squeeze %dma_start3A_569 : memref<1x128x16xf32, #tpu.memory_space<vmem>> -> memref<128x16xf32, #tpu.memory_space<vmem>>
      %dma_start3A_571 = arith.constant 0 : i32
      %dma_start3A_572 = tpu.memref_slice %arg8[%add3A_553, %dma_start3A_571] : memref<79x128xi32, #tpu.memory_space<vmem>> -> memref<1x128xi32, #tpu.memory_space<vmem>>
      %dma_start3A_573 = tpu.memref_squeeze %dma_start3A_572 : memref<1x128xi32, #tpu.memory_space<vmem>> -> memref<128xi32, #tpu.memory_space<vmem>>
      %dma_start3A_574 = arith.constant 0 : i32
      %dma_start3A_575 = arith.constant 0 : i32
      %dma_start3A_576 = tpu.memref_slice %arg13[%dma_start3A_574, %dma_start3A_575] : memref<10240x16xf32, #tpu.memory_space<vmem_shared>> -> memref<10240x16xf32, #tpu.memory_space<vmem_shared>>
      tpu.enqueue_indirect_dma source(%dma_start3A_570 : memref<128x16xf32, #tpu.memory_space<vmem>>) target(%dma_start3A_576 : memref<10240x16xf32, #tpu.memory_space<vmem_shared>>) offsets(%dma_start3A_573 : memref<128xi32, #tpu.memory_space<vmem>>) semaphore(%arg21 : memref<!tpu.dma_semaphore, #tpu.memory_space<semaphore_mem>>) {add = true}
      %dma_wait3A_577 = arith.constant 3 : i32
      %dma_wait3A_578 = arith.constant 0 : i32
      %dma_wait3A_579 = arith.constant 0 : i32
      %dma_wait3A_580 = arith.constant 0 : i32
      %dma_wait3A_581 = tpu.memref_slice %arg9[%dma_wait3A_577, %dma_wait3A_579, %dma_wait3A_580] : memref<4x128x16xf32, #tpu.memory_space<vmem>> -> memref<1x128x16xf32, #tpu.memory_space<vmem>>
      %dma_wait3A_582 = tpu.memref_squeeze %dma_wait3A_581 : memref<1x128x16xf32, #tpu.memory_space<vmem>> -> memref<128x16xf32, #tpu.memory_space<vmem>>
      %dma_wait3A_583 = arith.constant 0 : i32
      %dma_wait3A_584 = tpu.memref_slice %arg8[%dma_wait3A_578, %dma_wait3A_583] : memref<79x128xi32, #tpu.memory_space<vmem>> -> memref<1x128xi32, #tpu.memory_space<vmem>>
      %dma_wait3A_585 = tpu.memref_squeeze %dma_wait3A_584 : memref<1x128xi32, #tpu.memory_space<vmem>> -> memref<128xi32, #tpu.memory_space<vmem>>
      %dma_wait3A_586 = arith.constant 0 : i32
      %dma_wait3A_587 = arith.constant 0 : i32
      %dma_wait3A_588 = tpu.memref_slice %arg13[%dma_wait3A_586, %dma_wait3A_587] : memref<10240x16xf32, #tpu.memory_space<vmem_shared>> -> memref<10240x16xf32, #tpu.memory_space<vmem_shared>>
      tpu.wait_indirect_dma semaphore(%arg21 : memref<!tpu.dma_semaphore, #tpu.memory_space<semaphore_mem>>) src(%dma_wait3A_582 : memref<128x16xf32, #tpu.memory_space<vmem>>) dst(%dma_wait3A_588 : memref<10240x16xf32, #tpu.memory_space<vmem_shared>>)
      %add3A_589 = arith.constant 4 : i32
      %add3A_590 = arith.addi %add3A_553, %add3A_589 : i32
      %dma_start3A_591 = arith.constant 3 : i32
      %dma_start3A_592 = arith.constant 0 : i32
      %dma_start3A_593 = arith.constant 0 : i32
      %dma_start3A_594 = tpu.memref_slice %arg9[%dma_start3A_591, %dma_start3A_592, %dma_start3A_593] : memref<4x128x16xf32, #tpu.memory_space<vmem>> -> memref<1x128x16xf32, #tpu.memory_space<vmem>>
      %dma_start3A_595 = tpu.memref_squeeze %dma_start3A_594 : memref<1x128x16xf32, #tpu.memory_space<vmem>> -> memref<128x16xf32, #tpu.memory_space<vmem>>
      %dma_start3A_596 = arith.constant 0 : i32
      %dma_start3A_597 = tpu.memref_slice %arg7[%add3A_590, %dma_start3A_596] : memref<79x128xi32, #tpu.memory_space<vmem>> -> memref<1x128xi32, #tpu.memory_space<vmem>>
      %dma_start3A_598 = tpu.memref_squeeze %dma_start3A_597 : memref<1x128xi32, #tpu.memory_space<vmem>> -> memref<128xi32, #tpu.memory_space<vmem>>
      %dma_start3A_599 = arith.constant 0 : i32
      %dma_start3A_600 = arith.constant 0 : i32
      %dma_start3A_601 = tpu.memref_slice %arg12[%dma_start3A_599, %dma_start3A_600] : memref<10240x16xf32, #tpu.memory_space<vmem_shared>> -> memref<10240x16xf32, #tpu.memory_space<vmem_shared>>
      tpu.enqueue_indirect_dma source(%dma_start3A_601 : memref<10240x16xf32, #tpu.memory_space<vmem_shared>>) target(%dma_start3A_595 : memref<128x16xf32, #tpu.memory_space<vmem>>) offsets(%dma_start3A_598 : memref<128xi32, #tpu.memory_space<vmem>>) semaphore(%arg17 : memref<!tpu.dma_semaphore, #tpu.memory_space<semaphore_mem>>)
      %scan3A_602 = arith.constant 0 : i32
      scf.yield %scan3A_602 : i32
    }
    %scan3A_98 = arith.constant 18 : i32
    %dma_wait3A_99 = arith.constant 0 : i32
    %dma_wait3A_100 = arith.constant 0 : i32
    %dma_wait3A_101 = arith.constant 0 : i32
    %dma_wait3A_102 = arith.constant 0 : i32
    %dma_wait3A_103 = tpu.memref_slice %arg9[%dma_wait3A_100, %dma_wait3A_101, %dma_wait3A_102] : memref<4x128x16xf32, #tpu.memory_space<vmem>> -> memref<1x128x16xf32, #tpu.memory_space<vmem>>
    %dma_wait3A_104 = tpu.memref_squeeze %dma_wait3A_103 : memref<1x128x16xf32, #tpu.memory_space<vmem>> -> memref<128x16xf32, #tpu.memory_space<vmem>>
    %dma_wait3A_105 = arith.constant 0 : i32
    %dma_wait3A_106 = tpu.memref_slice %arg7[%dma_wait3A_99, %dma_wait3A_105] : memref<79x128xi32, #tpu.memory_space<vmem>> -> memref<1x128xi32, #tpu.memory_space<vmem>>
    %dma_wait3A_107 = tpu.memref_squeeze %dma_wait3A_106 : memref<1x128xi32, #tpu.memory_space<vmem>> -> memref<128xi32, #tpu.memory_space<vmem>>
    %dma_wait3A_108 = arith.constant 0 : i32
    %dma_wait3A_109 = arith.constant 0 : i32
    %dma_wait3A_110 = tpu.memref_slice %arg12[%dma_wait3A_108, %dma_wait3A_109] : memref<10240x16xf32, #tpu.memory_space<vmem_shared>> -> memref<10240x16xf32, #tpu.memory_space<vmem_shared>>
    tpu.wait_indirect_dma semaphore(%arg14 : memref<!tpu.dma_semaphore, #tpu.memory_space<semaphore_mem>>) src(%dma_wait3A_110 : memref<10240x16xf32, #tpu.memory_space<vmem_shared>>) dst(%dma_wait3A_104 : memref<128x16xf32, #tpu.memory_space<vmem>>)
    %dma_start3A_111 = arith.constant 0 : i32
    %dma_start3A_112 = arith.constant 72 : i32
    %dma_start3A_113 = arith.constant 0 : i32
    %dma_start3A_114 = arith.constant 0 : i32
    %dma_start3A_115 = tpu.memref_slice %arg9[%dma_start3A_111, %dma_start3A_113, %dma_start3A_114] : memref<4x128x16xf32, #tpu.memory_space<vmem>> -> memref<1x128x16xf32, #tpu.memory_space<vmem>>
    %dma_start3A_116 = tpu.memref_squeeze %dma_start3A_115 : memref<1x128x16xf32, #tpu.memory_space<vmem>> -> memref<128x16xf32, #tpu.memory_space<vmem>>
    %dma_start3A_117 = arith.constant 0 : i32
    %dma_start3A_118 = tpu.memref_slice %arg8[%dma_start3A_112, %dma_start3A_117] : memref<79x128xi32, #tpu.memory_space<vmem>> -> memref<1x128xi32, #tpu.memory_space<vmem>>
    %dma_start3A_119 = tpu.memref_squeeze %dma_start3A_118 : memref<1x128xi32, #tpu.memory_space<vmem>> -> memref<128xi32, #tpu.memory_space<vmem>>
    %dma_start3A_120 = arith.constant 0 : i32
    %dma_start3A_121 = arith.constant 0 : i32
    %dma_start3A_122 = tpu.memref_slice %arg13[%dma_start3A_120, %dma_start3A_121] : memref<10240x16xf32, #tpu.memory_space<vmem_shared>> -> memref<10240x16xf32, #tpu.memory_space<vmem_shared>>
    tpu.enqueue_indirect_dma source(%dma_start3A_116 : memref<128x16xf32, #tpu.memory_space<vmem>>) target(%dma_start3A_122 : memref<10240x16xf32, #tpu.memory_space<vmem_shared>>) offsets(%dma_start3A_119 : memref<128xi32, #tpu.memory_space<vmem>>) semaphore(%arg18 : memref<!tpu.dma_semaphore, #tpu.memory_space<semaphore_mem>>) {add = true}
    %dma_wait3A_123 = arith.constant 0 : i32
    %dma_wait3A_124 = arith.constant 0 : i32
    %dma_wait3A_125 = arith.constant 0 : i32
    %dma_wait3A_126 = arith.constant 0 : i32
    %dma_wait3A_127 = tpu.memref_slice %arg9[%dma_wait3A_123, %dma_wait3A_125, %dma_wait3A_126] : memref<4x128x16xf32, #tpu.memory_space<vmem>> -> memref<1x128x16xf32, #tpu.memory_space<vmem>>
    %dma_wait3A_128 = tpu.memref_squeeze %dma_wait3A_127 : memref<1x128x16xf32, #tpu.memory_space<vmem>> -> memref<128x16xf32, #tpu.memory_space<vmem>>
    %dma_wait3A_129 = arith.constant 0 : i32
    %dma_wait3A_130 = tpu.memref_slice %arg8[%dma_wait3A_124, %dma_wait3A_129] : memref<79x128xi32, #tpu.memory_space<vmem>> -> memref<1x128xi32, #tpu.memory_space<vmem>>
    %dma_wait3A_131 = tpu.memref_squeeze %dma_wait3A_130 : memref<1x128xi32, #tpu.memory_space<vmem>> -> memref<128xi32, #tpu.memory_space<vmem>>
    %dma_wait3A_132 = arith.constant 0 : i32
    %dma_wait3A_133 = arith.constant 0 : i32
    %dma_wait3A_134 = tpu.memref_slice %arg13[%dma_wait3A_132, %dma_wait3A_133] : memref<10240x16xf32, #tpu.memory_space<vmem_shared>> -> memref<10240x16xf32, #tpu.memory_space<vmem_shared>>
    tpu.wait_indirect_dma semaphore(%arg18 : memref<!tpu.dma_semaphore, #tpu.memory_space<semaphore_mem>>) src(%dma_wait3A_128 : memref<128x16xf32, #tpu.memory_space<vmem>>) dst(%dma_wait3A_134 : memref<10240x16xf32, #tpu.memory_space<vmem_shared>>)
    %dma_start3A_135 = arith.constant 76 : i32
    %dma_start3A_136 = arith.constant 0 : i32
    %dma_start3A_137 = arith.constant 0 : i32
    %dma_start3A_138 = arith.constant 0 : i32
    %dma_start3A_139 = tpu.memref_slice %arg9[%dma_start3A_136, %dma_start3A_137, %dma_start3A_138] : memref<4x128x16xf32, #tpu.memory_space<vmem>> -> memref<1x128x16xf32, #tpu.memory_space<vmem>>
    %dma_start3A_140 = tpu.memref_squeeze %dma_start3A_139 : memref<1x128x16xf32, #tpu.memory_space<vmem>> -> memref<128x16xf32, #tpu.memory_space<vmem>>
    %dma_start3A_141 = arith.constant 0 : i32
    %dma_start3A_142 = tpu.memref_slice %arg7[%dma_start3A_135, %dma_start3A_141] : memref<79x128xi32, #tpu.memory_space<vmem>> -> memref<1x128xi32, #tpu.memory_space<vmem>>
    %dma_start3A_143 = tpu.memref_squeeze %dma_start3A_142 : memref<1x128xi32, #tpu.memory_space<vmem>> -> memref<128xi32, #tpu.memory_space<vmem>>
    %dma_start3A_144 = arith.constant 0 : i32
    %dma_start3A_145 = arith.constant 0 : i32
    %dma_start3A_146 = tpu.memref_slice %arg12[%dma_start3A_144, %dma_start3A_145] : memref<10240x16xf32, #tpu.memory_space<vmem_shared>> -> memref<10240x16xf32, #tpu.memory_space<vmem_shared>>
    tpu.enqueue_indirect_dma source(%dma_start3A_146 : memref<10240x16xf32, #tpu.memory_space<vmem_shared>>) target(%dma_start3A_140 : memref<128x16xf32, #tpu.memory_space<vmem>>) offsets(%dma_start3A_143 : memref<128xi32, #tpu.memory_space<vmem>>) semaphore(%arg14 : memref<!tpu.dma_semaphore, #tpu.memory_space<semaphore_mem>>)
    %dma_wait3A_147 = arith.constant 0 : i32
    %dma_wait3A_148 = arith.constant 1 : i32
    %dma_wait3A_149 = arith.constant 0 : i32
    %dma_wait3A_150 = arith.constant 0 : i32
    %dma_wait3A_151 = tpu.memref_slice %arg9[%dma_wait3A_148, %dma_wait3A_149, %dma_wait3A_150] : memref<4x128x16xf32, #tpu.memory_space<vmem>> -> memref<1x128x16xf32, #tpu.memory_space<vmem>>
    %dma_wait3A_152 = tpu.memref_squeeze %dma_wait3A_151 : memref<1x128x16xf32, #tpu.memory_space<vmem>> -> memref<128x16xf32, #tpu.memory_space<vmem>>
    %dma_wait3A_153 = arith.constant 0 : i32
    %dma_wait3A_154 = tpu.memref_slice %arg7[%dma_wait3A_147, %dma_wait3A_153] : memref<79x128xi32, #tpu.memory_space<vmem>> -> memref<1x128xi32, #tpu.memory_space<vmem>>
    %dma_wait3A_155 = tpu.memref_squeeze %dma_wait3A_154 : memref<1x128xi32, #tpu.memory_space<vmem>> -> memref<128xi32, #tpu.memory_space<vmem>>
    %dma_wait3A_156 = arith.constant 0 : i32
    %dma_wait3A_157 = arith.constant 0 : i32
    %dma_wait3A_158 = tpu.memref_slice %arg12[%dma_wait3A_156, %dma_wait3A_157] : memref<10240x16xf32, #tpu.memory_space<vmem_shared>> -> memref<10240x16xf32, #tpu.memory_space<vmem_shared>>
    tpu.wait_indirect_dma semaphore(%arg15 : memref<!tpu.dma_semaphore, #tpu.memory_space<semaphore_mem>>) src(%dma_wait3A_158 : memref<10240x16xf32, #tpu.memory_space<vmem_shared>>) dst(%dma_wait3A_152 : memref<128x16xf32, #tpu.memory_space<vmem>>)
    %dma_start3A_159 = arith.constant 1 : i32
    %dma_start3A_160 = arith.constant 73 : i32
    %dma_start3A_161 = arith.constant 0 : i32
    %dma_start3A_162 = arith.constant 0 : i32
    %dma_start3A_163 = tpu.memref_slice %arg9[%dma_start3A_159, %dma_start3A_161, %dma_start3A_162] : memref<4x128x16xf32, #tpu.memory_space<vmem>> -> memref<1x128x16xf32, #tpu.memory_space<vmem>>
    %dma_start3A_164 = tpu.memref_squeeze %dma_start3A_163 : memref<1x128x16xf32, #tpu.memory_space<vmem>> -> memref<128x16xf32, #tpu.memory_space<vmem>>
    %dma_start3A_165 = arith.constant 0 : i32
    %dma_start3A_166 = tpu.memref_slice %arg8[%dma_start3A_160, %dma_start3A_165] : memref<79x128xi32, #tpu.memory_space<vmem>> -> memref<1x128xi32, #tpu.memory_space<vmem>>
    %dma_start3A_167 = tpu.memref_squeeze %dma_start3A_166 : memref<1x128xi32, #tpu.memory_space<vmem>> -> memref<128xi32, #tpu.memory_space<vmem>>
    %dma_start3A_168 = arith.constant 0 : i32
    %dma_start3A_169 = arith.constant 0 : i32
    %dma_start3A_170 = tpu.memref_slice %arg13[%dma_start3A_168, %dma_start3A_169] : memref<10240x16xf32, #tpu.memory_space<vmem_shared>> -> memref<10240x16xf32, #tpu.memory_space<vmem_shared>>
    tpu.enqueue_indirect_dma source(%dma_start3A_164 : memref<128x16xf32, #tpu.memory_space<vmem>>) target(%dma_start3A_170 : memref<10240x16xf32, #tpu.memory_space<vmem_shared>>) offsets(%dma_start3A_167 : memref<128xi32, #tpu.memory_space<vmem>>) semaphore(%arg19 : memref<!tpu.dma_semaphore, #tpu.memory_space<semaphore_mem>>) {add = true}
    %dma_wait3A_171 = arith.constant 1 : i32
    %dma_wait3A_172 = arith.constant 0 : i32
    %dma_wait3A_173 = arith.constant 0 : i32
    %dma_wait3A_174 = arith.constant 0 : i32
    %dma_wait3A_175 = tpu.memref_slice %arg9[%dma_wait3A_171, %dma_wait3A_173, %dma_wait3A_174] : memref<4x128x16xf32, #tpu.memory_space<vmem>> -> memref<1x128x16xf32, #tpu.memory_space<vmem>>
    %dma_wait3A_176 = tpu.memref_squeeze %dma_wait3A_175 : memref<1x128x16xf32, #tpu.memory_space<vmem>> -> memref<128x16xf32, #tpu.memory_space<vmem>>
    %dma_wait3A_177 = arith.constant 0 : i32
    %dma_wait3A_178 = tpu.memref_slice %arg8[%dma_wait3A_172, %dma_wait3A_177] : memref<79x128xi32, #tpu.memory_space<vmem>> -> memref<1x128xi32, #tpu.memory_space<vmem>>
    %dma_wait3A_179 = tpu.memref_squeeze %dma_wait3A_178 : memref<1x128xi32, #tpu.memory_space<vmem>> -> memref<128xi32, #tpu.memory_space<vmem>>
    %dma_wait3A_180 = arith.constant 0 : i32
    %dma_wait3A_181 = arith.constant 0 : i32
    %dma_wait3A_182 = tpu.memref_slice %arg13[%dma_wait3A_180, %dma_wait3A_181] : memref<10240x16xf32, #tpu.memory_space<vmem_shared>> -> memref<10240x16xf32, #tpu.memory_space<vmem_shared>>
    tpu.wait_indirect_dma semaphore(%arg19 : memref<!tpu.dma_semaphore, #tpu.memory_space<semaphore_mem>>) src(%dma_wait3A_176 : memref<128x16xf32, #tpu.memory_space<vmem>>) dst(%dma_wait3A_182 : memref<10240x16xf32, #tpu.memory_space<vmem_shared>>)
    %dma_start3A_183 = arith.constant 77 : i32
    %dma_start3A_184 = arith.constant 1 : i32
    %dma_start3A_185 = arith.constant 0 : i32
    %dma_start3A_186 = arith.constant 0 : i32
    %dma_start3A_187 = tpu.memref_slice %arg9[%dma_start3A_184, %dma_start3A_185, %dma_start3A_186] : memref<4x128x16xf32, #tpu.memory_space<vmem>> -> memref<1x128x16xf32, #tpu.memory_space<vmem>>
    %dma_start3A_188 = tpu.memref_squeeze %dma_start3A_187 : memref<1x128x16xf32, #tpu.memory_space<vmem>> -> memref<128x16xf32, #tpu.memory_space<vmem>>
    %dma_start3A_189 = arith.constant 0 : i32
    %dma_start3A_190 = tpu.memref_slice %arg7[%dma_start3A_183, %dma_start3A_189] : memref<79x128xi32, #tpu.memory_space<vmem>> -> memref<1x128xi32, #tpu.memory_space<vmem>>
    %dma_start3A_191 = tpu.memref_squeeze %dma_start3A_190 : memref<1x128xi32, #tpu.memory_space<vmem>> -> memref<128xi32, #tpu.memory_space<vmem>>
    %dma_start3A_192 = arith.constant 0 : i32
    %dma_start3A_193 = arith.constant 0 : i32
    %dma_start3A_194 = tpu.memref_slice %arg12[%dma_start3A_192, %dma_start3A_193] : memref<10240x16xf32, #tpu.memory_space<vmem_shared>> -> memref<10240x16xf32, #tpu.memory_space<vmem_shared>>
    tpu.enqueue_indirect_dma source(%dma_start3A_194 : memref<10240x16xf32, #tpu.memory_space<vmem_shared>>) target(%dma_start3A_188 : memref<128x16xf32, #tpu.memory_space<vmem>>) offsets(%dma_start3A_191 : memref<128xi32, #tpu.memory_space<vmem>>) semaphore(%arg15 : memref<!tpu.dma_semaphore, #tpu.memory_space<semaphore_mem>>)
    %dma_wait3A_195 = arith.constant 0 : i32
    %dma_wait3A_196 = arith.constant 2 : i32
    %dma_wait3A_197 = arith.constant 0 : i32
    %dma_wait3A_198 = arith.constant 0 : i32
    %dma_wait3A_199 = tpu.memref_slice %arg9[%dma_wait3A_196, %dma_wait3A_197, %dma_wait3A_198] : memref<4x128x16xf32, #tpu.memory_space<vmem>> -> memref<1x128x16xf32, #tpu.memory_space<vmem>>
    %dma_wait3A_200 = tpu.memref_squeeze %dma_wait3A_199 : memref<1x128x16xf32, #tpu.memory_space<vmem>> -> memref<128x16xf32, #tpu.memory_space<vmem>>
    %dma_wait3A_201 = arith.constant 0 : i32
    %dma_wait3A_202 = tpu.memref_slice %arg7[%dma_wait3A_195, %dma_wait3A_201] : memref<79x128xi32, #tpu.memory_space<vmem>> -> memref<1x128xi32, #tpu.memory_space<vmem>>
    %dma_wait3A_203 = tpu.memref_squeeze %dma_wait3A_202 : memref<1x128xi32, #tpu.memory_space<vmem>> -> memref<128xi32, #tpu.memory_space<vmem>>
    %dma_wait3A_204 = arith.constant 0 : i32
    %dma_wait3A_205 = arith.constant 0 : i32
    %dma_wait3A_206 = tpu.memref_slice %arg12[%dma_wait3A_204, %dma_wait3A_205] : memref<10240x16xf32, #tpu.memory_space<vmem_shared>> -> memref<10240x16xf32, #tpu.memory_space<vmem_shared>>
    tpu.wait_indirect_dma semaphore(%arg16 : memref<!tpu.dma_semaphore, #tpu.memory_space<semaphore_mem>>) src(%dma_wait3A_206 : memref<10240x16xf32, #tpu.memory_space<vmem_shared>>) dst(%dma_wait3A_200 : memref<128x16xf32, #tpu.memory_space<vmem>>)
    %dma_start3A_207 = arith.constant 2 : i32
    %dma_start3A_208 = arith.constant 74 : i32
    %dma_start3A_209 = arith.constant 0 : i32
    %dma_start3A_210 = arith.constant 0 : i32
    %dma_start3A_211 = tpu.memref_slice %arg9[%dma_start3A_207, %dma_start3A_209, %dma_start3A_210] : memref<4x128x16xf32, #tpu.memory_space<vmem>> -> memref<1x128x16xf32, #tpu.memory_space<vmem>>
    %dma_start3A_212 = tpu.memref_squeeze %dma_start3A_211 : memref<1x128x16xf32, #tpu.memory_space<vmem>> -> memref<128x16xf32, #tpu.memory_space<vmem>>
    %dma_start3A_213 = arith.constant 0 : i32
    %dma_start3A_214 = tpu.memref_slice %arg8[%dma_start3A_208, %dma_start3A_213] : memref<79x128xi32, #tpu.memory_space<vmem>> -> memref<1x128xi32, #tpu.memory_space<vmem>>
    %dma_start3A_215 = tpu.memref_squeeze %dma_start3A_214 : memref<1x128xi32, #tpu.memory_space<vmem>> -> memref<128xi32, #tpu.memory_space<vmem>>
    %dma_start3A_216 = arith.constant 0 : i32
    %dma_start3A_217 = arith.constant 0 : i32
    %dma_start3A_218 = tpu.memref_slice %arg13[%dma_start3A_216, %dma_start3A_217] : memref<10240x16xf32, #tpu.memory_space<vmem_shared>> -> memref<10240x16xf32, #tpu.memory_space<vmem_shared>>
    tpu.enqueue_indirect_dma source(%dma_start3A_212 : memref<128x16xf32, #tpu.memory_space<vmem>>) target(%dma_start3A_218 : memref<10240x16xf32, #tpu.memory_space<vmem_shared>>) offsets(%dma_start3A_215 : memref<128xi32, #tpu.memory_space<vmem>>) semaphore(%arg20 : memref<!tpu.dma_semaphore, #tpu.memory_space<semaphore_mem>>) {add = true}
    %dma_wait3A_219 = arith.constant 2 : i32
    %dma_wait3A_220 = arith.constant 0 : i32
    %dma_wait3A_221 = arith.constant 0 : i32
    %dma_wait3A_222 = arith.constant 0 : i32
    %dma_wait3A_223 = tpu.memref_slice %arg9[%dma_wait3A_219, %dma_wait3A_221, %dma_wait3A_222] : memref<4x128x16xf32, #tpu.memory_space<vmem>> -> memref<1x128x16xf32, #tpu.memory_space<vmem>>
    %dma_wait3A_224 = tpu.memref_squeeze %dma_wait3A_223 : memref<1x128x16xf32, #tpu.memory_space<vmem>> -> memref<128x16xf32, #tpu.memory_space<vmem>>
    %dma_wait3A_225 = arith.constant 0 : i32
    %dma_wait3A_226 = tpu.memref_slice %arg8[%dma_wait3A_220, %dma_wait3A_225] : memref<79x128xi32, #tpu.memory_space<vmem>> -> memref<1x128xi32, #tpu.memory_space<vmem>>
    %dma_wait3A_227 = tpu.memref_squeeze %dma_wait3A_226 : memref<1x128xi32, #tpu.memory_space<vmem>> -> memref<128xi32, #tpu.memory_space<vmem>>
    %dma_wait3A_228 = arith.constant 0 : i32
    %dma_wait3A_229 = arith.constant 0 : i32
    %dma_wait3A_230 = tpu.memref_slice %arg13[%dma_wait3A_228, %dma_wait3A_229] : memref<10240x16xf32, #tpu.memory_space<vmem_shared>> -> memref<10240x16xf32, #tpu.memory_space<vmem_shared>>
    tpu.wait_indirect_dma semaphore(%arg20 : memref<!tpu.dma_semaphore, #tpu.memory_space<semaphore_mem>>) src(%dma_wait3A_224 : memref<128x16xf32, #tpu.memory_space<vmem>>) dst(%dma_wait3A_230 : memref<10240x16xf32, #tpu.memory_space<vmem_shared>>)
    %dma_start3A_231 = arith.constant 78 : i32
    %dma_start3A_232 = arith.constant 2 : i32
    %dma_start3A_233 = arith.constant 0 : i32
    %dma_start3A_234 = arith.constant 0 : i32
    %dma_start3A_235 = tpu.memref_slice %arg9[%dma_start3A_232, %dma_start3A_233, %dma_start3A_234] : memref<4x128x16xf32, #tpu.memory_space<vmem>> -> memref<1x128x16xf32, #tpu.memory_space<vmem>>
    %dma_start3A_236 = tpu.memref_squeeze %dma_start3A_235 : memref<1x128x16xf32, #tpu.memory_space<vmem>> -> memref<128x16xf32, #tpu.memory_space<vmem>>
    %dma_start3A_237 = arith.constant 0 : i32
    %dma_start3A_238 = tpu.memref_slice %arg7[%dma_start3A_231, %dma_start3A_237] : memref<79x128xi32, #tpu.memory_space<vmem>> -> memref<1x128xi32, #tpu.memory_space<vmem>>
    %dma_start3A_239 = tpu.memref_squeeze %dma_start3A_238 : memref<1x128xi32, #tpu.memory_space<vmem>> -> memref<128xi32, #tpu.memory_space<vmem>>
    %dma_start3A_240 = arith.constant 0 : i32
    %dma_start3A_241 = arith.constant 0 : i32
    %dma_start3A_242 = tpu.memref_slice %arg12[%dma_start3A_240, %dma_start3A_241] : memref<10240x16xf32, #tpu.memory_space<vmem_shared>> -> memref<10240x16xf32, #tpu.memory_space<vmem_shared>>
    tpu.enqueue_indirect_dma source(%dma_start3A_242 : memref<10240x16xf32, #tpu.memory_space<vmem_shared>>) target(%dma_start3A_236 : memref<128x16xf32, #tpu.memory_space<vmem>>) offsets(%dma_start3A_239 : memref<128xi32, #tpu.memory_space<vmem>>) semaphore(%arg16 : memref<!tpu.dma_semaphore, #tpu.memory_space<semaphore_mem>>)
    %dma_wait3A_243 = arith.constant 0 : i32
    %dma_wait3A_244 = arith.constant 3 : i32
    %dma_wait3A_245 = arith.constant 0 : i32
    %dma_wait3A_246 = arith.constant 0 : i32
    %dma_wait3A_247 = tpu.memref_slice %arg9[%dma_wait3A_244, %dma_wait3A_245, %dma_wait3A_246] : memref<4x128x16xf32, #tpu.memory_space<vmem>> -> memref<1x128x16xf32, #tpu.memory_space<vmem>>
    %dma_wait3A_248 = tpu.memref_squeeze %dma_wait3A_247 : memref<1x128x16xf32, #tpu.memory_space<vmem>> -> memref<128x16xf32, #tpu.memory_space<vmem>>
    %dma_wait3A_249 = arith.constant 0 : i32
    %dma_wait3A_250 = tpu.memref_slice %arg7[%dma_wait3A_243, %dma_wait3A_249] : memref<79x128xi32, #tpu.memory_space<vmem>> -> memref<1x128xi32, #tpu.memory_space<vmem>>
    %dma_wait3A_251 = tpu.memref_squeeze %dma_wait3A_250 : memref<1x128xi32, #tpu.memory_space<vmem>> -> memref<128xi32, #tpu.memory_space<vmem>>
    %dma_wait3A_252 = arith.constant 0 : i32
    %dma_wait3A_253 = arith.constant 0 : i32
    %dma_wait3A_254 = tpu.memref_slice %arg12[%dma_wait3A_252, %dma_wait3A_253] : memref<10240x16xf32, #tpu.memory_space<vmem_shared>> -> memref<10240x16xf32, #tpu.memory_space<vmem_shared>>
    tpu.wait_indirect_dma semaphore(%arg17 : memref<!tpu.dma_semaphore, #tpu.memory_space<semaphore_mem>>) src(%dma_wait3A_254 : memref<10240x16xf32, #tpu.memory_space<vmem_shared>>) dst(%dma_wait3A_248 : memref<128x16xf32, #tpu.memory_space<vmem>>)
    %dma_start3A_255 = arith.constant 3 : i32
    %dma_start3A_256 = arith.constant 75 : i32
    %dma_start3A_257 = arith.constant 0 : i32
    %dma_start3A_258 = arith.constant 0 : i32
    %dma_start3A_259 = tpu.memref_slice %arg9[%dma_start3A_255, %dma_start3A_257, %dma_start3A_258] : memref<4x128x16xf32, #tpu.memory_space<vmem>> -> memref<1x128x16xf32, #tpu.memory_space<vmem>>
    %dma_start3A_260 = tpu.memref_squeeze %dma_start3A_259 : memref<1x128x16xf32, #tpu.memory_space<vmem>> -> memref<128x16xf32, #tpu.memory_space<vmem>>
    %dma_start3A_261 = arith.constant 0 : i32
    %dma_start3A_262 = tpu.memref_slice %arg8[%dma_start3A_256, %dma_start3A_261] : memref<79x128xi32, #tpu.memory_space<vmem>> -> memref<1x128xi32, #tpu.memory_space<vmem>>
    %dma_start3A_263 = tpu.memref_squeeze %dma_start3A_262 : memref<1x128xi32, #tpu.memory_space<vmem>> -> memref<128xi32, #tpu.memory_space<vmem>>
    %dma_start3A_264 = arith.constant 0 : i32
    %dma_start3A_265 = arith.constant 0 : i32
    %dma_start3A_266 = tpu.memref_slice %arg13[%dma_start3A_264, %dma_start3A_265] : memref<10240x16xf32, #tpu.memory_space<vmem_shared>> -> memref<10240x16xf32, #tpu.memory_space<vmem_shared>>
    tpu.enqueue_indirect_dma source(%dma_start3A_260 : memref<128x16xf32, #tpu.memory_space<vmem>>) target(%dma_start3A_266 : memref<10240x16xf32, #tpu.memory_space<vmem_shared>>) offsets(%dma_start3A_263 : memref<128xi32, #tpu.memory_space<vmem>>) semaphore(%arg21 : memref<!tpu.dma_semaphore, #tpu.memory_space<semaphore_mem>>) {add = true}
    %dma_wait3A_267 = arith.constant 3 : i32
    %dma_wait3A_268 = arith.constant 0 : i32
    %dma_wait3A_269 = arith.constant 0 : i32
    %dma_wait3A_270 = arith.constant 0 : i32
    %dma_wait3A_271 = tpu.memref_slice %arg9[%dma_wait3A_267, %dma_wait3A_269, %dma_wait3A_270] : memref<4x128x16xf32, #tpu.memory_space<vmem>> -> memref<1x128x16xf32, #tpu.memory_space<vmem>>
    %dma_wait3A_272 = tpu.memref_squeeze %dma_wait3A_271 : memref<1x128x16xf32, #tpu.memory_space<vmem>> -> memref<128x16xf32, #tpu.memory_space<vmem>>
    %dma_wait3A_273 = arith.constant 0 : i32
    %dma_wait3A_274 = tpu.memref_slice %arg8[%dma_wait3A_268, %dma_wait3A_273] : memref<79x128xi32, #tpu.memory_space<vmem>> -> memref<1x128xi32, #tpu.memory_space<vmem>>
    %dma_wait3A_275 = tpu.memref_squeeze %dma_wait3A_274 : memref<1x128xi32, #tpu.memory_space<vmem>> -> memref<128xi32, #tpu.memory_space<vmem>>
    %dma_wait3A_276 = arith.constant 0 : i32
    %dma_wait3A_277 = arith.constant 0 : i32
    %dma_wait3A_278 = tpu.memref_slice %arg13[%dma_wait3A_276, %dma_wait3A_277] : memref<10240x16xf32, #tpu.memory_space<vmem_shared>> -> memref<10240x16xf32, #tpu.memory_space<vmem_shared>>
    tpu.wait_indirect_dma semaphore(%arg21 : memref<!tpu.dma_semaphore, #tpu.memory_space<semaphore_mem>>) src(%dma_wait3A_272 : memref<128x16xf32, #tpu.memory_space<vmem>>) dst(%dma_wait3A_278 : memref<10240x16xf32, #tpu.memory_space<vmem_shared>>)
    %dma_wait3A_279 = arith.constant 0 : i32
    %dma_wait3A_280 = arith.constant 0 : i32
    %dma_wait3A_281 = arith.constant 0 : i32
    %dma_wait3A_282 = arith.constant 0 : i32
    %dma_wait3A_283 = tpu.memref_slice %arg9[%dma_wait3A_280, %dma_wait3A_281, %dma_wait3A_282] : memref<4x128x16xf32, #tpu.memory_space<vmem>> -> memref<1x128x16xf32, #tpu.memory_space<vmem>>
    %dma_wait3A_284 = tpu.memref_squeeze %dma_wait3A_283 : memref<1x128x16xf32, #tpu.memory_space<vmem>> -> memref<128x16xf32, #tpu.memory_space<vmem>>
    %dma_wait3A_285 = arith.constant 0 : i32
    %dma_wait3A_286 = tpu.memref_slice %arg7[%dma_wait3A_279, %dma_wait3A_285] : memref<79x128xi32, #tpu.memory_space<vmem>> -> memref<1x128xi32, #tpu.memory_space<vmem>>
    %dma_wait3A_287 = tpu.memref_squeeze %dma_wait3A_286 : memref<1x128xi32, #tpu.memory_space<vmem>> -> memref<128xi32, #tpu.memory_space<vmem>>
    %dma_wait3A_288 = arith.constant 0 : i32
    %dma_wait3A_289 = arith.constant 0 : i32
    %dma_wait3A_290 = tpu.memref_slice %arg12[%dma_wait3A_288, %dma_wait3A_289] : memref<10240x16xf32, #tpu.memory_space<vmem_shared>> -> memref<10240x16xf32, #tpu.memory_space<vmem_shared>>
    tpu.wait_indirect_dma semaphore(%arg14 : memref<!tpu.dma_semaphore, #tpu.memory_space<semaphore_mem>>) src(%dma_wait3A_290 : memref<10240x16xf32, #tpu.memory_space<vmem_shared>>) dst(%dma_wait3A_284 : memref<128x16xf32, #tpu.memory_space<vmem>>)
    %dma_start3A_291 = arith.constant 0 : i32
    %dma_start3A_292 = arith.constant 76 : i32
    %dma_start3A_293 = arith.constant 0 : i32
    %dma_start3A_294 = arith.constant 0 : i32
    %dma_start3A_295 = tpu.memref_slice %arg9[%dma_start3A_291, %dma_start3A_293, %dma_start3A_294] : memref<4x128x16xf32, #tpu.memory_space<vmem>> -> memref<1x128x16xf32, #tpu.memory_space<vmem>>
    %dma_start3A_296 = tpu.memref_squeeze %dma_start3A_295 : memref<1x128x16xf32, #tpu.memory_space<vmem>> -> memref<128x16xf32, #tpu.memory_space<vmem>>
    %dma_start3A_297 = arith.constant 0 : i32
    %dma_start3A_298 = tpu.memref_slice %arg8[%dma_start3A_292, %dma_start3A_297] : memref<79x128xi32, #tpu.memory_space<vmem>> -> memref<1x128xi32, #tpu.memory_space<vmem>>
    %dma_start3A_299 = tpu.memref_squeeze %dma_start3A_298 : memref<1x128xi32, #tpu.memory_space<vmem>> -> memref<128xi32, #tpu.memory_space<vmem>>
    %dma_start3A_300 = arith.constant 0 : i32
    %dma_start3A_301 = arith.constant 0 : i32
    %dma_start3A_302 = tpu.memref_slice %arg13[%dma_start3A_300, %dma_start3A_301] : memref<10240x16xf32, #tpu.memory_space<vmem_shared>> -> memref<10240x16xf32, #tpu.memory_space<vmem_shared>>
    tpu.enqueue_indirect_dma source(%dma_start3A_296 : memref<128x16xf32, #tpu.memory_space<vmem>>) target(%dma_start3A_302 : memref<10240x16xf32, #tpu.memory_space<vmem_shared>>) offsets(%dma_start3A_299 : memref<128xi32, #tpu.memory_space<vmem>>) semaphore(%arg18 : memref<!tpu.dma_semaphore, #tpu.memory_space<semaphore_mem>>) {add = true}
    %dma_wait3A_303 = arith.constant 0 : i32
    %dma_wait3A_304 = arith.constant 0 : i32
    %dma_wait3A_305 = arith.constant 0 : i32
    %dma_wait3A_306 = arith.constant 0 : i32
    %dma_wait3A_307 = tpu.memref_slice %arg9[%dma_wait3A_303, %dma_wait3A_305, %dma_wait3A_306] : memref<4x128x16xf32, #tpu.memory_space<vmem>> -> memref<1x128x16xf32, #tpu.memory_space<vmem>>
    %dma_wait3A_308 = tpu.memref_squeeze %dma_wait3A_307 : memref<1x128x16xf32, #tpu.memory_space<vmem>> -> memref<128x16xf32, #tpu.memory_space<vmem>>
    %dma_wait3A_309 = arith.constant 0 : i32
    %dma_wait3A_310 = tpu.memref_slice %arg8[%dma_wait3A_304, %dma_wait3A_309] : memref<79x128xi32, #tpu.memory_space<vmem>> -> memref<1x128xi32, #tpu.memory_space<vmem>>
    %dma_wait3A_311 = tpu.memref_squeeze %dma_wait3A_310 : memref<1x128xi32, #tpu.memory_space<vmem>> -> memref<128xi32, #tpu.memory_space<vmem>>
    %dma_wait3A_312 = arith.constant 0 : i32
    %dma_wait3A_313 = arith.constant 0 : i32
    %dma_wait3A_314 = tpu.memref_slice %arg13[%dma_wait3A_312, %dma_wait3A_313] : memref<10240x16xf32, #tpu.memory_space<vmem_shared>> -> memref<10240x16xf32, #tpu.memory_space<vmem_shared>>
    tpu.wait_indirect_dma semaphore(%arg18 : memref<!tpu.dma_semaphore, #tpu.memory_space<semaphore_mem>>) src(%dma_wait3A_308 : memref<128x16xf32, #tpu.memory_space<vmem>>) dst(%dma_wait3A_314 : memref<10240x16xf32, #tpu.memory_space<vmem_shared>>)
    %dma_wait3A_315 = arith.constant 0 : i32
    %dma_wait3A_316 = arith.constant 1 : i32
    %dma_wait3A_317 = arith.constant 0 : i32
    %dma_wait3A_318 = arith.constant 0 : i32
    %dma_wait3A_319 = tpu.memref_slice %arg9[%dma_wait3A_316, %dma_wait3A_317, %dma_wait3A_318] : memref<4x128x16xf32, #tpu.memory_space<vmem>> -> memref<1x128x16xf32, #tpu.memory_space<vmem>>
    %dma_wait3A_320 = tpu.memref_squeeze %dma_wait3A_319 : memref<1x128x16xf32, #tpu.memory_space<vmem>> -> memref<128x16xf32, #tpu.memory_space<vmem>>
    %dma_wait3A_321 = arith.constant 0 : i32
    %dma_wait3A_322 = tpu.memref_slice %arg7[%dma_wait3A_315, %dma_wait3A_321] : memref<79x128xi32, #tpu.memory_space<vmem>> -> memref<1x128xi32, #tpu.memory_space<vmem>>
    %dma_wait3A_323 = tpu.memref_squeeze %dma_wait3A_322 : memref<1x128xi32, #tpu.memory_space<vmem>> -> memref<128xi32, #tpu.memory_space<vmem>>
    %dma_wait3A_324 = arith.constant 0 : i32
    %dma_wait3A_325 = arith.constant 0 : i32
    %dma_wait3A_326 = tpu.memref_slice %arg12[%dma_wait3A_324, %dma_wait3A_325] : memref<10240x16xf32, #tpu.memory_space<vmem_shared>> -> memref<10240x16xf32, #tpu.memory_space<vmem_shared>>
    tpu.wait_indirect_dma semaphore(%arg15 : memref<!tpu.dma_semaphore, #tpu.memory_space<semaphore_mem>>) src(%dma_wait3A_326 : memref<10240x16xf32, #tpu.memory_space<vmem_shared>>) dst(%dma_wait3A_320 : memref<128x16xf32, #tpu.memory_space<vmem>>)
    %dma_start3A_327 = arith.constant 1 : i32
    %dma_start3A_328 = arith.constant 77 : i32
    %dma_start3A_329 = arith.constant 0 : i32
    %dma_start3A_330 = arith.constant 0 : i32
    %dma_start3A_331 = tpu.memref_slice %arg9[%dma_start3A_327, %dma_start3A_329, %dma_start3A_330] : memref<4x128x16xf32, #tpu.memory_space<vmem>> -> memref<1x128x16xf32, #tpu.memory_space<vmem>>
    %dma_start3A_332 = tpu.memref_squeeze %dma_start3A_331 : memref<1x128x16xf32, #tpu.memory_space<vmem>> -> memref<128x16xf32, #tpu.memory_space<vmem>>
    %dma_start3A_333 = arith.constant 0 : i32
    %dma_start3A_334 = tpu.memref_slice %arg8[%dma_start3A_328, %dma_start3A_333] : memref<79x128xi32, #tpu.memory_space<vmem>> -> memref<1x128xi32, #tpu.memory_space<vmem>>
    %dma_start3A_335 = tpu.memref_squeeze %dma_start3A_334 : memref<1x128xi32, #tpu.memory_space<vmem>> -> memref<128xi32, #tpu.memory_space<vmem>>
    %dma_start3A_336 = arith.constant 0 : i32
    %dma_start3A_337 = arith.constant 0 : i32
    %dma_start3A_338 = tpu.memref_slice %arg13[%dma_start3A_336, %dma_start3A_337] : memref<10240x16xf32, #tpu.memory_space<vmem_shared>> -> memref<10240x16xf32, #tpu.memory_space<vmem_shared>>
    tpu.enqueue_indirect_dma source(%dma_start3A_332 : memref<128x16xf32, #tpu.memory_space<vmem>>) target(%dma_start3A_338 : memref<10240x16xf32, #tpu.memory_space<vmem_shared>>) offsets(%dma_start3A_335 : memref<128xi32, #tpu.memory_space<vmem>>) semaphore(%arg19 : memref<!tpu.dma_semaphore, #tpu.memory_space<semaphore_mem>>) {add = true}
    %dma_wait3A_339 = arith.constant 1 : i32
    %dma_wait3A_340 = arith.constant 0 : i32
    %dma_wait3A_341 = arith.constant 0 : i32
    %dma_wait3A_342 = arith.constant 0 : i32
    %dma_wait3A_343 = tpu.memref_slice %arg9[%dma_wait3A_339, %dma_wait3A_341, %dma_wait3A_342] : memref<4x128x16xf32, #tpu.memory_space<vmem>> -> memref<1x128x16xf32, #tpu.memory_space<vmem>>
    %dma_wait3A_344 = tpu.memref_squeeze %dma_wait3A_343 : memref<1x128x16xf32, #tpu.memory_space<vmem>> -> memref<128x16xf32, #tpu.memory_space<vmem>>
    %dma_wait3A_345 = arith.constant 0 : i32
    %dma_wait3A_346 = tpu.memref_slice %arg8[%dma_wait3A_340, %dma_wait3A_345] : memref<79x128xi32, #tpu.memory_space<vmem>> -> memref<1x128xi32, #tpu.memory_space<vmem>>
    %dma_wait3A_347 = tpu.memref_squeeze %dma_wait3A_346 : memref<1x128xi32, #tpu.memory_space<vmem>> -> memref<128xi32, #tpu.memory_space<vmem>>
    %dma_wait3A_348 = arith.constant 0 : i32
    %dma_wait3A_349 = arith.constant 0 : i32
    %dma_wait3A_350 = tpu.memref_slice %arg13[%dma_wait3A_348, %dma_wait3A_349] : memref<10240x16xf32, #tpu.memory_space<vmem_shared>> -> memref<10240x16xf32, #tpu.memory_space<vmem_shared>>
    tpu.wait_indirect_dma semaphore(%arg19 : memref<!tpu.dma_semaphore, #tpu.memory_space<semaphore_mem>>) src(%dma_wait3A_344 : memref<128x16xf32, #tpu.memory_space<vmem>>) dst(%dma_wait3A_350 : memref<10240x16xf32, #tpu.memory_space<vmem_shared>>)
    %dma_wait3A_351 = arith.constant 0 : i32
    %dma_wait3A_352 = arith.constant 2 : i32
    %dma_wait3A_353 = arith.constant 0 : i32
    %dma_wait3A_354 = arith.constant 0 : i32
    %dma_wait3A_355 = tpu.memref_slice %arg9[%dma_wait3A_352, %dma_wait3A_353, %dma_wait3A_354] : memref<4x128x16xf32, #tpu.memory_space<vmem>> -> memref<1x128x16xf32, #tpu.memory_space<vmem>>
    %dma_wait3A_356 = tpu.memref_squeeze %dma_wait3A_355 : memref<1x128x16xf32, #tpu.memory_space<vmem>> -> memref<128x16xf32, #tpu.memory_space<vmem>>
    %dma_wait3A_357 = arith.constant 0 : i32
    %dma_wait3A_358 = tpu.memref_slice %arg7[%dma_wait3A_351, %dma_wait3A_357] : memref<79x128xi32, #tpu.memory_space<vmem>> -> memref<1x128xi32, #tpu.memory_space<vmem>>
    %dma_wait3A_359 = tpu.memref_squeeze %dma_wait3A_358 : memref<1x128xi32, #tpu.memory_space<vmem>> -> memref<128xi32, #tpu.memory_space<vmem>>
    %dma_wait3A_360 = arith.constant 0 : i32
    %dma_wait3A_361 = arith.constant 0 : i32
    %dma_wait3A_362 = tpu.memref_slice %arg12[%dma_wait3A_360, %dma_wait3A_361] : memref<10240x16xf32, #tpu.memory_space<vmem_shared>> -> memref<10240x16xf32, #tpu.memory_space<vmem_shared>>
    tpu.wait_indirect_dma semaphore(%arg16 : memref<!tpu.dma_semaphore, #tpu.memory_space<semaphore_mem>>) src(%dma_wait3A_362 : memref<10240x16xf32, #tpu.memory_space<vmem_shared>>) dst(%dma_wait3A_356 : memref<128x16xf32, #tpu.memory_space<vmem>>)
    %dma_start3A_363 = arith.constant 2 : i32
    %dma_start3A_364 = arith.constant 78 : i32
    %dma_start3A_365 = arith.constant 0 : i32
    %dma_start3A_366 = arith.constant 0 : i32
    %dma_start3A_367 = tpu.memref_slice %arg9[%dma_start3A_363, %dma_start3A_365, %dma_start3A_366] : memref<4x128x16xf32, #tpu.memory_space<vmem>> -> memref<1x128x16xf32, #tpu.memory_space<vmem>>
    %dma_start3A_368 = tpu.memref_squeeze %dma_start3A_367 : memref<1x128x16xf32, #tpu.memory_space<vmem>> -> memref<128x16xf32, #tpu.memory_space<vmem>>
    %dma_start3A_369 = arith.constant 0 : i32
    %dma_start3A_370 = tpu.memref_slice %arg8[%dma_start3A_364, %dma_start3A_369] : memref<79x128xi32, #tpu.memory_space<vmem>> -> memref<1x128xi32, #tpu.memory_space<vmem>>
    %dma_start3A_371 = tpu.memref_squeeze %dma_start3A_370 : memref<1x128xi32, #tpu.memory_space<vmem>> -> memref<128xi32, #tpu.memory_space<vmem>>
    %dma_start3A_372 = arith.constant 0 : i32
    %dma_start3A_373 = arith.constant 0 : i32
    %dma_start3A_374 = tpu.memref_slice %arg13[%dma_start3A_372, %dma_start3A_373] : memref<10240x16xf32, #tpu.memory_space<vmem_shared>> -> memref<10240x16xf32, #tpu.memory_space<vmem_shared>>
    tpu.enqueue_indirect_dma source(%dma_start3A_368 : memref<128x16xf32, #tpu.memory_space<vmem>>) target(%dma_start3A_374 : memref<10240x16xf32, #tpu.memory_space<vmem_shared>>) offsets(%dma_start3A_371 : memref<128xi32, #tpu.memory_space<vmem>>) semaphore(%arg20 : memref<!tpu.dma_semaphore, #tpu.memory_space<semaphore_mem>>) {add = true}
    %dma_wait3A_375 = arith.constant 2 : i32
    %dma_wait3A_376 = arith.constant 0 : i32
    %dma_wait3A_377 = arith.constant 0 : i32
    %dma_wait3A_378 = arith.constant 0 : i32
    %dma_wait3A_379 = tpu.memref_slice %arg9[%dma_wait3A_375, %dma_wait3A_377, %dma_wait3A_378] : memref<4x128x16xf32, #tpu.memory_space<vmem>> -> memref<1x128x16xf32, #tpu.memory_space<vmem>>
    %dma_wait3A_380 = tpu.memref_squeeze %dma_wait3A_379 : memref<1x128x16xf32, #tpu.memory_space<vmem>> -> memref<128x16xf32, #tpu.memory_space<vmem>>
    %dma_wait3A_381 = arith.constant 0 : i32
    %dma_wait3A_382 = tpu.memref_slice %arg8[%dma_wait3A_376, %dma_wait3A_381] : memref<79x128xi32, #tpu.memory_space<vmem>> -> memref<1x128xi32, #tpu.memory_space<vmem>>
    %dma_wait3A_383 = tpu.memref_squeeze %dma_wait3A_382 : memref<1x128xi32, #tpu.memory_space<vmem>> -> memref<128xi32, #tpu.memory_space<vmem>>
    %dma_wait3A_384 = arith.constant 0 : i32
    %dma_wait3A_385 = arith.constant 0 : i32
    %dma_wait3A_386 = tpu.memref_slice %arg13[%dma_wait3A_384, %dma_wait3A_385] : memref<10240x16xf32, #tpu.memory_space<vmem_shared>> -> memref<10240x16xf32, #tpu.memory_space<vmem_shared>>
    tpu.wait_indirect_dma semaphore(%arg20 : memref<!tpu.dma_semaphore, #tpu.memory_space<semaphore_mem>>) src(%dma_wait3A_380 : memref<128x16xf32, #tpu.memory_space<vmem>>) dst(%dma_wait3A_386 : memref<10240x16xf32, #tpu.memory_space<vmem_shared>>)
    %barrier3A_387 = arith.constant 0 : index
    tpu.barrier barrier_id(%barrier3A_387)
    %mul3A_388 = arith.constant 640 : i32
    %mul3A_389 = arith.muli %arg1, %mul3A_388 : i32
    "tpu.region"() ({
      %run_scoped3A = tpu.sem_alloc : memref<!tpu.dma_semaphore, #tpu.memory_space<semaphore_mem>>
      %dma_start3A_392 = arith.constant 0 : i32
      %dma_start3A_393 = tpu.memref_slice %arg13[%mul3A_389, %dma_start3A_392] : memref<10240x16xf32, #tpu.memory_space<vmem_shared>> -> memref<640x16xf32, #tpu.memory_space<vmem_shared>>
      %dma_start3A_394 = arith.constant 0 : i32
      %dma_start3A_395 = tpu.memref_slice %arg13[%mul3A_389, %dma_start3A_394] : memref<10240x16xf32, #tpu.memory_space<vmem_shared>> -> memref<640x16xf32, #tpu.memory_space<vmem_shared>>
      tpu.enqueue_dma source(%dma_start3A_395 : memref<640x16xf32, #tpu.memory_space<vmem_shared>>) target(%arg10 : memref<640x16xf32, #tpu.memory_space<vmem>>) target_semaphore(%run_scoped3A : memref<!tpu.dma_semaphore, #tpu.memory_space<semaphore_mem>>)
      %dma_wait3A_396 = arith.constant 0 : i32
      %dma_wait3A_397 = tpu.memref_slice %arg13[%mul3A_389, %dma_wait3A_396] : memref<10240x16xf32, #tpu.memory_space<vmem_shared>> -> memref<640x16xf32, #tpu.memory_space<vmem_shared>>
      %dma_wait3A_398 = arith.constant 0 : i32
      %dma_wait3A_399 = tpu.memref_slice %arg13[%mul3A_389, %dma_wait3A_398] : memref<10240x16xf32, #tpu.memory_space<vmem_shared>> -> memref<640x16xf32, #tpu.memory_space<vmem_shared>>
      tpu.wait_dma2 semaphore(%run_scoped3A : memref<!tpu.dma_semaphore, #tpu.memory_space<semaphore_mem>>) src(%dma_wait3A_399 : memref<640x16xf32, #tpu.memory_space<vmem_shared>>) dst(%arg10 : memref<640x16xf32, #tpu.memory_space<vmem>>)
      tpu.yield
    }) : () -> ()
    %mul3A_390 = arith.constant 640 : i32
    %mul3A_391 = arith.muli %arg1, %mul3A_390 : i32
    "tpu.region"() ({
      %run_scoped3A = tpu.sem_alloc : memref<!tpu.dma_semaphore, #tpu.memory_space<semaphore_mem>>
      %dma_start3A_392 = arith.constant 0 : i32
      %dma_start3A_393 = tpu.memref_slice %arg6[%arg0, %mul3A_391, %dma_start3A_392] : memref<2x10240x16xf32, #tpu.memory_space<hbm>> -> memref<1x640x16xf32, #tpu.memory_space<hbm>>
      %dma_start3A_394 = tpu.memref_squeeze %dma_start3A_393 : memref<1x640x16xf32, #tpu.memory_space<hbm>> -> memref<640x16xf32, #tpu.memory_space<hbm>>
      %dma_start3A_395 = arith.constant 0 : i32
      %dma_start3A_396 = tpu.memref_slice %arg6[%arg0, %mul3A_391, %dma_start3A_395] : memref<2x10240x16xf32, #tpu.memory_space<hbm>> -> memref<1x640x16xf32, #tpu.memory_space<hbm>>
      %dma_start3A_397 = tpu.memref_squeeze %dma_start3A_396 : memref<1x640x16xf32, #tpu.memory_space<hbm>> -> memref<640x16xf32, #tpu.memory_space<hbm>>
      tpu.enqueue_dma source(%arg10 : memref<640x16xf32, #tpu.memory_space<vmem>>) target(%dma_start3A_397 : memref<640x16xf32, #tpu.memory_space<hbm>>) target_semaphore(%run_scoped3A : memref<!tpu.dma_semaphore, #tpu.memory_space<semaphore_mem>>)
      %dma_wait3A_398 = arith.constant 0 : i32
      %dma_wait3A_399 = tpu.memref_slice %arg6[%arg0, %mul3A_391, %dma_wait3A_398] : memref<2x10240x16xf32, #tpu.memory_space<hbm>> -> memref<1x640x16xf32, #tpu.memory_space<hbm>>
      %dma_wait3A_400 = tpu.memref_squeeze %dma_wait3A_399 : memref<1x640x16xf32, #tpu.memory_space<hbm>> -> memref<640x16xf32, #tpu.memory_space<hbm>>
      %dma_wait3A_401 = arith.constant 0 : i32
      %dma_wait3A_402 = tpu.memref_slice %arg6[%arg0, %mul3A_391, %dma_wait3A_401] : memref<2x10240x16xf32, #tpu.memory_space<hbm>> -> memref<1x640x16xf32, #tpu.memory_space<hbm>>
      %dma_wait3A_403 = tpu.memref_squeeze %dma_wait3A_402 : memref<1x640x16xf32, #tpu.memory_space<hbm>> -> memref<640x16xf32, #tpu.memory_space<hbm>>
      tpu.wait_dma2 semaphore(%run_scoped3A : memref<!tpu.dma_semaphore, #tpu.memory_space<semaphore_mem>>) src(%arg10 : memref<640x16xf32, #tpu.memory_space<vmem>>) dst(%dma_wait3A_403 : memref<640x16xf32, #tpu.memory_space<hbm>>)
      tpu.yield
    }) : () -> ()
    return
  }
}

#map = affine_map<(d0, d1) -> (0, 0)>
#map1 = affine_map<(d0, d1) -> (0, 0, 0)>
module attributes {stable_mosaic.version = 14 : i64} {
  func.func @_sc_aggregate(%arg0: i32, %arg1: i32, %arg2: memref<10240x16xf32, #tpu.memory_space<hbm>>, %arg3: memref<32x79x128xi32, #tpu.memory_space<hbm>>, %arg4: memref<32x79x128xi32, #tpu.memory_space<hbm>>, %arg5: memref<640x16xf32, #tpu.memory_space<hbm>>, %arg6: memref<2x10240x16xf32, #tpu.memory_space<hbm>>, %arg7: memref<79x128xi32, #tpu.memory_space<vmem>>, %arg8: memref<79x128xi32, #tpu.memory_space<vmem>>, %arg9: memref<4x128x16xf32, #tpu.memory_space<vmem>>, %arg10: memref<640x16xf32, #tpu.memory_space<vmem>>, %arg11: memref<640x16xf32, #tpu.memory_space<vmem>>, %arg12: memref<10240x16xf32, #tpu.memory_space<vmem_shared>>, %arg13: memref<10240x16xf32, #tpu.memory_space<vmem_shared>>, %arg14: memref<!tpu.dma_semaphore, #tpu.memory_space<semaphore_mem>>, %arg15: memref<!tpu.dma_semaphore, #tpu.memory_space<semaphore_mem>>, %arg16: memref<!tpu.dma_semaphore, #tpu.memory_space<semaphore_mem>>, %arg17: memref<!tpu.dma_semaphore, #tpu.memory_space<semaphore_mem>>, %arg18: memref<!tpu.dma_semaphore, #tpu.memory_space<semaphore_mem>>, %arg19: memref<!tpu.dma_semaphore, #tpu.memory_space<semaphore_mem>>, %arg20: memref<!tpu.dma_semaphore, #tpu.memory_space<semaphore_mem>>, %arg21: memref<!tpu.dma_semaphore, #tpu.memory_space<semaphore_mem>>, %arg22: memref<!tpu.dma_semaphore, #tpu.memory_space<semaphore_mem>>, %arg23: memref<!tpu.dma_semaphore, #tpu.memory_space<semaphore_mem>>) attributes {dimension_semantics = [#tpu.dimension_semantics<core_parallel>, #tpu.dimension_semantics<subcore_parallel>], iteration_bounds = array<i64: 2, 16>, scalar_prefetch = 0 : i64, scratch_operands = 17 : i64, tpu.core_type = #tpu.core_type<sc_vector_subcore>, window_params = [{transform_indices = #map}, {transform_indices = #map1}, {transform_indices = #map1}, {transform_indices = #map}, {transform_indices = #map1}]} {
    %mul3A = arith.constant 16 : i32
    %mul3A_0 = arith.muli %arg0, %mul3A : i32
    %add3A = arith.addi %mul3A_0, %arg1 : i32
    %dma_start3A = arith.constant 0 : i32
    %dma_start3A_1 = arith.constant 0 : i32
    %dma_start3A_2 = tpu.memref_slice %arg3[%add3A, %dma_start3A, %dma_start3A_1] : memref<32x79x128xi32, #tpu.memory_space<hbm>> -> memref<1x79x128xi32, #tpu.memory_space<hbm>>
    %dma_start3A_3 = tpu.memref_squeeze %dma_start3A_2 : memref<1x79x128xi32, #tpu.memory_space<hbm>> -> memref<79x128xi32, #tpu.memory_space<hbm>>
    %dma_start3A_4 = arith.constant 0 : i32
    %dma_start3A_5 = arith.constant 0 : i32
    %dma_start3A_6 = tpu.memref_slice %arg3[%add3A, %dma_start3A_4, %dma_start3A_5] : memref<32x79x128xi32, #tpu.memory_space<hbm>> -> memref<1x79x128xi32, #tpu.memory_space<hbm>>
    %dma_start3A_7 = tpu.memref_squeeze %dma_start3A_6 : memref<1x79x128xi32, #tpu.memory_space<hbm>> -> memref<79x128xi32, #tpu.memory_space<hbm>>
    tpu.enqueue_dma source(%dma_start3A_7 : memref<79x128xi32, #tpu.memory_space<hbm>>) target(%arg7 : memref<79x128xi32, #tpu.memory_space<vmem>>) target_semaphore(%arg22 : memref<!tpu.dma_semaphore, #tpu.memory_space<semaphore_mem>>)
    %mul3A_8 = arith.constant 640 : i32
    %mul3A_9 = arith.muli %arg1, %mul3A_8 : i32
    %dma_start3A_10 = arith.constant 0 : i32
    %dma_start3A_11 = tpu.memref_slice %arg2[%mul3A_9, %dma_start3A_10] : memref<10240x16xf32, #tpu.memory_space<hbm>> -> memref<640x16xf32, #tpu.memory_space<hbm>>
    %dma_start3A_12 = arith.constant 0 : i32
    %dma_start3A_13 = tpu.memref_slice %arg2[%mul3A_9, %dma_start3A_12] : memref<10240x16xf32, #tpu.memory_space<hbm>> -> memref<640x16xf32, #tpu.memory_space<hbm>>
    tpu.enqueue_dma source(%dma_start3A_13 : memref<640x16xf32, #tpu.memory_space<hbm>>) target(%arg11 : memref<640x16xf32, #tpu.memory_space<vmem>>) target_semaphore(%arg23 : memref<!tpu.dma_semaphore, #tpu.memory_space<semaphore_mem>>)
    %dma_start3A_14 = arith.constant 0 : i32
    %dma_start3A_15 = arith.constant 0 : i32
    %dma_start3A_16 = tpu.memref_slice %arg4[%add3A, %dma_start3A_14, %dma_start3A_15] : memref<32x79x128xi32, #tpu.memory_space<hbm>> -> memref<1x79x128xi32, #tpu.memory_space<hbm>>
    %dma_start3A_17 = tpu.memref_squeeze %dma_start3A_16 : memref<1x79x128xi32, #tpu.memory_space<hbm>> -> memref<79x128xi32, #tpu.memory_space<hbm>>
    %dma_start3A_18 = arith.constant 0 : i32
    %dma_start3A_19 = arith.constant 0 : i32
    %dma_start3A_20 = tpu.memref_slice %arg4[%add3A, %dma_start3A_18, %dma_start3A_19] : memref<32x79x128xi32, #tpu.memory_space<hbm>> -> memref<1x79x128xi32, #tpu.memory_space<hbm>>
    %dma_start3A_21 = tpu.memref_squeeze %dma_start3A_20 : memref<1x79x128xi32, #tpu.memory_space<hbm>> -> memref<79x128xi32, #tpu.memory_space<hbm>>
    tpu.enqueue_dma source(%dma_start3A_21 : memref<79x128xi32, #tpu.memory_space<hbm>>) target(%arg8 : memref<79x128xi32, #tpu.memory_space<vmem>>) target_semaphore(%arg22 : memref<!tpu.dma_semaphore, #tpu.memory_space<semaphore_mem>>)
    "tpu.region"() ({
      %run_scoped3A = tpu.sem_alloc : memref<!tpu.dma_semaphore, #tpu.memory_space<semaphore_mem>>
      tpu.enqueue_dma source(%arg5 : memref<640x16xf32, #tpu.memory_space<hbm>>) target(%arg10 : memref<640x16xf32, #tpu.memory_space<vmem>>) target_semaphore(%run_scoped3A : memref<!tpu.dma_semaphore, #tpu.memory_space<semaphore_mem>>)
      tpu.wait_dma2 semaphore(%run_scoped3A : memref<!tpu.dma_semaphore, #tpu.memory_space<semaphore_mem>>) src(%arg5 : memref<640x16xf32, #tpu.memory_space<hbm>>) dst(%arg10 : memref<640x16xf32, #tpu.memory_space<vmem>>)
      tpu.yield
    }) : () -> ()
    %mul3A_22 = arith.constant 640 : i32
    %mul3A_23 = arith.muli %arg1, %mul3A_22 : i32
    "tpu.region"() ({
      %run_scoped3A = tpu.sem_alloc : memref<!tpu.dma_semaphore, #tpu.memory_space<semaphore_mem>>
      %dma_start3A_392 = arith.constant 0 : i32
      %dma_start3A_393 = tpu.memref_slice %arg13[%mul3A_23, %dma_start3A_392] : memref<10240x16xf32, #tpu.memory_space<vmem_shared>> -> memref<640x16xf32, #tpu.memory_space<vmem_shared>>
      %dma_start3A_394 = arith.constant 0 : i32
      %dma_start3A_395 = tpu.memref_slice %arg13[%mul3A_23, %dma_start3A_394] : memref<10240x16xf32, #tpu.memory_space<vmem_shared>> -> memref<640x16xf32, #tpu.memory_space<vmem_shared>>
      tpu.enqueue_dma source(%arg10 : memref<640x16xf32, #tpu.memory_space<vmem>>) target(%dma_start3A_395 : memref<640x16xf32, #tpu.memory_space<vmem_shared>>) target_semaphore(%run_scoped3A : memref<!tpu.dma_semaphore, #tpu.memory_space<semaphore_mem>>)
      %dma_wait3A_396 = arith.constant 0 : i32
      %dma_wait3A_397 = tpu.memref_slice %arg13[%mul3A_23, %dma_wait3A_396] : memref<10240x16xf32, #tpu.memory_space<vmem_shared>> -> memref<640x16xf32, #tpu.memory_space<vmem_shared>>
      %dma_wait3A_398 = arith.constant 0 : i32
      %dma_wait3A_399 = tpu.memref_slice %arg13[%mul3A_23, %dma_wait3A_398] : memref<10240x16xf32, #tpu.memory_space<vmem_shared>> -> memref<640x16xf32, #tpu.memory_space<vmem_shared>>
      tpu.wait_dma2 semaphore(%run_scoped3A : memref<!tpu.dma_semaphore, #tpu.memory_space<semaphore_mem>>) src(%arg10 : memref<640x16xf32, #tpu.memory_space<vmem>>) dst(%dma_wait3A_399 : memref<640x16xf32, #tpu.memory_space<vmem_shared>>)
      tpu.yield
    }) : () -> ()
    %dma_wait3A = arith.constant 0 : i32
    %dma_wait3A_24 = tpu.memref_slice %arg2[%mul3A_9, %dma_wait3A] : memref<10240x16xf32, #tpu.memory_space<hbm>> -> memref<640x16xf32, #tpu.memory_space<hbm>>
    %dma_wait3A_25 = arith.constant 0 : i32
    %dma_wait3A_26 = tpu.memref_slice %arg2[%mul3A_9, %dma_wait3A_25] : memref<10240x16xf32, #tpu.memory_space<hbm>> -> memref<640x16xf32, #tpu.memory_space<hbm>>
    tpu.wait_dma2 semaphore(%arg23 : memref<!tpu.dma_semaphore, #tpu.memory_space<semaphore_mem>>) src(%dma_wait3A_26 : memref<640x16xf32, #tpu.memory_space<hbm>>) dst(%arg11 : memref<640x16xf32, #tpu.memory_space<vmem>>)
    %mul3A_27 = arith.constant 640 : i32
    %mul3A_28 = arith.muli %arg1, %mul3A_27 : i32
    "tpu.region"() ({
      %run_scoped3A = tpu.sem_alloc : memref<!tpu.dma_semaphore, #tpu.memory_space<semaphore_mem>>
      %dma_start3A_392 = arith.constant 0 : i32
      %dma_start3A_393 = tpu.memref_slice %arg12[%mul3A_28, %dma_start3A_392] : memref<10240x16xf32, #tpu.memory_space<vmem_shared>> -> memref<640x16xf32, #tpu.memory_space<vmem_shared>>
      %dma_start3A_394 = arith.constant 0 : i32
      %dma_start3A_395 = tpu.memref_slice %arg12[%mul3A_28, %dma_start3A_394] : memref<10240x16xf32, #tpu.memory_space<vmem_shared>> -> memref<640x16xf32, #tpu.memory_space<vmem_shared>>
      tpu.enqueue_dma source(%arg11 : memref<640x16xf32, #tpu.memory_space<vmem>>) target(%dma_start3A_395 : memref<640x16xf32, #tpu.memory_space<vmem_shared>>) target_semaphore(%run_scoped3A : memref<!tpu.dma_semaphore, #tpu.memory_space<semaphore_mem>>)
      %dma_wait3A_396 = arith.constant 0 : i32
      %dma_wait3A_397 = tpu.memref_slice %arg12[%mul3A_28, %dma_wait3A_396] : memref<10240x16xf32, #tpu.memory_space<vmem_shared>> -> memref<640x16xf32, #tpu.memory_space<vmem_shared>>
      %dma_wait3A_398 = arith.constant 0 : i32
      %dma_wait3A_399 = tpu.memref_slice %arg12[%mul3A_28, %dma_wait3A_398] : memref<10240x16xf32, #tpu.memory_space<vmem_shared>> -> memref<640x16xf32, #tpu.memory_space<vmem_shared>>
      tpu.wait_dma2 semaphore(%run_scoped3A : memref<!tpu.dma_semaphore, #tpu.memory_space<semaphore_mem>>) src(%arg11 : memref<640x16xf32, #tpu.memory_space<vmem>>) dst(%dma_wait3A_399 : memref<640x16xf32, #tpu.memory_space<vmem_shared>>)
      tpu.yield
    }) : () -> ()
    %dma_wait3A_29 = arith.constant 0 : i32
    %dma_wait3A_30 = arith.constant 0 : i32
    %dma_wait3A_31 = tpu.memref_slice %arg3[%add3A, %dma_wait3A_29, %dma_wait3A_30] : memref<32x79x128xi32, #tpu.memory_space<hbm>> -> memref<1x79x128xi32, #tpu.memory_space<hbm>>
    %dma_wait3A_32 = tpu.memref_squeeze %dma_wait3A_31 : memref<1x79x128xi32, #tpu.memory_space<hbm>> -> memref<79x128xi32, #tpu.memory_space<hbm>>
    %dma_wait3A_33 = arith.constant 0 : i32
    %dma_wait3A_34 = arith.constant 0 : i32
    %dma_wait3A_35 = tpu.memref_slice %arg3[%add3A, %dma_wait3A_33, %dma_wait3A_34] : memref<32x79x128xi32, #tpu.memory_space<hbm>> -> memref<1x79x128xi32, #tpu.memory_space<hbm>>
    %dma_wait3A_36 = tpu.memref_squeeze %dma_wait3A_35 : memref<1x79x128xi32, #tpu.memory_space<hbm>> -> memref<79x128xi32, #tpu.memory_space<hbm>>
    tpu.wait_dma2 semaphore(%arg22 : memref<!tpu.dma_semaphore, #tpu.memory_space<semaphore_mem>>) src(%dma_wait3A_36 : memref<79x128xi32, #tpu.memory_space<hbm>>) dst(%arg7 : memref<79x128xi32, #tpu.memory_space<vmem>>)
    %dma_wait3A_37 = arith.constant 0 : i32
    %dma_wait3A_38 = arith.constant 0 : i32
    %dma_wait3A_39 = tpu.memref_slice %arg4[%add3A, %dma_wait3A_37, %dma_wait3A_38] : memref<32x79x128xi32, #tpu.memory_space<hbm>> -> memref<1x79x128xi32, #tpu.memory_space<hbm>>
    %dma_wait3A_40 = tpu.memref_squeeze %dma_wait3A_39 : memref<1x79x128xi32, #tpu.memory_space<hbm>> -> memref<79x128xi32, #tpu.memory_space<hbm>>
    %dma_wait3A_41 = arith.constant 0 : i32
    %dma_wait3A_42 = arith.constant 0 : i32
    %dma_wait3A_43 = tpu.memref_slice %arg4[%add3A, %dma_wait3A_41, %dma_wait3A_42] : memref<32x79x128xi32, #tpu.memory_space<hbm>> -> memref<1x79x128xi32, #tpu.memory_space<hbm>>
    %dma_wait3A_44 = tpu.memref_squeeze %dma_wait3A_43 : memref<1x79x128xi32, #tpu.memory_space<hbm>> -> memref<79x128xi32, #tpu.memory_space<hbm>>
    tpu.wait_dma2 semaphore(%arg22 : memref<!tpu.dma_semaphore, #tpu.memory_space<semaphore_mem>>) src(%dma_wait3A_44 : memref<79x128xi32, #tpu.memory_space<hbm>>) dst(%arg8 : memref<79x128xi32, #tpu.memory_space<vmem>>)
    %barrier3A = arith.constant 0 : index
    tpu.barrier barrier_id(%barrier3A)
    %dma_start3A_45 = arith.constant 0 : i32
    %dma_start3A_46 = arith.constant 0 : i32
    %dma_start3A_47 = arith.constant 0 : i32
    %dma_start3A_48 = arith.constant 0 : i32
    %dma_start3A_49 = tpu.memref_slice %arg9[%dma_start3A_46, %dma_start3A_47, %dma_start3A_48] : memref<4x128x16xf32, #tpu.memory_space<vmem>> -> memref<1x128x16xf32, #tpu.memory_space<vmem>>
    %dma_start3A_50 = tpu.memref_squeeze %dma_start3A_49 : memref<1x128x16xf32, #tpu.memory_space<vmem>> -> memref<128x16xf32, #tpu.memory_space<vmem>>
    %dma_start3A_51 = arith.constant 0 : i32
    %dma_start3A_52 = tpu.memref_slice %arg7[%dma_start3A_45, %dma_start3A_51] : memref<79x128xi32, #tpu.memory_space<vmem>> -> memref<1x128xi32, #tpu.memory_space<vmem>>
    %dma_start3A_53 = tpu.memref_squeeze %dma_start3A_52 : memref<1x128xi32, #tpu.memory_space<vmem>> -> memref<128xi32, #tpu.memory_space<vmem>>
    %dma_start3A_54 = arith.constant 0 : i32
    %dma_start3A_55 = arith.constant 0 : i32
    %dma_start3A_56 = tpu.memref_slice %arg12[%dma_start3A_54, %dma_start3A_55] : memref<10240x16xf32, #tpu.memory_space<vmem_shared>> -> memref<10240x16xf32, #tpu.memory_space<vmem_shared>>
    tpu.enqueue_indirect_dma source(%dma_start3A_56 : memref<10240x16xf32, #tpu.memory_space<vmem_shared>>) target(%dma_start3A_50 : memref<128x16xf32, #tpu.memory_space<vmem>>) offsets(%dma_start3A_53 : memref<128xi32, #tpu.memory_space<vmem>>) semaphore(%arg14 : memref<!tpu.dma_semaphore, #tpu.memory_space<semaphore_mem>>)
    %dma_start3A_57 = arith.constant 1 : i32
    %dma_start3A_58 = arith.constant 1 : i32
    %dma_start3A_59 = arith.constant 0 : i32
    %dma_start3A_60 = arith.constant 0 : i32
    %dma_start3A_61 = tpu.memref_slice %arg9[%dma_start3A_58, %dma_start3A_59, %dma_start3A_60] : memref<4x128x16xf32, #tpu.memory_space<vmem>> -> memref<1x128x16xf32, #tpu.memory_space<vmem>>
    %dma_start3A_62 = tpu.memref_squeeze %dma_start3A_61 : memref<1x128x16xf32, #tpu.memory_space<vmem>> -> memref<128x16xf32, #tpu.memory_space<vmem>>
    %dma_start3A_63 = arith.constant 0 : i32
    %dma_start3A_64 = tpu.memref_slice %arg7[%dma_start3A_57, %dma_start3A_63] : memref<79x128xi32, #tpu.memory_space<vmem>> -> memref<1x128xi32, #tpu.memory_space<vmem>>
    %dma_start3A_65 = tpu.memref_squeeze %dma_start3A_64 : memref<1x128xi32, #tpu.memory_space<vmem>> -> memref<128xi32, #tpu.memory_space<vmem>>
    %dma_start3A_66 = arith.constant 0 : i32
    %dma_start3A_67 = arith.constant 0 : i32
    %dma_start3A_68 = tpu.memref_slice %arg12[%dma_start3A_66, %dma_start3A_67] : memref<10240x16xf32, #tpu.memory_space<vmem_shared>> -> memref<10240x16xf32, #tpu.memory_space<vmem_shared>>
    tpu.enqueue_indirect_dma source(%dma_start3A_68 : memref<10240x16xf32, #tpu.memory_space<vmem_shared>>) target(%dma_start3A_62 : memref<128x16xf32, #tpu.memory_space<vmem>>) offsets(%dma_start3A_65 : memref<128xi32, #tpu.memory_space<vmem>>) semaphore(%arg15 : memref<!tpu.dma_semaphore, #tpu.memory_space<semaphore_mem>>)
    %dma_start3A_69 = arith.constant 2 : i32
    %dma_start3A_70 = arith.constant 2 : i32
    %dma_start3A_71 = arith.constant 0 : i32
    %dma_start3A_72 = arith.constant 0 : i32
    %dma_start3A_73 = tpu.memref_slice %arg9[%dma_start3A_70, %dma_start3A_71, %dma_start3A_72] : memref<4x128x16xf32, #tpu.memory_space<vmem>> -> memref<1x128x16xf32, #tpu.memory_space<vmem>>
    %dma_start3A_74 = tpu.memref_squeeze %dma_start3A_73 : memref<1x128x16xf32, #tpu.memory_space<vmem>> -> memref<128x16xf32, #tpu.memory_space<vmem>>
    %dma_start3A_75 = arith.constant 0 : i32
    %dma_start3A_76 = tpu.memref_slice %arg7[%dma_start3A_69, %dma_start3A_75] : memref<79x128xi32, #tpu.memory_space<vmem>> -> memref<1x128xi32, #tpu.memory_space<vmem>>
    %dma_start3A_77 = tpu.memref_squeeze %dma_start3A_76 : memref<1x128xi32, #tpu.memory_space<vmem>> -> memref<128xi32, #tpu.memory_space<vmem>>
    %dma_start3A_78 = arith.constant 0 : i32
    %dma_start3A_79 = arith.constant 0 : i32
    %dma_start3A_80 = tpu.memref_slice %arg12[%dma_start3A_78, %dma_start3A_79] : memref<10240x16xf32, #tpu.memory_space<vmem_shared>> -> memref<10240x16xf32, #tpu.memory_space<vmem_shared>>
    tpu.enqueue_indirect_dma source(%dma_start3A_80 : memref<10240x16xf32, #tpu.memory_space<vmem_shared>>) target(%dma_start3A_74 : memref<128x16xf32, #tpu.memory_space<vmem>>) offsets(%dma_start3A_77 : memref<128xi32, #tpu.memory_space<vmem>>) semaphore(%arg16 : memref<!tpu.dma_semaphore, #tpu.memory_space<semaphore_mem>>)
    %dma_start3A_81 = arith.constant 3 : i32
    %dma_start3A_82 = arith.constant 3 : i32
    %dma_start3A_83 = arith.constant 0 : i32
    %dma_start3A_84 = arith.constant 0 : i32
    %dma_start3A_85 = tpu.memref_slice %arg9[%dma_start3A_82, %dma_start3A_83, %dma_start3A_84] : memref<4x128x16xf32, #tpu.memory_space<vmem>> -> memref<1x128x16xf32, #tpu.memory_space<vmem>>
    %dma_start3A_86 = tpu.memref_squeeze %dma_start3A_85 : memref<1x128x16xf32, #tpu.memory_space<vmem>> -> memref<128x16xf32, #tpu.memory_space<vmem>>
    %dma_start3A_87 = arith.constant 0 : i32
    %dma_start3A_88 = tpu.memref_slice %arg7[%dma_start3A_81, %dma_start3A_87] : memref<79x128xi32, #tpu.memory_space<vmem>> -> memref<1x128xi32, #tpu.memory_space<vmem>>
    %dma_start3A_89 = tpu.memref_squeeze %dma_start3A_88 : memref<1x128xi32, #tpu.memory_space<vmem>> -> memref<128xi32, #tpu.memory_space<vmem>>
    %dma_start3A_90 = arith.constant 0 : i32
    %dma_start3A_91 = arith.constant 0 : i32
    %dma_start3A_92 = tpu.memref_slice %arg12[%dma_start3A_90, %dma_start3A_91] : memref<10240x16xf32, #tpu.memory_space<vmem_shared>> -> memref<10240x16xf32, #tpu.memory_space<vmem_shared>>
    tpu.enqueue_indirect_dma source(%dma_start3A_92 : memref<10240x16xf32, #tpu.memory_space<vmem_shared>>) target(%dma_start3A_86 : memref<128x16xf32, #tpu.memory_space<vmem>>) offsets(%dma_start3A_89 : memref<128xi32, #tpu.memory_space<vmem>>) semaphore(%arg17 : memref<!tpu.dma_semaphore, #tpu.memory_space<semaphore_mem>>)
    %scan3A = arith.constant 0 : i32
    %scan3A_93 = arith.constant 0 : i32
    %scan3A_94 = arith.constant 18 : i32
    %scan3A_95 = arith.addi %scan3A_93, %scan3A_94 : i32
    %scan3A_96 = arith.constant 1 : i32
    %scan3A_97 = scf.for %scan3A_392 = %scan3A_93 to %scan3A_95 step %scan3A_96 iter_args(%scan3A_393 = %scan3A) -> (i32)  : i32 {
      %mul3A_394 = arith.constant 4 : i32
      %mul3A_395 = arith.muli %mul3A_394, %scan3A_392 : i32
      %add3A_396 = arith.constant 0 : i32
      %add3A_397 = arith.addi %mul3A_395, %add3A_396 : i32
      %dma_wait3A_398 = arith.constant 0 : i32
      %dma_wait3A_399 = arith.constant 0 : i32
      %dma_wait3A_400 = arith.constant 0 : i32
      %dma_wait3A_401 = arith.constant 0 : i32
      %dma_wait3A_402 = tpu.memref_slice %arg9[%dma_wait3A_399, %dma_wait3A_400, %dma_wait3A_401] : memref<4x128x16xf32, #tpu.memory_space<vmem>> -> memref<1x128x16xf32, #tpu.memory_space<vmem>>
      %dma_wait3A_403 = tpu.memref_squeeze %dma_wait3A_402 : memref<1x128x16xf32, #tpu.memory_space<vmem>> -> memref<128x16xf32, #tpu.memory_space<vmem>>
      %dma_wait3A_404 = arith.constant 0 : i32
      %dma_wait3A_405 = tpu.memref_slice %arg7[%dma_wait3A_398, %dma_wait3A_404] : memref<79x128xi32, #tpu.memory_space<vmem>> -> memref<1x128xi32, #tpu.memory_space<vmem>>
      %dma_wait3A_406 = tpu.memref_squeeze %dma_wait3A_405 : memref<1x128xi32, #tpu.memory_space<vmem>> -> memref<128xi32, #tpu.memory_space<vmem>>
      %dma_wait3A_407 = arith.constant 0 : i32
      %dma_wait3A_408 = arith.constant 0 : i32
      %dma_wait3A_409 = tpu.memref_slice %arg12[%dma_wait3A_407, %dma_wait3A_408] : memref<10240x16xf32, #tpu.memory_space<vmem_shared>> -> memref<10240x16xf32, #tpu.memory_space<vmem_shared>>
      tpu.wait_indirect_dma semaphore(%arg14 : memref<!tpu.dma_semaphore, #tpu.memory_space<semaphore_mem>>) src(%dma_wait3A_409 : memref<10240x16xf32, #tpu.memory_space<vmem_shared>>) dst(%dma_wait3A_403 : memref<128x16xf32, #tpu.memory_space<vmem>>)
      %dma_start3A_410 = arith.constant 0 : i32
      %dma_start3A_411 = arith.constant 0 : i32
      %dma_start3A_412 = arith.constant 0 : i32
      %dma_start3A_413 = tpu.memref_slice %arg9[%dma_start3A_410, %dma_start3A_411, %dma_start3A_412] : memref<4x128x16xf32, #tpu.memory_space<vmem>> -> memref<1x128x16xf32, #tpu.memory_space<vmem>>
      %dma_start3A_414 = tpu.memref_squeeze %dma_start3A_413 : memref<1x128x16xf32, #tpu.memory_space<vmem>> -> memref<128x16xf32, #tpu.memory_space<vmem>>
      %dma_start3A_415 = arith.constant 0 : i32
      %dma_start3A_416 = tpu.memref_slice %arg8[%add3A_397, %dma_start3A_415] : memref<79x128xi32, #tpu.memory_space<vmem>> -> memref<1x128xi32, #tpu.memory_space<vmem>>
      %dma_start3A_417 = tpu.memref_squeeze %dma_start3A_416 : memref<1x128xi32, #tpu.memory_space<vmem>> -> memref<128xi32, #tpu.memory_space<vmem>>
      %dma_start3A_418 = arith.constant 0 : i32
      %dma_start3A_419 = arith.constant 0 : i32
      %dma_start3A_420 = tpu.memref_slice %arg13[%dma_start3A_418, %dma_start3A_419] : memref<10240x16xf32, #tpu.memory_space<vmem_shared>> -> memref<10240x16xf32, #tpu.memory_space<vmem_shared>>
      tpu.enqueue_indirect_dma source(%dma_start3A_414 : memref<128x16xf32, #tpu.memory_space<vmem>>) target(%dma_start3A_420 : memref<10240x16xf32, #tpu.memory_space<vmem_shared>>) offsets(%dma_start3A_417 : memref<128xi32, #tpu.memory_space<vmem>>) semaphore(%arg18 : memref<!tpu.dma_semaphore, #tpu.memory_space<semaphore_mem>>) {add = true}
      %dma_wait3A_421 = arith.constant 0 : i32
      %dma_wait3A_422 = arith.constant 0 : i32
      %dma_wait3A_423 = arith.constant 0 : i32
      %dma_wait3A_424 = arith.constant 0 : i32
      %dma_wait3A_425 = tpu.memref_slice %arg9[%dma_wait3A_421, %dma_wait3A_423, %dma_wait3A_424] : memref<4x128x16xf32, #tpu.memory_space<vmem>> -> memref<1x128x16xf32, #tpu.memory_space<vmem>>
      %dma_wait3A_426 = tpu.memref_squeeze %dma_wait3A_425 : memref<1x128x16xf32, #tpu.memory_space<vmem>> -> memref<128x16xf32, #tpu.memory_space<vmem>>
      %dma_wait3A_427 = arith.constant 0 : i32
      %dma_wait3A_428 = tpu.memref_slice %arg8[%dma_wait3A_422, %dma_wait3A_427] : memref<79x128xi32, #tpu.memory_space<vmem>> -> memref<1x128xi32, #tpu.memory_space<vmem>>
      %dma_wait3A_429 = tpu.memref_squeeze %dma_wait3A_428 : memref<1x128xi32, #tpu.memory_space<vmem>> -> memref<128xi32, #tpu.memory_space<vmem>>
      %dma_wait3A_430 = arith.constant 0 : i32
      %dma_wait3A_431 = arith.constant 0 : i32
      %dma_wait3A_432 = tpu.memref_slice %arg13[%dma_wait3A_430, %dma_wait3A_431] : memref<10240x16xf32, #tpu.memory_space<vmem_shared>> -> memref<10240x16xf32, #tpu.memory_space<vmem_shared>>
      tpu.wait_indirect_dma semaphore(%arg18 : memref<!tpu.dma_semaphore, #tpu.memory_space<semaphore_mem>>) src(%dma_wait3A_426 : memref<128x16xf32, #tpu.memory_space<vmem>>) dst(%dma_wait3A_432 : memref<10240x16xf32, #tpu.memory_space<vmem_shared>>)
      %add3A_433 = arith.constant 4 : i32
      %add3A_434 = arith.addi %add3A_397, %add3A_433 : i32
      %dma_start3A_435 = arith.constant 0 : i32
      %dma_start3A_436 = arith.constant 0 : i32
      %dma_start3A_437 = arith.constant 0 : i32
      %dma_start3A_438 = tpu.memref_slice %arg9[%dma_start3A_435, %dma_start3A_436, %dma_start3A_437] : memref<4x128x16xf32, #tpu.memory_space<vmem>> -> memref<1x128x16xf32, #tpu.memory_space<vmem>>
      %dma_start3A_439 = tpu.memref_squeeze %dma_start3A_438 : memref<1x128x16xf32, #tpu.memory_space<vmem>> -> memref<128x16xf32, #tpu.memory_space<vmem>>
      %dma_start3A_440 = arith.constant 0 : i32
      %dma_start3A_441 = tpu.memref_slice %arg7[%add3A_434, %dma_start3A_440] : memref<79x128xi32, #tpu.memory_space<vmem>> -> memref<1x128xi32, #tpu.memory_space<vmem>>
      %dma_start3A_442 = tpu.memref_squeeze %dma_start3A_441 : memref<1x128xi32, #tpu.memory_space<vmem>> -> memref<128xi32, #tpu.memory_space<vmem>>
      %dma_start3A_443 = arith.constant 0 : i32
      %dma_start3A_444 = arith.constant 0 : i32
      %dma_start3A_445 = tpu.memref_slice %arg12[%dma_start3A_443, %dma_start3A_444] : memref<10240x16xf32, #tpu.memory_space<vmem_shared>> -> memref<10240x16xf32, #tpu.memory_space<vmem_shared>>
      tpu.enqueue_indirect_dma source(%dma_start3A_445 : memref<10240x16xf32, #tpu.memory_space<vmem_shared>>) target(%dma_start3A_439 : memref<128x16xf32, #tpu.memory_space<vmem>>) offsets(%dma_start3A_442 : memref<128xi32, #tpu.memory_space<vmem>>) semaphore(%arg14 : memref<!tpu.dma_semaphore, #tpu.memory_space<semaphore_mem>>)
      %mul3A_446 = arith.constant 4 : i32
      %mul3A_447 = arith.muli %mul3A_446, %scan3A_392 : i32
      %add3A_448 = arith.constant 1 : i32
      %add3A_449 = arith.addi %mul3A_447, %add3A_448 : i32
      %dma_wait3A_450 = arith.constant 0 : i32
      %dma_wait3A_451 = arith.constant 1 : i32
      %dma_wait3A_452 = arith.constant 0 : i32
      %dma_wait3A_453 = arith.constant 0 : i32
      %dma_wait3A_454 = tpu.memref_slice %arg9[%dma_wait3A_451, %dma_wait3A_452, %dma_wait3A_453] : memref<4x128x16xf32, #tpu.memory_space<vmem>> -> memref<1x128x16xf32, #tpu.memory_space<vmem>>
      %dma_wait3A_455 = tpu.memref_squeeze %dma_wait3A_454 : memref<1x128x16xf32, #tpu.memory_space<vmem>> -> memref<128x16xf32, #tpu.memory_space<vmem>>
      %dma_wait3A_456 = arith.constant 0 : i32
      %dma_wait3A_457 = tpu.memref_slice %arg7[%dma_wait3A_450, %dma_wait3A_456] : memref<79x128xi32, #tpu.memory_space<vmem>> -> memref<1x128xi32, #tpu.memory_space<vmem>>
      %dma_wait3A_458 = tpu.memref_squeeze %dma_wait3A_457 : memref<1x128xi32, #tpu.memory_space<vmem>> -> memref<128xi32, #tpu.memory_space<vmem>>
      %dma_wait3A_459 = arith.constant 0 : i32
      %dma_wait3A_460 = arith.constant 0 : i32
      %dma_wait3A_461 = tpu.memref_slice %arg12[%dma_wait3A_459, %dma_wait3A_460] : memref<10240x16xf32, #tpu.memory_space<vmem_shared>> -> memref<10240x16xf32, #tpu.memory_space<vmem_shared>>
      tpu.wait_indirect_dma semaphore(%arg15 : memref<!tpu.dma_semaphore, #tpu.memory_space<semaphore_mem>>) src(%dma_wait3A_461 : memref<10240x16xf32, #tpu.memory_space<vmem_shared>>) dst(%dma_wait3A_455 : memref<128x16xf32, #tpu.memory_space<vmem>>)
      %dma_start3A_462 = arith.constant 1 : i32
      %dma_start3A_463 = arith.constant 0 : i32
      %dma_start3A_464 = arith.constant 0 : i32
      %dma_start3A_465 = tpu.memref_slice %arg9[%dma_start3A_462, %dma_start3A_463, %dma_start3A_464] : memref<4x128x16xf32, #tpu.memory_space<vmem>> -> memref<1x128x16xf32, #tpu.memory_space<vmem>>
      %dma_start3A_466 = tpu.memref_squeeze %dma_start3A_465 : memref<1x128x16xf32, #tpu.memory_space<vmem>> -> memref<128x16xf32, #tpu.memory_space<vmem>>
      %dma_start3A_467 = arith.constant 0 : i32
      %dma_start3A_468 = tpu.memref_slice %arg8[%add3A_449, %dma_start3A_467] : memref<79x128xi32, #tpu.memory_space<vmem>> -> memref<1x128xi32, #tpu.memory_space<vmem>>
      %dma_start3A_469 = tpu.memref_squeeze %dma_start3A_468 : memref<1x128xi32, #tpu.memory_space<vmem>> -> memref<128xi32, #tpu.memory_space<vmem>>
      %dma_start3A_470 = arith.constant 0 : i32
      %dma_start3A_471 = arith.constant 0 : i32
      %dma_start3A_472 = tpu.memref_slice %arg13[%dma_start3A_470, %dma_start3A_471] : memref<10240x16xf32, #tpu.memory_space<vmem_shared>> -> memref<10240x16xf32, #tpu.memory_space<vmem_shared>>
      tpu.enqueue_indirect_dma source(%dma_start3A_466 : memref<128x16xf32, #tpu.memory_space<vmem>>) target(%dma_start3A_472 : memref<10240x16xf32, #tpu.memory_space<vmem_shared>>) offsets(%dma_start3A_469 : memref<128xi32, #tpu.memory_space<vmem>>) semaphore(%arg19 : memref<!tpu.dma_semaphore, #tpu.memory_space<semaphore_mem>>) {add = true}
      %dma_wait3A_473 = arith.constant 1 : i32
      %dma_wait3A_474 = arith.constant 0 : i32
      %dma_wait3A_475 = arith.constant 0 : i32
      %dma_wait3A_476 = arith.constant 0 : i32
      %dma_wait3A_477 = tpu.memref_slice %arg9[%dma_wait3A_473, %dma_wait3A_475, %dma_wait3A_476] : memref<4x128x16xf32, #tpu.memory_space<vmem>> -> memref<1x128x16xf32, #tpu.memory_space<vmem>>
      %dma_wait3A_478 = tpu.memref_squeeze %dma_wait3A_477 : memref<1x128x16xf32, #tpu.memory_space<vmem>> -> memref<128x16xf32, #tpu.memory_space<vmem>>
      %dma_wait3A_479 = arith.constant 0 : i32
      %dma_wait3A_480 = tpu.memref_slice %arg8[%dma_wait3A_474, %dma_wait3A_479] : memref<79x128xi32, #tpu.memory_space<vmem>> -> memref<1x128xi32, #tpu.memory_space<vmem>>
      %dma_wait3A_481 = tpu.memref_squeeze %dma_wait3A_480 : memref<1x128xi32, #tpu.memory_space<vmem>> -> memref<128xi32, #tpu.memory_space<vmem>>
      %dma_wait3A_482 = arith.constant 0 : i32
      %dma_wait3A_483 = arith.constant 0 : i32
      %dma_wait3A_484 = tpu.memref_slice %arg13[%dma_wait3A_482, %dma_wait3A_483] : memref<10240x16xf32, #tpu.memory_space<vmem_shared>> -> memref<10240x16xf32, #tpu.memory_space<vmem_shared>>
      tpu.wait_indirect_dma semaphore(%arg19 : memref<!tpu.dma_semaphore, #tpu.memory_space<semaphore_mem>>) src(%dma_wait3A_478 : memref<128x16xf32, #tpu.memory_space<vmem>>) dst(%dma_wait3A_484 : memref<10240x16xf32, #tpu.memory_space<vmem_shared>>)
      %add3A_485 = arith.constant 4 : i32
      %add3A_486 = arith.addi %add3A_449, %add3A_485 : i32
      %dma_start3A_487 = arith.constant 1 : i32
      %dma_start3A_488 = arith.constant 0 : i32
      %dma_start3A_489 = arith.constant 0 : i32
      %dma_start3A_490 = tpu.memref_slice %arg9[%dma_start3A_487, %dma_start3A_488, %dma_start3A_489] : memref<4x128x16xf32, #tpu.memory_space<vmem>> -> memref<1x128x16xf32, #tpu.memory_space<vmem>>
      %dma_start3A_491 = tpu.memref_squeeze %dma_start3A_490 : memref<1x128x16xf32, #tpu.memory_space<vmem>> -> memref<128x16xf32, #tpu.memory_space<vmem>>
      %dma_start3A_492 = arith.constant 0 : i32
      %dma_start3A_493 = tpu.memref_slice %arg7[%add3A_486, %dma_start3A_492] : memref<79x128xi32, #tpu.memory_space<vmem>> -> memref<1x128xi32, #tpu.memory_space<vmem>>
      %dma_start3A_494 = tpu.memref_squeeze %dma_start3A_493 : memref<1x128xi32, #tpu.memory_space<vmem>> -> memref<128xi32, #tpu.memory_space<vmem>>
      %dma_start3A_495 = arith.constant 0 : i32
      %dma_start3A_496 = arith.constant 0 : i32
      %dma_start3A_497 = tpu.memref_slice %arg12[%dma_start3A_495, %dma_start3A_496] : memref<10240x16xf32, #tpu.memory_space<vmem_shared>> -> memref<10240x16xf32, #tpu.memory_space<vmem_shared>>
      tpu.enqueue_indirect_dma source(%dma_start3A_497 : memref<10240x16xf32, #tpu.memory_space<vmem_shared>>) target(%dma_start3A_491 : memref<128x16xf32, #tpu.memory_space<vmem>>) offsets(%dma_start3A_494 : memref<128xi32, #tpu.memory_space<vmem>>) semaphore(%arg15 : memref<!tpu.dma_semaphore, #tpu.memory_space<semaphore_mem>>)
      %mul3A_498 = arith.constant 4 : i32
      %mul3A_499 = arith.muli %mul3A_498, %scan3A_392 : i32
      %add3A_500 = arith.constant 2 : i32
      %add3A_501 = arith.addi %mul3A_499, %add3A_500 : i32
      %dma_wait3A_502 = arith.constant 0 : i32
      %dma_wait3A_503 = arith.constant 2 : i32
      %dma_wait3A_504 = arith.constant 0 : i32
      %dma_wait3A_505 = arith.constant 0 : i32
      %dma_wait3A_506 = tpu.memref_slice %arg9[%dma_wait3A_503, %dma_wait3A_504, %dma_wait3A_505] : memref<4x128x16xf32, #tpu.memory_space<vmem>> -> memref<1x128x16xf32, #tpu.memory_space<vmem>>
      %dma_wait3A_507 = tpu.memref_squeeze %dma_wait3A_506 : memref<1x128x16xf32, #tpu.memory_space<vmem>> -> memref<128x16xf32, #tpu.memory_space<vmem>>
      %dma_wait3A_508 = arith.constant 0 : i32
      %dma_wait3A_509 = tpu.memref_slice %arg7[%dma_wait3A_502, %dma_wait3A_508] : memref<79x128xi32, #tpu.memory_space<vmem>> -> memref<1x128xi32, #tpu.memory_space<vmem>>
      %dma_wait3A_510 = tpu.memref_squeeze %dma_wait3A_509 : memref<1x128xi32, #tpu.memory_space<vmem>> -> memref<128xi32, #tpu.memory_space<vmem>>
      %dma_wait3A_511 = arith.constant 0 : i32
      %dma_wait3A_512 = arith.constant 0 : i32
      %dma_wait3A_513 = tpu.memref_slice %arg12[%dma_wait3A_511, %dma_wait3A_512] : memref<10240x16xf32, #tpu.memory_space<vmem_shared>> -> memref<10240x16xf32, #tpu.memory_space<vmem_shared>>
      tpu.wait_indirect_dma semaphore(%arg16 : memref<!tpu.dma_semaphore, #tpu.memory_space<semaphore_mem>>) src(%dma_wait3A_513 : memref<10240x16xf32, #tpu.memory_space<vmem_shared>>) dst(%dma_wait3A_507 : memref<128x16xf32, #tpu.memory_space<vmem>>)
      %dma_start3A_514 = arith.constant 2 : i32
      %dma_start3A_515 = arith.constant 0 : i32
      %dma_start3A_516 = arith.constant 0 : i32
      %dma_start3A_517 = tpu.memref_slice %arg9[%dma_start3A_514, %dma_start3A_515, %dma_start3A_516] : memref<4x128x16xf32, #tpu.memory_space<vmem>> -> memref<1x128x16xf32, #tpu.memory_space<vmem>>
      %dma_start3A_518 = tpu.memref_squeeze %dma_start3A_517 : memref<1x128x16xf32, #tpu.memory_space<vmem>> -> memref<128x16xf32, #tpu.memory_space<vmem>>
      %dma_start3A_519 = arith.constant 0 : i32
      %dma_start3A_520 = tpu.memref_slice %arg8[%add3A_501, %dma_start3A_519] : memref<79x128xi32, #tpu.memory_space<vmem>> -> memref<1x128xi32, #tpu.memory_space<vmem>>
      %dma_start3A_521 = tpu.memref_squeeze %dma_start3A_520 : memref<1x128xi32, #tpu.memory_space<vmem>> -> memref<128xi32, #tpu.memory_space<vmem>>
      %dma_start3A_522 = arith.constant 0 : i32
      %dma_start3A_523 = arith.constant 0 : i32
      %dma_start3A_524 = tpu.memref_slice %arg13[%dma_start3A_522, %dma_start3A_523] : memref<10240x16xf32, #tpu.memory_space<vmem_shared>> -> memref<10240x16xf32, #tpu.memory_space<vmem_shared>>
      tpu.enqueue_indirect_dma source(%dma_start3A_518 : memref<128x16xf32, #tpu.memory_space<vmem>>) target(%dma_start3A_524 : memref<10240x16xf32, #tpu.memory_space<vmem_shared>>) offsets(%dma_start3A_521 : memref<128xi32, #tpu.memory_space<vmem>>) semaphore(%arg20 : memref<!tpu.dma_semaphore, #tpu.memory_space<semaphore_mem>>) {add = true}
      %dma_wait3A_525 = arith.constant 2 : i32
      %dma_wait3A_526 = arith.constant 0 : i32
      %dma_wait3A_527 = arith.constant 0 : i32
      %dma_wait3A_528 = arith.constant 0 : i32
      %dma_wait3A_529 = tpu.memref_slice %arg9[%dma_wait3A_525, %dma_wait3A_527, %dma_wait3A_528] : memref<4x128x16xf32, #tpu.memory_space<vmem>> -> memref<1x128x16xf32, #tpu.memory_space<vmem>>
      %dma_wait3A_530 = tpu.memref_squeeze %dma_wait3A_529 : memref<1x128x16xf32, #tpu.memory_space<vmem>> -> memref<128x16xf32, #tpu.memory_space<vmem>>
      %dma_wait3A_531 = arith.constant 0 : i32
      %dma_wait3A_532 = tpu.memref_slice %arg8[%dma_wait3A_526, %dma_wait3A_531] : memref<79x128xi32, #tpu.memory_space<vmem>> -> memref<1x128xi32, #tpu.memory_space<vmem>>
      %dma_wait3A_533 = tpu.memref_squeeze %dma_wait3A_532 : memref<1x128xi32, #tpu.memory_space<vmem>> -> memref<128xi32, #tpu.memory_space<vmem>>
      %dma_wait3A_534 = arith.constant 0 : i32
      %dma_wait3A_535 = arith.constant 0 : i32
      %dma_wait3A_536 = tpu.memref_slice %arg13[%dma_wait3A_534, %dma_wait3A_535] : memref<10240x16xf32, #tpu.memory_space<vmem_shared>> -> memref<10240x16xf32, #tpu.memory_space<vmem_shared>>
      tpu.wait_indirect_dma semaphore(%arg20 : memref<!tpu.dma_semaphore, #tpu.memory_space<semaphore_mem>>) src(%dma_wait3A_530 : memref<128x16xf32, #tpu.memory_space<vmem>>) dst(%dma_wait3A_536 : memref<10240x16xf32, #tpu.memory_space<vmem_shared>>)
      %add3A_537 = arith.constant 4 : i32
      %add3A_538 = arith.addi %add3A_501, %add3A_537 : i32
      %dma_start3A_539 = arith.constant 2 : i32
      %dma_start3A_540 = arith.constant 0 : i32
      %dma_start3A_541 = arith.constant 0 : i32
      %dma_start3A_542 = tpu.memref_slice %arg9[%dma_start3A_539, %dma_start3A_540, %dma_start3A_541] : memref<4x128x16xf32, #tpu.memory_space<vmem>> -> memref<1x128x16xf32, #tpu.memory_space<vmem>>
      %dma_start3A_543 = tpu.memref_squeeze %dma_start3A_542 : memref<1x128x16xf32, #tpu.memory_space<vmem>> -> memref<128x16xf32, #tpu.memory_space<vmem>>
      %dma_start3A_544 = arith.constant 0 : i32
      %dma_start3A_545 = tpu.memref_slice %arg7[%add3A_538, %dma_start3A_544] : memref<79x128xi32, #tpu.memory_space<vmem>> -> memref<1x128xi32, #tpu.memory_space<vmem>>
      %dma_start3A_546 = tpu.memref_squeeze %dma_start3A_545 : memref<1x128xi32, #tpu.memory_space<vmem>> -> memref<128xi32, #tpu.memory_space<vmem>>
      %dma_start3A_547 = arith.constant 0 : i32
      %dma_start3A_548 = arith.constant 0 : i32
      %dma_start3A_549 = tpu.memref_slice %arg12[%dma_start3A_547, %dma_start3A_548] : memref<10240x16xf32, #tpu.memory_space<vmem_shared>> -> memref<10240x16xf32, #tpu.memory_space<vmem_shared>>
      tpu.enqueue_indirect_dma source(%dma_start3A_549 : memref<10240x16xf32, #tpu.memory_space<vmem_shared>>) target(%dma_start3A_543 : memref<128x16xf32, #tpu.memory_space<vmem>>) offsets(%dma_start3A_546 : memref<128xi32, #tpu.memory_space<vmem>>) semaphore(%arg16 : memref<!tpu.dma_semaphore, #tpu.memory_space<semaphore_mem>>)
      %mul3A_550 = arith.constant 4 : i32
      %mul3A_551 = arith.muli %mul3A_550, %scan3A_392 : i32
      %add3A_552 = arith.constant 3 : i32
      %add3A_553 = arith.addi %mul3A_551, %add3A_552 : i32
      %dma_wait3A_554 = arith.constant 0 : i32
      %dma_wait3A_555 = arith.constant 3 : i32
      %dma_wait3A_556 = arith.constant 0 : i32
      %dma_wait3A_557 = arith.constant 0 : i32
      %dma_wait3A_558 = tpu.memref_slice %arg9[%dma_wait3A_555, %dma_wait3A_556, %dma_wait3A_557] : memref<4x128x16xf32, #tpu.memory_space<vmem>> -> memref<1x128x16xf32, #tpu.memory_space<vmem>>
      %dma_wait3A_559 = tpu.memref_squeeze %dma_wait3A_558 : memref<1x128x16xf32, #tpu.memory_space<vmem>> -> memref<128x16xf32, #tpu.memory_space<vmem>>
      %dma_wait3A_560 = arith.constant 0 : i32
      %dma_wait3A_561 = tpu.memref_slice %arg7[%dma_wait3A_554, %dma_wait3A_560] : memref<79x128xi32, #tpu.memory_space<vmem>> -> memref<1x128xi32, #tpu.memory_space<vmem>>
      %dma_wait3A_562 = tpu.memref_squeeze %dma_wait3A_561 : memref<1x128xi32, #tpu.memory_space<vmem>> -> memref<128xi32, #tpu.memory_space<vmem>>
      %dma_wait3A_563 = arith.constant 0 : i32
      %dma_wait3A_564 = arith.constant 0 : i32
      %dma_wait3A_565 = tpu.memref_slice %arg12[%dma_wait3A_563, %dma_wait3A_564] : memref<10240x16xf32, #tpu.memory_space<vmem_shared>> -> memref<10240x16xf32, #tpu.memory_space<vmem_shared>>
      tpu.wait_indirect_dma semaphore(%arg17 : memref<!tpu.dma_semaphore, #tpu.memory_space<semaphore_mem>>) src(%dma_wait3A_565 : memref<10240x16xf32, #tpu.memory_space<vmem_shared>>) dst(%dma_wait3A_559 : memref<128x16xf32, #tpu.memory_space<vmem>>)
      %dma_start3A_566 = arith.constant 3 : i32
      %dma_start3A_567 = arith.constant 0 : i32
      %dma_start3A_568 = arith.constant 0 : i32
      %dma_start3A_569 = tpu.memref_slice %arg9[%dma_start3A_566, %dma_start3A_567, %dma_start3A_568] : memref<4x128x16xf32, #tpu.memory_space<vmem>> -> memref<1x128x16xf32, #tpu.memory_space<vmem>>
      %dma_start3A_570 = tpu.memref_squeeze %dma_start3A_569 : memref<1x128x16xf32, #tpu.memory_space<vmem>> -> memref<128x16xf32, #tpu.memory_space<vmem>>
      %dma_start3A_571 = arith.constant 0 : i32
      %dma_start3A_572 = tpu.memref_slice %arg8[%add3A_553, %dma_start3A_571] : memref<79x128xi32, #tpu.memory_space<vmem>> -> memref<1x128xi32, #tpu.memory_space<vmem>>
      %dma_start3A_573 = tpu.memref_squeeze %dma_start3A_572 : memref<1x128xi32, #tpu.memory_space<vmem>> -> memref<128xi32, #tpu.memory_space<vmem>>
      %dma_start3A_574 = arith.constant 0 : i32
      %dma_start3A_575 = arith.constant 0 : i32
      %dma_start3A_576 = tpu.memref_slice %arg13[%dma_start3A_574, %dma_start3A_575] : memref<10240x16xf32, #tpu.memory_space<vmem_shared>> -> memref<10240x16xf32, #tpu.memory_space<vmem_shared>>
      tpu.enqueue_indirect_dma source(%dma_start3A_570 : memref<128x16xf32, #tpu.memory_space<vmem>>) target(%dma_start3A_576 : memref<10240x16xf32, #tpu.memory_space<vmem_shared>>) offsets(%dma_start3A_573 : memref<128xi32, #tpu.memory_space<vmem>>) semaphore(%arg21 : memref<!tpu.dma_semaphore, #tpu.memory_space<semaphore_mem>>) {add = true}
      %dma_wait3A_577 = arith.constant 3 : i32
      %dma_wait3A_578 = arith.constant 0 : i32
      %dma_wait3A_579 = arith.constant 0 : i32
      %dma_wait3A_580 = arith.constant 0 : i32
      %dma_wait3A_581 = tpu.memref_slice %arg9[%dma_wait3A_577, %dma_wait3A_579, %dma_wait3A_580] : memref<4x128x16xf32, #tpu.memory_space<vmem>> -> memref<1x128x16xf32, #tpu.memory_space<vmem>>
      %dma_wait3A_582 = tpu.memref_squeeze %dma_wait3A_581 : memref<1x128x16xf32, #tpu.memory_space<vmem>> -> memref<128x16xf32, #tpu.memory_space<vmem>>
      %dma_wait3A_583 = arith.constant 0 : i32
      %dma_wait3A_584 = tpu.memref_slice %arg8[%dma_wait3A_578, %dma_wait3A_583] : memref<79x128xi32, #tpu.memory_space<vmem>> -> memref<1x128xi32, #tpu.memory_space<vmem>>
      %dma_wait3A_585 = tpu.memref_squeeze %dma_wait3A_584 : memref<1x128xi32, #tpu.memory_space<vmem>> -> memref<128xi32, #tpu.memory_space<vmem>>
      %dma_wait3A_586 = arith.constant 0 : i32
      %dma_wait3A_587 = arith.constant 0 : i32
      %dma_wait3A_588 = tpu.memref_slice %arg13[%dma_wait3A_586, %dma_wait3A_587] : memref<10240x16xf32, #tpu.memory_space<vmem_shared>> -> memref<10240x16xf32, #tpu.memory_space<vmem_shared>>
      tpu.wait_indirect_dma semaphore(%arg21 : memref<!tpu.dma_semaphore, #tpu.memory_space<semaphore_mem>>) src(%dma_wait3A_582 : memref<128x16xf32, #tpu.memory_space<vmem>>) dst(%dma_wait3A_588 : memref<10240x16xf32, #tpu.memory_space<vmem_shared>>)
      %add3A_589 = arith.constant 4 : i32
      %add3A_590 = arith.addi %add3A_553, %add3A_589 : i32
      %dma_start3A_591 = arith.constant 3 : i32
      %dma_start3A_592 = arith.constant 0 : i32
      %dma_start3A_593 = arith.constant 0 : i32
      %dma_start3A_594 = tpu.memref_slice %arg9[%dma_start3A_591, %dma_start3A_592, %dma_start3A_593] : memref<4x128x16xf32, #tpu.memory_space<vmem>> -> memref<1x128x16xf32, #tpu.memory_space<vmem>>
      %dma_start3A_595 = tpu.memref_squeeze %dma_start3A_594 : memref<1x128x16xf32, #tpu.memory_space<vmem>> -> memref<128x16xf32, #tpu.memory_space<vmem>>
      %dma_start3A_596 = arith.constant 0 : i32
      %dma_start3A_597 = tpu.memref_slice %arg7[%add3A_590, %dma_start3A_596] : memref<79x128xi32, #tpu.memory_space<vmem>> -> memref<1x128xi32, #tpu.memory_space<vmem>>
      %dma_start3A_598 = tpu.memref_squeeze %dma_start3A_597 : memref<1x128xi32, #tpu.memory_space<vmem>> -> memref<128xi32, #tpu.memory_space<vmem>>
      %dma_start3A_599 = arith.constant 0 : i32
      %dma_start3A_600 = arith.constant 0 : i32
      %dma_start3A_601 = tpu.memref_slice %arg12[%dma_start3A_599, %dma_start3A_600] : memref<10240x16xf32, #tpu.memory_space<vmem_shared>> -> memref<10240x16xf32, #tpu.memory_space<vmem_shared>>
      tpu.enqueue_indirect_dma source(%dma_start3A_601 : memref<10240x16xf32, #tpu.memory_space<vmem_shared>>) target(%dma_start3A_595 : memref<128x16xf32, #tpu.memory_space<vmem>>) offsets(%dma_start3A_598 : memref<128xi32, #tpu.memory_space<vmem>>) semaphore(%arg17 : memref<!tpu.dma_semaphore, #tpu.memory_space<semaphore_mem>>)
      %scan3A_602 = arith.constant 0 : i32
      scf.yield %scan3A_602 : i32
    }
    %scan3A_98 = arith.constant 18 : i32
    %dma_wait3A_99 = arith.constant 0 : i32
    %dma_wait3A_100 = arith.constant 0 : i32
    %dma_wait3A_101 = arith.constant 0 : i32
    %dma_wait3A_102 = arith.constant 0 : i32
    %dma_wait3A_103 = tpu.memref_slice %arg9[%dma_wait3A_100, %dma_wait3A_101, %dma_wait3A_102] : memref<4x128x16xf32, #tpu.memory_space<vmem>> -> memref<1x128x16xf32, #tpu.memory_space<vmem>>
    %dma_wait3A_104 = tpu.memref_squeeze %dma_wait3A_103 : memref<1x128x16xf32, #tpu.memory_space<vmem>> -> memref<128x16xf32, #tpu.memory_space<vmem>>
    %dma_wait3A_105 = arith.constant 0 : i32
    %dma_wait3A_106 = tpu.memref_slice %arg7[%dma_wait3A_99, %dma_wait3A_105] : memref<79x128xi32, #tpu.memory_space<vmem>> -> memref<1x128xi32, #tpu.memory_space<vmem>>
    %dma_wait3A_107 = tpu.memref_squeeze %dma_wait3A_106 : memref<1x128xi32, #tpu.memory_space<vmem>> -> memref<128xi32, #tpu.memory_space<vmem>>
    %dma_wait3A_108 = arith.constant 0 : i32
    %dma_wait3A_109 = arith.constant 0 : i32
    %dma_wait3A_110 = tpu.memref_slice %arg12[%dma_wait3A_108, %dma_wait3A_109] : memref<10240x16xf32, #tpu.memory_space<vmem_shared>> -> memref<10240x16xf32, #tpu.memory_space<vmem_shared>>
    tpu.wait_indirect_dma semaphore(%arg14 : memref<!tpu.dma_semaphore, #tpu.memory_space<semaphore_mem>>) src(%dma_wait3A_110 : memref<10240x16xf32, #tpu.memory_space<vmem_shared>>) dst(%dma_wait3A_104 : memref<128x16xf32, #tpu.memory_space<vmem>>)
    %dma_start3A_111 = arith.constant 0 : i32
    %dma_start3A_112 = arith.constant 72 : i32
    %dma_start3A_113 = arith.constant 0 : i32
    %dma_start3A_114 = arith.constant 0 : i32
    %dma_start3A_115 = tpu.memref_slice %arg9[%dma_start3A_111, %dma_start3A_113, %dma_start3A_114] : memref<4x128x16xf32, #tpu.memory_space<vmem>> -> memref<1x128x16xf32, #tpu.memory_space<vmem>>
    %dma_start3A_116 = tpu.memref_squeeze %dma_start3A_115 : memref<1x128x16xf32, #tpu.memory_space<vmem>> -> memref<128x16xf32, #tpu.memory_space<vmem>>
    %dma_start3A_117 = arith.constant 0 : i32
    %dma_start3A_118 = tpu.memref_slice %arg8[%dma_start3A_112, %dma_start3A_117] : memref<79x128xi32, #tpu.memory_space<vmem>> -> memref<1x128xi32, #tpu.memory_space<vmem>>
    %dma_start3A_119 = tpu.memref_squeeze %dma_start3A_118 : memref<1x128xi32, #tpu.memory_space<vmem>> -> memref<128xi32, #tpu.memory_space<vmem>>
    %dma_start3A_120 = arith.constant 0 : i32
    %dma_start3A_121 = arith.constant 0 : i32
    %dma_start3A_122 = tpu.memref_slice %arg13[%dma_start3A_120, %dma_start3A_121] : memref<10240x16xf32, #tpu.memory_space<vmem_shared>> -> memref<10240x16xf32, #tpu.memory_space<vmem_shared>>
    tpu.enqueue_indirect_dma source(%dma_start3A_116 : memref<128x16xf32, #tpu.memory_space<vmem>>) target(%dma_start3A_122 : memref<10240x16xf32, #tpu.memory_space<vmem_shared>>) offsets(%dma_start3A_119 : memref<128xi32, #tpu.memory_space<vmem>>) semaphore(%arg18 : memref<!tpu.dma_semaphore, #tpu.memory_space<semaphore_mem>>) {add = true}
    %dma_wait3A_123 = arith.constant 0 : i32
    %dma_wait3A_124 = arith.constant 0 : i32
    %dma_wait3A_125 = arith.constant 0 : i32
    %dma_wait3A_126 = arith.constant 0 : i32
    %dma_wait3A_127 = tpu.memref_slice %arg9[%dma_wait3A_123, %dma_wait3A_125, %dma_wait3A_126] : memref<4x128x16xf32, #tpu.memory_space<vmem>> -> memref<1x128x16xf32, #tpu.memory_space<vmem>>
    %dma_wait3A_128 = tpu.memref_squeeze %dma_wait3A_127 : memref<1x128x16xf32, #tpu.memory_space<vmem>> -> memref<128x16xf32, #tpu.memory_space<vmem>>
    %dma_wait3A_129 = arith.constant 0 : i32
    %dma_wait3A_130 = tpu.memref_slice %arg8[%dma_wait3A_124, %dma_wait3A_129] : memref<79x128xi32, #tpu.memory_space<vmem>> -> memref<1x128xi32, #tpu.memory_space<vmem>>
    %dma_wait3A_131 = tpu.memref_squeeze %dma_wait3A_130 : memref<1x128xi32, #tpu.memory_space<vmem>> -> memref<128xi32, #tpu.memory_space<vmem>>
    %dma_wait3A_132 = arith.constant 0 : i32
    %dma_wait3A_133 = arith.constant 0 : i32
    %dma_wait3A_134 = tpu.memref_slice %arg13[%dma_wait3A_132, %dma_wait3A_133] : memref<10240x16xf32, #tpu.memory_space<vmem_shared>> -> memref<10240x16xf32, #tpu.memory_space<vmem_shared>>
    tpu.wait_indirect_dma semaphore(%arg18 : memref<!tpu.dma_semaphore, #tpu.memory_space<semaphore_mem>>) src(%dma_wait3A_128 : memref<128x16xf32, #tpu.memory_space<vmem>>) dst(%dma_wait3A_134 : memref<10240x16xf32, #tpu.memory_space<vmem_shared>>)
    %dma_start3A_135 = arith.constant 76 : i32
    %dma_start3A_136 = arith.constant 0 : i32
    %dma_start3A_137 = arith.constant 0 : i32
    %dma_start3A_138 = arith.constant 0 : i32
    %dma_start3A_139 = tpu.memref_slice %arg9[%dma_start3A_136, %dma_start3A_137, %dma_start3A_138] : memref<4x128x16xf32, #tpu.memory_space<vmem>> -> memref<1x128x16xf32, #tpu.memory_space<vmem>>
    %dma_start3A_140 = tpu.memref_squeeze %dma_start3A_139 : memref<1x128x16xf32, #tpu.memory_space<vmem>> -> memref<128x16xf32, #tpu.memory_space<vmem>>
    %dma_start3A_141 = arith.constant 0 : i32
    %dma_start3A_142 = tpu.memref_slice %arg7[%dma_start3A_135, %dma_start3A_141] : memref<79x128xi32, #tpu.memory_space<vmem>> -> memref<1x128xi32, #tpu.memory_space<vmem>>
    %dma_start3A_143 = tpu.memref_squeeze %dma_start3A_142 : memref<1x128xi32, #tpu.memory_space<vmem>> -> memref<128xi32, #tpu.memory_space<vmem>>
    %dma_start3A_144 = arith.constant 0 : i32
    %dma_start3A_145 = arith.constant 0 : i32
    %dma_start3A_146 = tpu.memref_slice %arg12[%dma_start3A_144, %dma_start3A_145] : memref<10240x16xf32, #tpu.memory_space<vmem_shared>> -> memref<10240x16xf32, #tpu.memory_space<vmem_shared>>
    tpu.enqueue_indirect_dma source(%dma_start3A_146 : memref<10240x16xf32, #tpu.memory_space<vmem_shared>>) target(%dma_start3A_140 : memref<128x16xf32, #tpu.memory_space<vmem>>) offsets(%dma_start3A_143 : memref<128xi32, #tpu.memory_space<vmem>>) semaphore(%arg14 : memref<!tpu.dma_semaphore, #tpu.memory_space<semaphore_mem>>)
    %dma_wait3A_147 = arith.constant 0 : i32
    %dma_wait3A_148 = arith.constant 1 : i32
    %dma_wait3A_149 = arith.constant 0 : i32
    %dma_wait3A_150 = arith.constant 0 : i32
    %dma_wait3A_151 = tpu.memref_slice %arg9[%dma_wait3A_148, %dma_wait3A_149, %dma_wait3A_150] : memref<4x128x16xf32, #tpu.memory_space<vmem>> -> memref<1x128x16xf32, #tpu.memory_space<vmem>>
    %dma_wait3A_152 = tpu.memref_squeeze %dma_wait3A_151 : memref<1x128x16xf32, #tpu.memory_space<vmem>> -> memref<128x16xf32, #tpu.memory_space<vmem>>
    %dma_wait3A_153 = arith.constant 0 : i32
    %dma_wait3A_154 = tpu.memref_slice %arg7[%dma_wait3A_147, %dma_wait3A_153] : memref<79x128xi32, #tpu.memory_space<vmem>> -> memref<1x128xi32, #tpu.memory_space<vmem>>
    %dma_wait3A_155 = tpu.memref_squeeze %dma_wait3A_154 : memref<1x128xi32, #tpu.memory_space<vmem>> -> memref<128xi32, #tpu.memory_space<vmem>>
    %dma_wait3A_156 = arith.constant 0 : i32
    %dma_wait3A_157 = arith.constant 0 : i32
    %dma_wait3A_158 = tpu.memref_slice %arg12[%dma_wait3A_156, %dma_wait3A_157] : memref<10240x16xf32, #tpu.memory_space<vmem_shared>> -> memref<10240x16xf32, #tpu.memory_space<vmem_shared>>
    tpu.wait_indirect_dma semaphore(%arg15 : memref<!tpu.dma_semaphore, #tpu.memory_space<semaphore_mem>>) src(%dma_wait3A_158 : memref<10240x16xf32, #tpu.memory_space<vmem_shared>>) dst(%dma_wait3A_152 : memref<128x16xf32, #tpu.memory_space<vmem>>)
    %dma_start3A_159 = arith.constant 1 : i32
    %dma_start3A_160 = arith.constant 73 : i32
    %dma_start3A_161 = arith.constant 0 : i32
    %dma_start3A_162 = arith.constant 0 : i32
    %dma_start3A_163 = tpu.memref_slice %arg9[%dma_start3A_159, %dma_start3A_161, %dma_start3A_162] : memref<4x128x16xf32, #tpu.memory_space<vmem>> -> memref<1x128x16xf32, #tpu.memory_space<vmem>>
    %dma_start3A_164 = tpu.memref_squeeze %dma_start3A_163 : memref<1x128x16xf32, #tpu.memory_space<vmem>> -> memref<128x16xf32, #tpu.memory_space<vmem>>
    %dma_start3A_165 = arith.constant 0 : i32
    %dma_start3A_166 = tpu.memref_slice %arg8[%dma_start3A_160, %dma_start3A_165] : memref<79x128xi32, #tpu.memory_space<vmem>> -> memref<1x128xi32, #tpu.memory_space<vmem>>
    %dma_start3A_167 = tpu.memref_squeeze %dma_start3A_166 : memref<1x128xi32, #tpu.memory_space<vmem>> -> memref<128xi32, #tpu.memory_space<vmem>>
    %dma_start3A_168 = arith.constant 0 : i32
    %dma_start3A_169 = arith.constant 0 : i32
    %dma_start3A_170 = tpu.memref_slice %arg13[%dma_start3A_168, %dma_start3A_169] : memref<10240x16xf32, #tpu.memory_space<vmem_shared>> -> memref<10240x16xf32, #tpu.memory_space<vmem_shared>>
    tpu.enqueue_indirect_dma source(%dma_start3A_164 : memref<128x16xf32, #tpu.memory_space<vmem>>) target(%dma_start3A_170 : memref<10240x16xf32, #tpu.memory_space<vmem_shared>>) offsets(%dma_start3A_167 : memref<128xi32, #tpu.memory_space<vmem>>) semaphore(%arg19 : memref<!tpu.dma_semaphore, #tpu.memory_space<semaphore_mem>>) {add = true}
    %dma_wait3A_171 = arith.constant 1 : i32
    %dma_wait3A_172 = arith.constant 0 : i32
    %dma_wait3A_173 = arith.constant 0 : i32
    %dma_wait3A_174 = arith.constant 0 : i32
    %dma_wait3A_175 = tpu.memref_slice %arg9[%dma_wait3A_171, %dma_wait3A_173, %dma_wait3A_174] : memref<4x128x16xf32, #tpu.memory_space<vmem>> -> memref<1x128x16xf32, #tpu.memory_space<vmem>>
    %dma_wait3A_176 = tpu.memref_squeeze %dma_wait3A_175 : memref<1x128x16xf32, #tpu.memory_space<vmem>> -> memref<128x16xf32, #tpu.memory_space<vmem>>
    %dma_wait3A_177 = arith.constant 0 : i32
    %dma_wait3A_178 = tpu.memref_slice %arg8[%dma_wait3A_172, %dma_wait3A_177] : memref<79x128xi32, #tpu.memory_space<vmem>> -> memref<1x128xi32, #tpu.memory_space<vmem>>
    %dma_wait3A_179 = tpu.memref_squeeze %dma_wait3A_178 : memref<1x128xi32, #tpu.memory_space<vmem>> -> memref<128xi32, #tpu.memory_space<vmem>>
    %dma_wait3A_180 = arith.constant 0 : i32
    %dma_wait3A_181 = arith.constant 0 : i32
    %dma_wait3A_182 = tpu.memref_slice %arg13[%dma_wait3A_180, %dma_wait3A_181] : memref<10240x16xf32, #tpu.memory_space<vmem_shared>> -> memref<10240x16xf32, #tpu.memory_space<vmem_shared>>
    tpu.wait_indirect_dma semaphore(%arg19 : memref<!tpu.dma_semaphore, #tpu.memory_space<semaphore_mem>>) src(%dma_wait3A_176 : memref<128x16xf32, #tpu.memory_space<vmem>>) dst(%dma_wait3A_182 : memref<10240x16xf32, #tpu.memory_space<vmem_shared>>)
    %dma_start3A_183 = arith.constant 77 : i32
    %dma_start3A_184 = arith.constant 1 : i32
    %dma_start3A_185 = arith.constant 0 : i32
    %dma_start3A_186 = arith.constant 0 : i32
    %dma_start3A_187 = tpu.memref_slice %arg9[%dma_start3A_184, %dma_start3A_185, %dma_start3A_186] : memref<4x128x16xf32, #tpu.memory_space<vmem>> -> memref<1x128x16xf32, #tpu.memory_space<vmem>>
    %dma_start3A_188 = tpu.memref_squeeze %dma_start3A_187 : memref<1x128x16xf32, #tpu.memory_space<vmem>> -> memref<128x16xf32, #tpu.memory_space<vmem>>
    %dma_start3A_189 = arith.constant 0 : i32
    %dma_start3A_190 = tpu.memref_slice %arg7[%dma_start3A_183, %dma_start3A_189] : memref<79x128xi32, #tpu.memory_space<vmem>> -> memref<1x128xi32, #tpu.memory_space<vmem>>
    %dma_start3A_191 = tpu.memref_squeeze %dma_start3A_190 : memref<1x128xi32, #tpu.memory_space<vmem>> -> memref<128xi32, #tpu.memory_space<vmem>>
    %dma_start3A_192 = arith.constant 0 : i32
    %dma_start3A_193 = arith.constant 0 : i32
    %dma_start3A_194 = tpu.memref_slice %arg12[%dma_start3A_192, %dma_start3A_193] : memref<10240x16xf32, #tpu.memory_space<vmem_shared>> -> memref<10240x16xf32, #tpu.memory_space<vmem_shared>>
    tpu.enqueue_indirect_dma source(%dma_start3A_194 : memref<10240x16xf32, #tpu.memory_space<vmem_shared>>) target(%dma_start3A_188 : memref<128x16xf32, #tpu.memory_space<vmem>>) offsets(%dma_start3A_191 : memref<128xi32, #tpu.memory_space<vmem>>) semaphore(%arg15 : memref<!tpu.dma_semaphore, #tpu.memory_space<semaphore_mem>>)
    %dma_wait3A_195 = arith.constant 0 : i32
    %dma_wait3A_196 = arith.constant 2 : i32
    %dma_wait3A_197 = arith.constant 0 : i32
    %dma_wait3A_198 = arith.constant 0 : i32
    %dma_wait3A_199 = tpu.memref_slice %arg9[%dma_wait3A_196, %dma_wait3A_197, %dma_wait3A_198] : memref<4x128x16xf32, #tpu.memory_space<vmem>> -> memref<1x128x16xf32, #tpu.memory_space<vmem>>
    %dma_wait3A_200 = tpu.memref_squeeze %dma_wait3A_199 : memref<1x128x16xf32, #tpu.memory_space<vmem>> -> memref<128x16xf32, #tpu.memory_space<vmem>>
    %dma_wait3A_201 = arith.constant 0 : i32
    %dma_wait3A_202 = tpu.memref_slice %arg7[%dma_wait3A_195, %dma_wait3A_201] : memref<79x128xi32, #tpu.memory_space<vmem>> -> memref<1x128xi32, #tpu.memory_space<vmem>>
    %dma_wait3A_203 = tpu.memref_squeeze %dma_wait3A_202 : memref<1x128xi32, #tpu.memory_space<vmem>> -> memref<128xi32, #tpu.memory_space<vmem>>
    %dma_wait3A_204 = arith.constant 0 : i32
    %dma_wait3A_205 = arith.constant 0 : i32
    %dma_wait3A_206 = tpu.memref_slice %arg12[%dma_wait3A_204, %dma_wait3A_205] : memref<10240x16xf32, #tpu.memory_space<vmem_shared>> -> memref<10240x16xf32, #tpu.memory_space<vmem_shared>>
    tpu.wait_indirect_dma semaphore(%arg16 : memref<!tpu.dma_semaphore, #tpu.memory_space<semaphore_mem>>) src(%dma_wait3A_206 : memref<10240x16xf32, #tpu.memory_space<vmem_shared>>) dst(%dma_wait3A_200 : memref<128x16xf32, #tpu.memory_space<vmem>>)
    %dma_start3A_207 = arith.constant 2 : i32
    %dma_start3A_208 = arith.constant 74 : i32
    %dma_start3A_209 = arith.constant 0 : i32
    %dma_start3A_210 = arith.constant 0 : i32
    %dma_start3A_211 = tpu.memref_slice %arg9[%dma_start3A_207, %dma_start3A_209, %dma_start3A_210] : memref<4x128x16xf32, #tpu.memory_space<vmem>> -> memref<1x128x16xf32, #tpu.memory_space<vmem>>
    %dma_start3A_212 = tpu.memref_squeeze %dma_start3A_211 : memref<1x128x16xf32, #tpu.memory_space<vmem>> -> memref<128x16xf32, #tpu.memory_space<vmem>>
    %dma_start3A_213 = arith.constant 0 : i32
    %dma_start3A_214 = tpu.memref_slice %arg8[%dma_start3A_208, %dma_start3A_213] : memref<79x128xi32, #tpu.memory_space<vmem>> -> memref<1x128xi32, #tpu.memory_space<vmem>>
    %dma_start3A_215 = tpu.memref_squeeze %dma_start3A_214 : memref<1x128xi32, #tpu.memory_space<vmem>> -> memref<128xi32, #tpu.memory_space<vmem>>
    %dma_start3A_216 = arith.constant 0 : i32
    %dma_start3A_217 = arith.constant 0 : i32
    %dma_start3A_218 = tpu.memref_slice %arg13[%dma_start3A_216, %dma_start3A_217] : memref<10240x16xf32, #tpu.memory_space<vmem_shared>> -> memref<10240x16xf32, #tpu.memory_space<vmem_shared>>
    tpu.enqueue_indirect_dma source(%dma_start3A_212 : memref<128x16xf32, #tpu.memory_space<vmem>>) target(%dma_start3A_218 : memref<10240x16xf32, #tpu.memory_space<vmem_shared>>) offsets(%dma_start3A_215 : memref<128xi32, #tpu.memory_space<vmem>>) semaphore(%arg20 : memref<!tpu.dma_semaphore, #tpu.memory_space<semaphore_mem>>) {add = true}
    %dma_wait3A_219 = arith.constant 2 : i32
    %dma_wait3A_220 = arith.constant 0 : i32
    %dma_wait3A_221 = arith.constant 0 : i32
    %dma_wait3A_222 = arith.constant 0 : i32
    %dma_wait3A_223 = tpu.memref_slice %arg9[%dma_wait3A_219, %dma_wait3A_221, %dma_wait3A_222] : memref<4x128x16xf32, #tpu.memory_space<vmem>> -> memref<1x128x16xf32, #tpu.memory_space<vmem>>
    %dma_wait3A_224 = tpu.memref_squeeze %dma_wait3A_223 : memref<1x128x16xf32, #tpu.memory_space<vmem>> -> memref<128x16xf32, #tpu.memory_space<vmem>>
    %dma_wait3A_225 = arith.constant 0 : i32
    %dma_wait3A_226 = tpu.memref_slice %arg8[%dma_wait3A_220, %dma_wait3A_225] : memref<79x128xi32, #tpu.memory_space<vmem>> -> memref<1x128xi32, #tpu.memory_space<vmem>>
    %dma_wait3A_227 = tpu.memref_squeeze %dma_wait3A_226 : memref<1x128xi32, #tpu.memory_space<vmem>> -> memref<128xi32, #tpu.memory_space<vmem>>
    %dma_wait3A_228 = arith.constant 0 : i32
    %dma_wait3A_229 = arith.constant 0 : i32
    %dma_wait3A_230 = tpu.memref_slice %arg13[%dma_wait3A_228, %dma_wait3A_229] : memref<10240x16xf32, #tpu.memory_space<vmem_shared>> -> memref<10240x16xf32, #tpu.memory_space<vmem_shared>>
    tpu.wait_indirect_dma semaphore(%arg20 : memref<!tpu.dma_semaphore, #tpu.memory_space<semaphore_mem>>) src(%dma_wait3A_224 : memref<128x16xf32, #tpu.memory_space<vmem>>) dst(%dma_wait3A_230 : memref<10240x16xf32, #tpu.memory_space<vmem_shared>>)
    %dma_start3A_231 = arith.constant 78 : i32
    %dma_start3A_232 = arith.constant 2 : i32
    %dma_start3A_233 = arith.constant 0 : i32
    %dma_start3A_234 = arith.constant 0 : i32
    %dma_start3A_235 = tpu.memref_slice %arg9[%dma_start3A_232, %dma_start3A_233, %dma_start3A_234] : memref<4x128x16xf32, #tpu.memory_space<vmem>> -> memref<1x128x16xf32, #tpu.memory_space<vmem>>
    %dma_start3A_236 = tpu.memref_squeeze %dma_start3A_235 : memref<1x128x16xf32, #tpu.memory_space<vmem>> -> memref<128x16xf32, #tpu.memory_space<vmem>>
    %dma_start3A_237 = arith.constant 0 : i32
    %dma_start3A_238 = tpu.memref_slice %arg7[%dma_start3A_231, %dma_start3A_237] : memref<79x128xi32, #tpu.memory_space<vmem>> -> memref<1x128xi32, #tpu.memory_space<vmem>>
    %dma_start3A_239 = tpu.memref_squeeze %dma_start3A_238 : memref<1x128xi32, #tpu.memory_space<vmem>> -> memref<128xi32, #tpu.memory_space<vmem>>
    %dma_start3A_240 = arith.constant 0 : i32
    %dma_start3A_241 = arith.constant 0 : i32
    %dma_start3A_242 = tpu.memref_slice %arg12[%dma_start3A_240, %dma_start3A_241] : memref<10240x16xf32, #tpu.memory_space<vmem_shared>> -> memref<10240x16xf32, #tpu.memory_space<vmem_shared>>
    tpu.enqueue_indirect_dma source(%dma_start3A_242 : memref<10240x16xf32, #tpu.memory_space<vmem_shared>>) target(%dma_start3A_236 : memref<128x16xf32, #tpu.memory_space<vmem>>) offsets(%dma_start3A_239 : memref<128xi32, #tpu.memory_space<vmem>>) semaphore(%arg16 : memref<!tpu.dma_semaphore, #tpu.memory_space<semaphore_mem>>)
    %dma_wait3A_243 = arith.constant 0 : i32
    %dma_wait3A_244 = arith.constant 3 : i32
    %dma_wait3A_245 = arith.constant 0 : i32
    %dma_wait3A_246 = arith.constant 0 : i32
    %dma_wait3A_247 = tpu.memref_slice %arg9[%dma_wait3A_244, %dma_wait3A_245, %dma_wait3A_246] : memref<4x128x16xf32, #tpu.memory_space<vmem>> -> memref<1x128x16xf32, #tpu.memory_space<vmem>>
    %dma_wait3A_248 = tpu.memref_squeeze %dma_wait3A_247 : memref<1x128x16xf32, #tpu.memory_space<vmem>> -> memref<128x16xf32, #tpu.memory_space<vmem>>
    %dma_wait3A_249 = arith.constant 0 : i32
    %dma_wait3A_250 = tpu.memref_slice %arg7[%dma_wait3A_243, %dma_wait3A_249] : memref<79x128xi32, #tpu.memory_space<vmem>> -> memref<1x128xi32, #tpu.memory_space<vmem>>
    %dma_wait3A_251 = tpu.memref_squeeze %dma_wait3A_250 : memref<1x128xi32, #tpu.memory_space<vmem>> -> memref<128xi32, #tpu.memory_space<vmem>>
    %dma_wait3A_252 = arith.constant 0 : i32
    %dma_wait3A_253 = arith.constant 0 : i32
    %dma_wait3A_254 = tpu.memref_slice %arg12[%dma_wait3A_252, %dma_wait3A_253] : memref<10240x16xf32, #tpu.memory_space<vmem_shared>> -> memref<10240x16xf32, #tpu.memory_space<vmem_shared>>
    tpu.wait_indirect_dma semaphore(%arg17 : memref<!tpu.dma_semaphore, #tpu.memory_space<semaphore_mem>>) src(%dma_wait3A_254 : memref<10240x16xf32, #tpu.memory_space<vmem_shared>>) dst(%dma_wait3A_248 : memref<128x16xf32, #tpu.memory_space<vmem>>)
    %dma_start3A_255 = arith.constant 3 : i32
    %dma_start3A_256 = arith.constant 75 : i32
    %dma_start3A_257 = arith.constant 0 : i32
    %dma_start3A_258 = arith.constant 0 : i32
    %dma_start3A_259 = tpu.memref_slice %arg9[%dma_start3A_255, %dma_start3A_257, %dma_start3A_258] : memref<4x128x16xf32, #tpu.memory_space<vmem>> -> memref<1x128x16xf32, #tpu.memory_space<vmem>>
    %dma_start3A_260 = tpu.memref_squeeze %dma_start3A_259 : memref<1x128x16xf32, #tpu.memory_space<vmem>> -> memref<128x16xf32, #tpu.memory_space<vmem>>
    %dma_start3A_261 = arith.constant 0 : i32
    %dma_start3A_262 = tpu.memref_slice %arg8[%dma_start3A_256, %dma_start3A_261] : memref<79x128xi32, #tpu.memory_space<vmem>> -> memref<1x128xi32, #tpu.memory_space<vmem>>
    %dma_start3A_263 = tpu.memref_squeeze %dma_start3A_262 : memref<1x128xi32, #tpu.memory_space<vmem>> -> memref<128xi32, #tpu.memory_space<vmem>>
    %dma_start3A_264 = arith.constant 0 : i32
    %dma_start3A_265 = arith.constant 0 : i32
    %dma_start3A_266 = tpu.memref_slice %arg13[%dma_start3A_264, %dma_start3A_265] : memref<10240x16xf32, #tpu.memory_space<vmem_shared>> -> memref<10240x16xf32, #tpu.memory_space<vmem_shared>>
    tpu.enqueue_indirect_dma source(%dma_start3A_260 : memref<128x16xf32, #tpu.memory_space<vmem>>) target(%dma_start3A_266 : memref<10240x16xf32, #tpu.memory_space<vmem_shared>>) offsets(%dma_start3A_263 : memref<128xi32, #tpu.memory_space<vmem>>) semaphore(%arg21 : memref<!tpu.dma_semaphore, #tpu.memory_space<semaphore_mem>>) {add = true}
    %dma_wait3A_267 = arith.constant 3 : i32
    %dma_wait3A_268 = arith.constant 0 : i32
    %dma_wait3A_269 = arith.constant 0 : i32
    %dma_wait3A_270 = arith.constant 0 : i32
    %dma_wait3A_271 = tpu.memref_slice %arg9[%dma_wait3A_267, %dma_wait3A_269, %dma_wait3A_270] : memref<4x128x16xf32, #tpu.memory_space<vmem>> -> memref<1x128x16xf32, #tpu.memory_space<vmem>>
    %dma_wait3A_272 = tpu.memref_squeeze %dma_wait3A_271 : memref<1x128x16xf32, #tpu.memory_space<vmem>> -> memref<128x16xf32, #tpu.memory_space<vmem>>
    %dma_wait3A_273 = arith.constant 0 : i32
    %dma_wait3A_274 = tpu.memref_slice %arg8[%dma_wait3A_268, %dma_wait3A_273] : memref<79x128xi32, #tpu.memory_space<vmem>> -> memref<1x128xi32, #tpu.memory_space<vmem>>
    %dma_wait3A_275 = tpu.memref_squeeze %dma_wait3A_274 : memref<1x128xi32, #tpu.memory_space<vmem>> -> memref<128xi32, #tpu.memory_space<vmem>>
    %dma_wait3A_276 = arith.constant 0 : i32
    %dma_wait3A_277 = arith.constant 0 : i32
    %dma_wait3A_278 = tpu.memref_slice %arg13[%dma_wait3A_276, %dma_wait3A_277] : memref<10240x16xf32, #tpu.memory_space<vmem_shared>> -> memref<10240x16xf32, #tpu.memory_space<vmem_shared>>
    tpu.wait_indirect_dma semaphore(%arg21 : memref<!tpu.dma_semaphore, #tpu.memory_space<semaphore_mem>>) src(%dma_wait3A_272 : memref<128x16xf32, #tpu.memory_space<vmem>>) dst(%dma_wait3A_278 : memref<10240x16xf32, #tpu.memory_space<vmem_shared>>)
    %dma_wait3A_279 = arith.constant 0 : i32
    %dma_wait3A_280 = arith.constant 0 : i32
    %dma_wait3A_281 = arith.constant 0 : i32
    %dma_wait3A_282 = arith.constant 0 : i32
    %dma_wait3A_283 = tpu.memref_slice %arg9[%dma_wait3A_280, %dma_wait3A_281, %dma_wait3A_282] : memref<4x128x16xf32, #tpu.memory_space<vmem>> -> memref<1x128x16xf32, #tpu.memory_space<vmem>>
    %dma_wait3A_284 = tpu.memref_squeeze %dma_wait3A_283 : memref<1x128x16xf32, #tpu.memory_space<vmem>> -> memref<128x16xf32, #tpu.memory_space<vmem>>
    %dma_wait3A_285 = arith.constant 0 : i32
    %dma_wait3A_286 = tpu.memref_slice %arg7[%dma_wait3A_279, %dma_wait3A_285] : memref<79x128xi32, #tpu.memory_space<vmem>> -> memref<1x128xi32, #tpu.memory_space<vmem>>
    %dma_wait3A_287 = tpu.memref_squeeze %dma_wait3A_286 : memref<1x128xi32, #tpu.memory_space<vmem>> -> memref<128xi32, #tpu.memory_space<vmem>>
    %dma_wait3A_288 = arith.constant 0 : i32
    %dma_wait3A_289 = arith.constant 0 : i32
    %dma_wait3A_290 = tpu.memref_slice %arg12[%dma_wait3A_288, %dma_wait3A_289] : memref<10240x16xf32, #tpu.memory_space<vmem_shared>> -> memref<10240x16xf32, #tpu.memory_space<vmem_shared>>
    tpu.wait_indirect_dma semaphore(%arg14 : memref<!tpu.dma_semaphore, #tpu.memory_space<semaphore_mem>>) src(%dma_wait3A_290 : memref<10240x16xf32, #tpu.memory_space<vmem_shared>>) dst(%dma_wait3A_284 : memref<128x16xf32, #tpu.memory_space<vmem>>)
    %dma_start3A_291 = arith.constant 0 : i32
    %dma_start3A_292 = arith.constant 76 : i32
    %dma_start3A_293 = arith.constant 0 : i32
    %dma_start3A_294 = arith.constant 0 : i32
    %dma_start3A_295 = tpu.memref_slice %arg9[%dma_start3A_291, %dma_start3A_293, %dma_start3A_294] : memref<4x128x16xf32, #tpu.memory_space<vmem>> -> memref<1x128x16xf32, #tpu.memory_space<vmem>>
    %dma_start3A_296 = tpu.memref_squeeze %dma_start3A_295 : memref<1x128x16xf32, #tpu.memory_space<vmem>> -> memref<128x16xf32, #tpu.memory_space<vmem>>
    %dma_start3A_297 = arith.constant 0 : i32
    %dma_start3A_298 = tpu.memref_slice %arg8[%dma_start3A_292, %dma_start3A_297] : memref<79x128xi32, #tpu.memory_space<vmem>> -> memref<1x128xi32, #tpu.memory_space<vmem>>
    %dma_start3A_299 = tpu.memref_squeeze %dma_start3A_298 : memref<1x128xi32, #tpu.memory_space<vmem>> -> memref<128xi32, #tpu.memory_space<vmem>>
    %dma_start3A_300 = arith.constant 0 : i32
    %dma_start3A_301 = arith.constant 0 : i32
    %dma_start3A_302 = tpu.memref_slice %arg13[%dma_start3A_300, %dma_start3A_301] : memref<10240x16xf32, #tpu.memory_space<vmem_shared>> -> memref<10240x16xf32, #tpu.memory_space<vmem_shared>>
    tpu.enqueue_indirect_dma source(%dma_start3A_296 : memref<128x16xf32, #tpu.memory_space<vmem>>) target(%dma_start3A_302 : memref<10240x16xf32, #tpu.memory_space<vmem_shared>>) offsets(%dma_start3A_299 : memref<128xi32, #tpu.memory_space<vmem>>) semaphore(%arg18 : memref<!tpu.dma_semaphore, #tpu.memory_space<semaphore_mem>>) {add = true}
    %dma_wait3A_303 = arith.constant 0 : i32
    %dma_wait3A_304 = arith.constant 0 : i32
    %dma_wait3A_305 = arith.constant 0 : i32
    %dma_wait3A_306 = arith.constant 0 : i32
    %dma_wait3A_307 = tpu.memref_slice %arg9[%dma_wait3A_303, %dma_wait3A_305, %dma_wait3A_306] : memref<4x128x16xf32, #tpu.memory_space<vmem>> -> memref<1x128x16xf32, #tpu.memory_space<vmem>>
    %dma_wait3A_308 = tpu.memref_squeeze %dma_wait3A_307 : memref<1x128x16xf32, #tpu.memory_space<vmem>> -> memref<128x16xf32, #tpu.memory_space<vmem>>
    %dma_wait3A_309 = arith.constant 0 : i32
    %dma_wait3A_310 = tpu.memref_slice %arg8[%dma_wait3A_304, %dma_wait3A_309] : memref<79x128xi32, #tpu.memory_space<vmem>> -> memref<1x128xi32, #tpu.memory_space<vmem>>
    %dma_wait3A_311 = tpu.memref_squeeze %dma_wait3A_310 : memref<1x128xi32, #tpu.memory_space<vmem>> -> memref<128xi32, #tpu.memory_space<vmem>>
    %dma_wait3A_312 = arith.constant 0 : i32
    %dma_wait3A_313 = arith.constant 0 : i32
    %dma_wait3A_314 = tpu.memref_slice %arg13[%dma_wait3A_312, %dma_wait3A_313] : memref<10240x16xf32, #tpu.memory_space<vmem_shared>> -> memref<10240x16xf32, #tpu.memory_space<vmem_shared>>
    tpu.wait_indirect_dma semaphore(%arg18 : memref<!tpu.dma_semaphore, #tpu.memory_space<semaphore_mem>>) src(%dma_wait3A_308 : memref<128x16xf32, #tpu.memory_space<vmem>>) dst(%dma_wait3A_314 : memref<10240x16xf32, #tpu.memory_space<vmem_shared>>)
    %dma_wait3A_315 = arith.constant 0 : i32
    %dma_wait3A_316 = arith.constant 1 : i32
    %dma_wait3A_317 = arith.constant 0 : i32
    %dma_wait3A_318 = arith.constant 0 : i32
    %dma_wait3A_319 = tpu.memref_slice %arg9[%dma_wait3A_316, %dma_wait3A_317, %dma_wait3A_318] : memref<4x128x16xf32, #tpu.memory_space<vmem>> -> memref<1x128x16xf32, #tpu.memory_space<vmem>>
    %dma_wait3A_320 = tpu.memref_squeeze %dma_wait3A_319 : memref<1x128x16xf32, #tpu.memory_space<vmem>> -> memref<128x16xf32, #tpu.memory_space<vmem>>
    %dma_wait3A_321 = arith.constant 0 : i32
    %dma_wait3A_322 = tpu.memref_slice %arg7[%dma_wait3A_315, %dma_wait3A_321] : memref<79x128xi32, #tpu.memory_space<vmem>> -> memref<1x128xi32, #tpu.memory_space<vmem>>
    %dma_wait3A_323 = tpu.memref_squeeze %dma_wait3A_322 : memref<1x128xi32, #tpu.memory_space<vmem>> -> memref<128xi32, #tpu.memory_space<vmem>>
    %dma_wait3A_324 = arith.constant 0 : i32
    %dma_wait3A_325 = arith.constant 0 : i32
    %dma_wait3A_326 = tpu.memref_slice %arg12[%dma_wait3A_324, %dma_wait3A_325] : memref<10240x16xf32, #tpu.memory_space<vmem_shared>> -> memref<10240x16xf32, #tpu.memory_space<vmem_shared>>
    tpu.wait_indirect_dma semaphore(%arg15 : memref<!tpu.dma_semaphore, #tpu.memory_space<semaphore_mem>>) src(%dma_wait3A_326 : memref<10240x16xf32, #tpu.memory_space<vmem_shared>>) dst(%dma_wait3A_320 : memref<128x16xf32, #tpu.memory_space<vmem>>)
    %dma_start3A_327 = arith.constant 1 : i32
    %dma_start3A_328 = arith.constant 77 : i32
    %dma_start3A_329 = arith.constant 0 : i32
    %dma_start3A_330 = arith.constant 0 : i32
    %dma_start3A_331 = tpu.memref_slice %arg9[%dma_start3A_327, %dma_start3A_329, %dma_start3A_330] : memref<4x128x16xf32, #tpu.memory_space<vmem>> -> memref<1x128x16xf32, #tpu.memory_space<vmem>>
    %dma_start3A_332 = tpu.memref_squeeze %dma_start3A_331 : memref<1x128x16xf32, #tpu.memory_space<vmem>> -> memref<128x16xf32, #tpu.memory_space<vmem>>
    %dma_start3A_333 = arith.constant 0 : i32
    %dma_start3A_334 = tpu.memref_slice %arg8[%dma_start3A_328, %dma_start3A_333] : memref<79x128xi32, #tpu.memory_space<vmem>> -> memref<1x128xi32, #tpu.memory_space<vmem>>
    %dma_start3A_335 = tpu.memref_squeeze %dma_start3A_334 : memref<1x128xi32, #tpu.memory_space<vmem>> -> memref<128xi32, #tpu.memory_space<vmem>>
    %dma_start3A_336 = arith.constant 0 : i32
    %dma_start3A_337 = arith.constant 0 : i32
    %dma_start3A_338 = tpu.memref_slice %arg13[%dma_start3A_336, %dma_start3A_337] : memref<10240x16xf32, #tpu.memory_space<vmem_shared>> -> memref<10240x16xf32, #tpu.memory_space<vmem_shared>>
    tpu.enqueue_indirect_dma source(%dma_start3A_332 : memref<128x16xf32, #tpu.memory_space<vmem>>) target(%dma_start3A_338 : memref<10240x16xf32, #tpu.memory_space<vmem_shared>>) offsets(%dma_start3A_335 : memref<128xi32, #tpu.memory_space<vmem>>) semaphore(%arg19 : memref<!tpu.dma_semaphore, #tpu.memory_space<semaphore_mem>>) {add = true}
    %dma_wait3A_339 = arith.constant 1 : i32
    %dma_wait3A_340 = arith.constant 0 : i32
    %dma_wait3A_341 = arith.constant 0 : i32
    %dma_wait3A_342 = arith.constant 0 : i32
    %dma_wait3A_343 = tpu.memref_slice %arg9[%dma_wait3A_339, %dma_wait3A_341, %dma_wait3A_342] : memref<4x128x16xf32, #tpu.memory_space<vmem>> -> memref<1x128x16xf32, #tpu.memory_space<vmem>>
    %dma_wait3A_344 = tpu.memref_squeeze %dma_wait3A_343 : memref<1x128x16xf32, #tpu.memory_space<vmem>> -> memref<128x16xf32, #tpu.memory_space<vmem>>
    %dma_wait3A_345 = arith.constant 0 : i32
    %dma_wait3A_346 = tpu.memref_slice %arg8[%dma_wait3A_340, %dma_wait3A_345] : memref<79x128xi32, #tpu.memory_space<vmem>> -> memref<1x128xi32, #tpu.memory_space<vmem>>
    %dma_wait3A_347 = tpu.memref_squeeze %dma_wait3A_346 : memref<1x128xi32, #tpu.memory_space<vmem>> -> memref<128xi32, #tpu.memory_space<vmem>>
    %dma_wait3A_348 = arith.constant 0 : i32
    %dma_wait3A_349 = arith.constant 0 : i32
    %dma_wait3A_350 = tpu.memref_slice %arg13[%dma_wait3A_348, %dma_wait3A_349] : memref<10240x16xf32, #tpu.memory_space<vmem_shared>> -> memref<10240x16xf32, #tpu.memory_space<vmem_shared>>
    tpu.wait_indirect_dma semaphore(%arg19 : memref<!tpu.dma_semaphore, #tpu.memory_space<semaphore_mem>>) src(%dma_wait3A_344 : memref<128x16xf32, #tpu.memory_space<vmem>>) dst(%dma_wait3A_350 : memref<10240x16xf32, #tpu.memory_space<vmem_shared>>)
    %dma_wait3A_351 = arith.constant 0 : i32
    %dma_wait3A_352 = arith.constant 2 : i32
    %dma_wait3A_353 = arith.constant 0 : i32
    %dma_wait3A_354 = arith.constant 0 : i32
    %dma_wait3A_355 = tpu.memref_slice %arg9[%dma_wait3A_352, %dma_wait3A_353, %dma_wait3A_354] : memref<4x128x16xf32, #tpu.memory_space<vmem>> -> memref<1x128x16xf32, #tpu.memory_space<vmem>>
    %dma_wait3A_356 = tpu.memref_squeeze %dma_wait3A_355 : memref<1x128x16xf32, #tpu.memory_space<vmem>> -> memref<128x16xf32, #tpu.memory_space<vmem>>
    %dma_wait3A_357 = arith.constant 0 : i32
    %dma_wait3A_358 = tpu.memref_slice %arg7[%dma_wait3A_351, %dma_wait3A_357] : memref<79x128xi32, #tpu.memory_space<vmem>> -> memref<1x128xi32, #tpu.memory_space<vmem>>
    %dma_wait3A_359 = tpu.memref_squeeze %dma_wait3A_358 : memref<1x128xi32, #tpu.memory_space<vmem>> -> memref<128xi32, #tpu.memory_space<vmem>>
    %dma_wait3A_360 = arith.constant 0 : i32
    %dma_wait3A_361 = arith.constant 0 : i32
    %dma_wait3A_362 = tpu.memref_slice %arg12[%dma_wait3A_360, %dma_wait3A_361] : memref<10240x16xf32, #tpu.memory_space<vmem_shared>> -> memref<10240x16xf32, #tpu.memory_space<vmem_shared>>
    tpu.wait_indirect_dma semaphore(%arg16 : memref<!tpu.dma_semaphore, #tpu.memory_space<semaphore_mem>>) src(%dma_wait3A_362 : memref<10240x16xf32, #tpu.memory_space<vmem_shared>>) dst(%dma_wait3A_356 : memref<128x16xf32, #tpu.memory_space<vmem>>)
    %dma_start3A_363 = arith.constant 2 : i32
    %dma_start3A_364 = arith.constant 78 : i32
    %dma_start3A_365 = arith.constant 0 : i32
    %dma_start3A_366 = arith.constant 0 : i32
    %dma_start3A_367 = tpu.memref_slice %arg9[%dma_start3A_363, %dma_start3A_365, %dma_start3A_366] : memref<4x128x16xf32, #tpu.memory_space<vmem>> -> memref<1x128x16xf32, #tpu.memory_space<vmem>>
    %dma_start3A_368 = tpu.memref_squeeze %dma_start3A_367 : memref<1x128x16xf32, #tpu.memory_space<vmem>> -> memref<128x16xf32, #tpu.memory_space<vmem>>
    %dma_start3A_369 = arith.constant 0 : i32
    %dma_start3A_370 = tpu.memref_slice %arg8[%dma_start3A_364, %dma_start3A_369] : memref<79x128xi32, #tpu.memory_space<vmem>> -> memref<1x128xi32, #tpu.memory_space<vmem>>
    %dma_start3A_371 = tpu.memref_squeeze %dma_start3A_370 : memref<1x128xi32, #tpu.memory_space<vmem>> -> memref<128xi32, #tpu.memory_space<vmem>>
    %dma_start3A_372 = arith.constant 0 : i32
    %dma_start3A_373 = arith.constant 0 : i32
    %dma_start3A_374 = tpu.memref_slice %arg13[%dma_start3A_372, %dma_start3A_373] : memref<10240x16xf32, #tpu.memory_space<vmem_shared>> -> memref<10240x16xf32, #tpu.memory_space<vmem_shared>>
    tpu.enqueue_indirect_dma source(%dma_start3A_368 : memref<128x16xf32, #tpu.memory_space<vmem>>) target(%dma_start3A_374 : memref<10240x16xf32, #tpu.memory_space<vmem_shared>>) offsets(%dma_start3A_371 : memref<128xi32, #tpu.memory_space<vmem>>) semaphore(%arg20 : memref<!tpu.dma_semaphore, #tpu.memory_space<semaphore_mem>>) {add = true}
    %dma_wait3A_375 = arith.constant 2 : i32
    %dma_wait3A_376 = arith.constant 0 : i32
    %dma_wait3A_377 = arith.constant 0 : i32
    %dma_wait3A_378 = arith.constant 0 : i32
    %dma_wait3A_379 = tpu.memref_slice %arg9[%dma_wait3A_375, %dma_wait3A_377, %dma_wait3A_378] : memref<4x128x16xf32, #tpu.memory_space<vmem>> -> memref<1x128x16xf32, #tpu.memory_space<vmem>>
    %dma_wait3A_380 = tpu.memref_squeeze %dma_wait3A_379 : memref<1x128x16xf32, #tpu.memory_space<vmem>> -> memref<128x16xf32, #tpu.memory_space<vmem>>
    %dma_wait3A_381 = arith.constant 0 : i32
    %dma_wait3A_382 = tpu.memref_slice %arg8[%dma_wait3A_376, %dma_wait3A_381] : memref<79x128xi32, #tpu.memory_space<vmem>> -> memref<1x128xi32, #tpu.memory_space<vmem>>
    %dma_wait3A_383 = tpu.memref_squeeze %dma_wait3A_382 : memref<1x128xi32, #tpu.memory_space<vmem>> -> memref<128xi32, #tpu.memory_space<vmem>>
    %dma_wait3A_384 = arith.constant 0 : i32
    %dma_wait3A_385 = arith.constant 0 : i32
    %dma_wait3A_386 = tpu.memref_slice %arg13[%dma_wait3A_384, %dma_wait3A_385] : memref<10240x16xf32, #tpu.memory_space<vmem_shared>> -> memref<10240x16xf32, #tpu.memory_space<vmem_shared>>
    tpu.wait_indirect_dma semaphore(%arg20 : memref<!tpu.dma_semaphore, #tpu.memory_space<semaphore_mem>>) src(%dma_wait3A_380 : memref<128x16xf32, #tpu.memory_space<vmem>>) dst(%dma_wait3A_386 : memref<10240x16xf32, #tpu.memory_space<vmem_shared>>)
    %barrier3A_387 = arith.constant 0 : index
    tpu.barrier barrier_id(%barrier3A_387)
    %mul3A_388 = arith.constant 640 : i32
    %mul3A_389 = arith.muli %arg1, %mul3A_388 : i32
    "tpu.region"() ({
      %run_scoped3A = tpu.sem_alloc : memref<!tpu.dma_semaphore, #tpu.memory_space<semaphore_mem>>
      %dma_start3A_392 = arith.constant 0 : i32
      %dma_start3A_393 = tpu.memref_slice %arg13[%mul3A_389, %dma_start3A_392] : memref<10240x16xf32, #tpu.memory_space<vmem_shared>> -> memref<640x16xf32, #tpu.memory_space<vmem_shared>>
      %dma_start3A_394 = arith.constant 0 : i32
      %dma_start3A_395 = tpu.memref_slice %arg13[%mul3A_389, %dma_start3A_394] : memref<10240x16xf32, #tpu.memory_space<vmem_shared>> -> memref<640x16xf32, #tpu.memory_space<vmem_shared>>
      tpu.enqueue_dma source(%dma_start3A_395 : memref<640x16xf32, #tpu.memory_space<vmem_shared>>) target(%arg10 : memref<640x16xf32, #tpu.memory_space<vmem>>) target_semaphore(%run_scoped3A : memref<!tpu.dma_semaphore, #tpu.memory_space<semaphore_mem>>)
      %dma_wait3A_396 = arith.constant 0 : i32
      %dma_wait3A_397 = tpu.memref_slice %arg13[%mul3A_389, %dma_wait3A_396] : memref<10240x16xf32, #tpu.memory_space<vmem_shared>> -> memref<640x16xf32, #tpu.memory_space<vmem_shared>>
      %dma_wait3A_398 = arith.constant 0 : i32
      %dma_wait3A_399 = tpu.memref_slice %arg13[%mul3A_389, %dma_wait3A_398] : memref<10240x16xf32, #tpu.memory_space<vmem_shared>> -> memref<640x16xf32, #tpu.memory_space<vmem_shared>>
      tpu.wait_dma2 semaphore(%run_scoped3A : memref<!tpu.dma_semaphore, #tpu.memory_space<semaphore_mem>>) src(%dma_wait3A_399 : memref<640x16xf32, #tpu.memory_space<vmem_shared>>) dst(%arg10 : memref<640x16xf32, #tpu.memory_space<vmem>>)
      tpu.yield
    }) : () -> ()
    %mul3A_390 = arith.constant 640 : i32
    %mul3A_391 = arith.muli %arg1, %mul3A_390 : i32
    "tpu.region"() ({
      %run_scoped3A = tpu.sem_alloc : memref<!tpu.dma_semaphore, #tpu.memory_space<semaphore_mem>>
      %dma_start3A_392 = arith.constant 0 : i32
      %dma_start3A_393 = tpu.memref_slice %arg6[%arg0, %mul3A_391, %dma_start3A_392] : memref<2x10240x16xf32, #tpu.memory_space<hbm>> -> memref<1x640x16xf32, #tpu.memory_space<hbm>>
      %dma_start3A_394 = tpu.memref_squeeze %dma_start3A_393 : memref<1x640x16xf32, #tpu.memory_space<hbm>> -> memref<640x16xf32, #tpu.memory_space<hbm>>
      %dma_start3A_395 = arith.constant 0 : i32
      %dma_start3A_396 = tpu.memref_slice %arg6[%arg0, %mul3A_391, %dma_start3A_395] : memref<2x10240x16xf32, #tpu.memory_space<hbm>> -> memref<1x640x16xf32, #tpu.memory_space<hbm>>
      %dma_start3A_397 = tpu.memref_squeeze %dma_start3A_396 : memref<1x640x16xf32, #tpu.memory_space<hbm>> -> memref<640x16xf32, #tpu.memory_space<hbm>>
      tpu.enqueue_dma source(%arg10 : memref<640x16xf32, #tpu.memory_space<vmem>>) target(%dma_start3A_397 : memref<640x16xf32, #tpu.memory_space<hbm>>) target_semaphore(%run_scoped3A : memref<!tpu.dma_semaphore, #tpu.memory_space<semaphore_mem>>)
      %dma_wait3A_398 = arith.constant 0 : i32
      %dma_wait3A_399 = tpu.memref_slice %arg6[%arg0, %mul3A_391, %dma_wait3A_398] : memref<2x10240x16xf32, #tpu.memory_space<hbm>> -> memref<1x640x16xf32, #tpu.memory_space<hbm>>
      %dma_wait3A_400 = tpu.memref_squeeze %dma_wait3A_399 : memref<1x640x16xf32, #tpu.memory_space<hbm>> -> memref<640x16xf32, #tpu.memory_space<hbm>>
      %dma_wait3A_401 = arith.constant 0 : i32
      %dma_wait3A_402 = tpu.memref_slice %arg6[%arg0, %mul3A_391, %dma_wait3A_401] : memref<2x10240x16xf32, #tpu.memory_space<hbm>> -> memref<1x640x16xf32, #tpu.memory_space<hbm>>
      %dma_wait3A_403 = tpu.memref_squeeze %dma_wait3A_402 : memref<1x640x16xf32, #tpu.memory_space<hbm>> -> memref<640x16xf32, #tpu.memory_space<hbm>>
      tpu.wait_dma2 semaphore(%run_scoped3A : memref<!tpu.dma_semaphore, #tpu.memory_space<semaphore_mem>>) src(%arg10 : memref<640x16xf32, #tpu.memory_space<vmem>>) dst(%dma_wait3A_403 : memref<640x16xf32, #tpu.memory_space<hbm>>)
      tpu.yield
    }) : () -> ()
    return
  }
}

module attributes {stable_mosaic.version = 14 : i64} {
  func.func @_tc_scale_body(%arg0: i32, %arg1: memref<2x256x128xf32, #tpu.memory_space<vmem>>, %arg2: memref<256x128xf32, #tpu.memory_space<vmem>>, %arg3: memref<256x128xf32, #tpu.memory_space<vmem>>, %arg4: memref<256x128xf32, #tpu.memory_space<vmem>>) attributes {dimension_semantics = [#tpu.dimension_semantics<arbitrary>], iteration_bounds = array<i64: 5>, scalar_prefetch = 0 : i64, scratch_operands = 0 : i64, tpu.core_type = #tpu.core_type<tc>, window_params = [{transform_indices = @transform_0, window_bounds = array<i64: 2, 256, 128>}, {transform_indices = @transform_1, window_bounds = array<i64: 256, 128>}, {transform_indices = @transform_2, window_bounds = array<i64: 256, 128>}, {transform_indices = @transform_3, window_bounds = array<i64: 256, 128>}]} {
    %get3A = arith.constant 0 : index
    %get3A_0 = arith.constant 0 : index
    %get3A_1 = arith.constant 0 : index
    %get3A_2 = vector.load %arg1[%get3A, %get3A_0, %get3A_1] : memref<2x256x128xf32, #tpu.memory_space<vmem>>, vector<1x256x128xf32>
    %get3A_3 = vector.shape_cast %get3A_2 : vector<1x256x128xf32> to vector<256x128xf32>
    %add3A = arith.constant 1.000000e+00 : f32
    %add3A_4 = vector.broadcast %add3A : f32 to vector<256x128xf32>
    %add3A_5 = arith.addf %add3A_4, %get3A_3 : vector<256x128xf32>
    %get3A_6 = arith.constant 1 : index
    %get3A_7 = arith.constant 0 : index
    %get3A_8 = arith.constant 0 : index
    %get3A_9 = vector.load %arg1[%get3A_6, %get3A_7, %get3A_8] : memref<2x256x128xf32, #tpu.memory_space<vmem>>, vector<1x256x128xf32>
    %get3A_10 = vector.shape_cast %get3A_9 : vector<1x256x128xf32> to vector<256x128xf32>
    %add3A_11 = arith.addf %add3A_5, %get3A_10 : vector<256x128xf32>
    %rsqrt3A = math.rsqrt %add3A_11 : vector<256x128xf32>
    %swap3A = arith.constant 0 : index
    %swap3A_12 = arith.constant 0 : index
    %swap3A_13 = vector.load %arg3[%swap3A, %swap3A_12] : memref<256x128xf32, #tpu.memory_space<vmem>>, vector<256x128xf32>
    tpu.vector_store %arg3[%swap3A, %swap3A_12], %rsqrt3A {strides = array<i32>} : memref<256x128xf32, #tpu.memory_space<vmem>>, vector<256x128xf32>,
    %get3A_14 = arith.constant 0 : index
    %get3A_15 = arith.constant 0 : index
    %get3A_16 = vector.load %arg2[%get3A_14, %get3A_15] : memref<256x128xf32, #tpu.memory_space<vmem>>, vector<256x128xf32>
    %mul3A = arith.mulf %get3A_16, %rsqrt3A : vector<256x128xf32>
    %swap3A_17 = arith.constant 0 : index
    %swap3A_18 = arith.constant 0 : index
    %swap3A_19 = vector.load %arg4[%swap3A_17, %swap3A_18] : memref<256x128xf32, #tpu.memory_space<vmem>>, vector<256x128xf32>
    tpu.vector_store %arg4[%swap3A_17, %swap3A_18], %mul3A {strides = array<i32>} : memref<256x128xf32, #tpu.memory_space<vmem>>, vector<256x128xf32>,
    return
  }
  func.func @transform_0(%arg0: i32) -> (i32, i32, i32) {
    %c0_i32 = arith.constant 0 : i32
    %c0_i32_0 = arith.constant 0 : i32
    %c0_i32_1 = arith.constant 0 : i32
    return %c0_i32, %arg0, %c0_i32_0 : i32, i32, i32
  }
  func.func @transform_1(%arg0: i32) -> (i32, i32) {
    %c0_i32 = arith.constant 0 : i32
    %c0_i32_0 = arith.constant 0 : i32
    return %arg0, %c0_i32 : i32, i32
  }
  func.func @transform_2(%arg0: i32) -> (i32, i32) {
    %c0_i32 = arith.constant 0 : i32
    %c0_i32_0 = arith.constant 0 : i32
    return %arg0, %c0_i32 : i32, i32
  }
  func.func @transform_3(%arg0: i32) -> (i32, i32) {
    %c0_i32 = arith.constant 0 : i32
    %c0_i32_0 = arith.constant 0 : i32
    return %arg0, %c0_i32 : i32, i32
  }
}

module attributes {stable_mosaic.version = 14 : i64} {
  func.func @_tc_matmul_body(%arg0: memref<1250x1024xf32, #tpu.memory_space<vmem>>, %arg1: memref<128x16xf32, #tpu.memory_space<vmem>>, %arg2: memref<1280x128xf32, #tpu.memory_space<vmem>>) attributes {dimension_semantics = [], scalar_prefetch = 0 : i64, scratch_operands = 0 : i64, tpu.core_type = #tpu.core_type<tc>} {
    %get3A = arith.constant 0 : index
    %get3A_0 = arith.constant 0 : index
    %get3A_1 = vector.load %arg1[%get3A, %get3A_0] : memref<128x16xf32, #tpu.memory_space<vmem>>, vector<128x16xf32>
    %jit3A = arith.constant 0 : i32
    %convert_element_type3A = arith.sitofp %jit3A : i32 to f32
    %pad3A = vector.broadcast %convert_element_type3A : f32 to vector<128x112xf32>
    %pad3A_2 = tpu.concatenate %get3A_1, %pad3A in 1 : vector<128x16xf32>, vector<128x112xf32> -> vector<128x128xf32>
    %jit3A_3 = arith.constant 0 : i32
    %convert_element_type3A_4 = arith.sitofp %jit3A_3 : i32 to f32
    %pad3A_5 = vector.broadcast %convert_element_type3A_4 : f32 to vector<128x16xf32>
    %pad3A_6 = tpu.concatenate %pad3A_5, %get3A_1 in 1 : vector<128x16xf32>, vector<128x16xf32> -> vector<128x32xf32>
    %pad3A_7 = vector.broadcast %convert_element_type3A_4 : f32 to vector<128x96xf32>
    %pad3A_8 = tpu.concatenate %pad3A_6, %pad3A_7 in 1 : vector<128x32xf32>, vector<128x96xf32> -> vector<128x128xf32>
    %jit3A_9 = arith.constant 0 : i32
    %convert_element_type3A_10 = arith.sitofp %jit3A_9 : i32 to f32
    %pad3A_11 = vector.broadcast %convert_element_type3A_10 : f32 to vector<128x32xf32>
    %pad3A_12 = tpu.concatenate %pad3A_11, %get3A_1 in 1 : vector<128x32xf32>, vector<128x16xf32> -> vector<128x48xf32>
    %pad3A_13 = vector.broadcast %convert_element_type3A_10 : f32 to vector<128x80xf32>
    %pad3A_14 = tpu.concatenate %pad3A_12, %pad3A_13 in 1 : vector<128x48xf32>, vector<128x80xf32> -> vector<128x128xf32>
    %jit3A_15 = arith.constant 0 : i32
    %convert_element_type3A_16 = arith.sitofp %jit3A_15 : i32 to f32
    %pad3A_17 = vector.broadcast %convert_element_type3A_16 : f32 to vector<128x48xf32>
    %pad3A_18 = tpu.concatenate %pad3A_17, %get3A_1 in 1 : vector<128x48xf32>, vector<128x16xf32> -> vector<128x64xf32>
    %pad3A_19 = vector.broadcast %convert_element_type3A_16 : f32 to vector<128x64xf32>
    %pad3A_20 = tpu.concatenate %pad3A_18, %pad3A_19 in 1 : vector<128x64xf32>, vector<128x64xf32> -> vector<128x128xf32>
    %jit3A_21 = arith.constant 0 : i32
    %convert_element_type3A_22 = arith.sitofp %jit3A_21 : i32 to f32
    %pad3A_23 = vector.broadcast %convert_element_type3A_22 : f32 to vector<128x64xf32>
    %pad3A_24 = tpu.concatenate %pad3A_23, %get3A_1 in 1 : vector<128x64xf32>, vector<128x16xf32> -> vector<128x80xf32>
    %pad3A_25 = vector.broadcast %convert_element_type3A_22 : f32 to vector<128x48xf32>
    %pad3A_26 = tpu.concatenate %pad3A_24, %pad3A_25 in 1 : vector<128x80xf32>, vector<128x48xf32> -> vector<128x128xf32>
    %jit3A_27 = arith.constant 0 : i32
    %convert_element_type3A_28 = arith.sitofp %jit3A_27 : i32 to f32
    %pad3A_29 = vector.broadcast %convert_element_type3A_28 : f32 to vector<128x80xf32>
    %pad3A_30 = tpu.concatenate %pad3A_29, %get3A_1 in 1 : vector<128x80xf32>, vector<128x16xf32> -> vector<128x96xf32>
    %pad3A_31 = vector.broadcast %convert_element_type3A_28 : f32 to vector<128x32xf32>
    %pad3A_32 = tpu.concatenate %pad3A_30, %pad3A_31 in 1 : vector<128x96xf32>, vector<128x32xf32> -> vector<128x128xf32>
    %jit3A_33 = arith.constant 0 : i32
    %convert_element_type3A_34 = arith.sitofp %jit3A_33 : i32 to f32
    %pad3A_35 = vector.broadcast %convert_element_type3A_34 : f32 to vector<128x96xf32>
    %pad3A_36 = tpu.concatenate %pad3A_35, %get3A_1 in 1 : vector<128x96xf32>, vector<128x16xf32> -> vector<128x112xf32>
    %pad3A_37 = vector.broadcast %convert_element_type3A_34 : f32 to vector<128x16xf32>
    %pad3A_38 = tpu.concatenate %pad3A_36, %pad3A_37 in 1 : vector<128x112xf32>, vector<128x16xf32> -> vector<128x128xf32>
    %jit3A_39 = arith.constant 0 : i32
    %convert_element_type3A_40 = arith.sitofp %jit3A_39 : i32 to f32
    %pad3A_41 = vector.broadcast %convert_element_type3A_40 : f32 to vector<128x112xf32>
    %pad3A_42 = tpu.concatenate %pad3A_41, %get3A_1 in 1 : vector<128x112xf32>, vector<128x16xf32> -> vector<128x128xf32>
    %concatenate3A = tpu.concatenate %pad3A_2, %pad3A_8, %pad3A_14, %pad3A_20, %pad3A_26, %pad3A_32, %pad3A_38, %pad3A_42 in 0 : vector<128x128xf32>, vector<128x128xf32>, vector<128x128xf32>, vector<128x128xf32>, vector<128x128xf32>, vector<128x128xf32>, vector<128x128xf32>, vector<128x128xf32> -> vector<1024x128xf32>
    %get3A_43 = arith.constant 0 : index
    %get3A_44 = arith.constant 0 : index
    %get3A_45 = vector.load %arg0[%get3A_43, %get3A_44] : memref<1250x1024xf32, #tpu.memory_space<vmem>>, vector<1250x1024xf32>
    %dot_general3A = arith.constant dense<0.000000e+00> : vector<1250x128xf32>
    %dot_general3A_46 = tpu.matmul %get3A_45, %concatenate3A, %dot_general3A {dimension_numbers = #tpu.dot_dimension_numbers<[1], [0], [0], [1], [0, 0, 1, 1], [], []>, transpose_lhs_hint = false} : vector<1250x1024xf32>, vector<1024x128xf32>, vector<1250x128xf32> -> vector<1250x128xf32>
    %swap3A = arith.constant 0 : index
    %swap3A_47 = arith.constant 0 : index
    %swap3A_48 = vector.load %arg2[%swap3A, %swap3A_47] : memref<1280x128xf32, #tpu.memory_space<vmem>>, vector<1250x128xf32>
    tpu.vector_store %arg2[%swap3A, %swap3A_47], %dot_general3A_46 {strides = array<i32>} : memref<1280x128xf32, #tpu.memory_space<vmem>>, vector<1250x128xf32>,
    return
  }
}

module attributes {stable_mosaic.version = 14 : i64} {
  func.func @_tc_edges_body(%arg0: memref<2x320000xi32, #tpu.memory_space<vmem>>, %arg1: memref<323584xi32, #tpu.memory_space<vmem>>, %arg2: memref<323584xi32, #tpu.memory_space<vmem>>) attributes {dimension_semantics = [], scalar_prefetch = 0 : i64, scratch_operands = 0 : i64, tpu.core_type = #tpu.core_type<tc>} {
    %get3A = arith.constant 0 : index
    %get3A_0 = arith.constant 0 : index
    %get3A_1 = vector.load %arg0[%get3A, %get3A_0] : memref<2x320000xi32, #tpu.memory_space<vmem>>, vector<1x320000xi32>
    %get3A_2 = vector.shape_cast %get3A_1 : vector<1x320000xi32> to vector<320000xi32>
    %swap3A = arith.constant 0 : index
    %swap3A_3 = vector.load %arg1[%swap3A] : memref<323584xi32, #tpu.memory_space<vmem>>, vector<320000xi32>
    tpu.vector_store %arg1[%swap3A], %get3A_2 {strides = array<i32>} : memref<323584xi32, #tpu.memory_space<vmem>>, vector<320000xi32>,
    %get3A_4 = arith.constant 1 : index
    %get3A_5 = arith.constant 0 : index
    %get3A_6 = vector.load %arg0[%get3A_4, %get3A_5] : memref<2x320000xi32, #tpu.memory_space<vmem>>, vector<1x320000xi32>
    %get3A_7 = vector.shape_cast %get3A_6 : vector<1x320000xi32> to vector<320000xi32>
    %swap3A_8 = arith.constant 0 : index
    %swap3A_9 = vector.load %arg2[%swap3A_8] : memref<323584xi32, #tpu.memory_space<vmem>>, vector<320000xi32>
    tpu.vector_store %arg2[%swap3A_8], %get3A_7 {strides = array<i32>} : memref<323584xi32, #tpu.memory_space<vmem>>, vector<320000xi32>,
    %broadcast_in_dim3A = arith.constant 10200 : i32
    %broadcast_in_dim3A_10 = vector.broadcast %broadcast_in_dim3A : i32 to vector<3584xi32>
    %swap3A_11 = arith.constant 320000 : index
    %swap3A_12 = vector.load %arg1[%swap3A_11] : memref<323584xi32, #tpu.memory_space<vmem>>, vector<3584xi32>
    tpu.vector_store %arg1[%swap3A_11], %broadcast_in_dim3A_10 {strides = array<i32>} : memref<323584xi32, #tpu.memory_space<vmem>>, vector<3584xi32>,
    %swap3A_13 = arith.constant 320000 : index
    %swap3A_14 = vector.load %arg2[%swap3A_13] : memref<323584xi32, #tpu.memory_space<vmem>>, vector<3584xi32>
    tpu.vector_store %arg2[%swap3A_13], %broadcast_in_dim3A_10 {strides = array<i32>} : memref<323584xi32, #tpu.memory_space<vmem>>, vector<3584xi32>,
    return
  }
}

module attributes {stable_mosaic.version = 14 : i64} {
  func.func @_tc_mid_body(%arg0: i32, %arg1: memref<2x256x128xf32, #tpu.memory_space<vmem>>, %arg2: memref<256x128xf32, #tpu.memory_space<vmem>>, %arg3: memref<256x128xf32, #tpu.memory_space<vmem>>, %arg4: memref<1x128xf32, #tpu.memory_space<vmem>>, %arg5: memref<256x128xf32, #tpu.memory_space<vmem>>) attributes {dimension_semantics = [#tpu.dimension_semantics<arbitrary>], iteration_bounds = array<i64: 5>, scalar_prefetch = 0 : i64, scratch_operands = 0 : i64, tpu.core_type = #tpu.core_type<tc>, window_params = [{transform_indices = @transform_0, window_bounds = array<i64: 2, 256, 128>}, {transform_indices = @transform_1, window_bounds = array<i64: 256, 128>}, {transform_indices = @transform_2, window_bounds = array<i64: 256, 128>}, {pipeline_mode = #tpu.pipeline_mode<synchronous>, transform_indices = @transform_3, window_bounds = array<i64: 1, 128>}, {transform_indices = @transform_4, window_bounds = array<i64: 256, 128>}]} {
    %get3A = arith.constant 0 : index
    %get3A_0 = arith.constant 0 : index
    %get3A_1 = vector.load %arg3[%get3A, %get3A_0] : memref<256x128xf32, #tpu.memory_space<vmem>>, vector<256x128xf32>
    %get3A_2 = arith.constant 0 : index
    %get3A_3 = arith.constant 0 : index
    %get3A_4 = arith.constant 0 : index
    %get3A_5 = vector.load %arg1[%get3A_2, %get3A_3, %get3A_4] : memref<2x256x128xf32, #tpu.memory_space<vmem>>, vector<1x256x128xf32>
    %get3A_6 = vector.shape_cast %get3A_5 : vector<1x256x128xf32> to vector<256x128xf32>
    %get3A_7 = arith.constant 1 : index
    %get3A_8 = arith.constant 0 : index
    %get3A_9 = arith.constant 0 : index
    %get3A_10 = vector.load %arg1[%get3A_7, %get3A_8, %get3A_9] : memref<2x256x128xf32, #tpu.memory_space<vmem>>, vector<1x256x128xf32>
    %get3A_11 = vector.shape_cast %get3A_10 : vector<1x256x128xf32> to vector<256x128xf32>
    %add3A = arith.addf %get3A_6, %get3A_11 : vector<256x128xf32>
    %get3A_12 = arith.constant 0 : index
    %get3A_13 = arith.constant 0 : index
    %get3A_14 = vector.load %arg2[%get3A_12, %get3A_13] : memref<256x128xf32, #tpu.memory_space<vmem>>, vector<256x128xf32>
    %add3A_15 = arith.addf %add3A, %get3A_14 : vector<256x128xf32>
    %mul3A = arith.mulf %add3A_15, %get3A_1 : vector<256x128xf32>
    %get3A_16 = arith.constant 0 : index
    %get3A_17 = arith.constant 0 : index
    %get3A_18 = vector.load %arg4[%get3A_16, %get3A_17] : memref<1x128xf32, #tpu.memory_space<vmem>>, vector<1x128xf32>
    %add3A_19 = vector.broadcast %get3A_18 : vector<1x128xf32> to vector<256x128xf32>
    %add3A_20 = arith.addf %mul3A, %add3A_19 : vector<256x128xf32>
    %max3A = arith.constant 0.000000e+00 : f32
    %max3A_21 = vector.broadcast %max3A : f32 to vector<256x128xf32>
    %max3A_22 = arith.maximumf %add3A_20, %max3A_21 : vector<256x128xf32>
    %mul3A_23 = arith.mulf %max3A_22, %get3A_1 : vector<256x128xf32>
    %swap3A = arith.constant 0 : index
    %swap3A_24 = arith.constant 0 : index
    %swap3A_25 = vector.load %arg5[%swap3A, %swap3A_24] : memref<256x128xf32, #tpu.memory_space<vmem>>, vector<256x128xf32>
    tpu.vector_store %arg5[%swap3A, %swap3A_24], %mul3A_23 {strides = array<i32>} : memref<256x128xf32, #tpu.memory_space<vmem>>, vector<256x128xf32>,
    return
  }
  func.func @transform_0(%arg0: i32) -> (i32, i32, i32) {
    %c0_i32 = arith.constant 0 : i32
    %c0_i32_0 = arith.constant 0 : i32
    %c0_i32_1 = arith.constant 0 : i32
    return %c0_i32, %arg0, %c0_i32_0 : i32, i32, i32
  }
  func.func @transform_1(%arg0: i32) -> (i32, i32) {
    %c0_i32 = arith.constant 0 : i32
    %c0_i32_0 = arith.constant 0 : i32
    return %arg0, %c0_i32 : i32, i32
  }
  func.func @transform_2(%arg0: i32) -> (i32, i32) {
    %c0_i32 = arith.constant 0 : i32
    %c0_i32_0 = arith.constant 0 : i32
    return %arg0, %c0_i32 : i32, i32
  }
  func.func @transform_3(%arg0: i32) -> (i32, i32) {
    %c0_i32 = arith.constant 0 : i32
    %c0_i32_0 = arith.constant 0 : i32
    %c0_i32_1 = arith.constant 0 : i32
    return %c0_i32, %c0_i32_0 : i32, i32
  }
  func.func @transform_4(%arg0: i32) -> (i32, i32) {
    %c0_i32 = arith.constant 0 : i32
    %c0_i32_0 = arith.constant 0 : i32
    return %arg0, %c0_i32 : i32, i32
  }
}

module attributes {stable_mosaic.version = 14 : i64} {
  func.func @_tc_z_body(%arg0: i32, %arg1: memref<2x256x128xf32, #tpu.memory_space<vmem>>, %arg2: memref<256x128xf32, #tpu.memory_space<vmem>>, %arg3: memref<256x128xf32, #tpu.memory_space<vmem>>, %arg4: memref<256x128xf32, #tpu.memory_space<vmem>>) attributes {dimension_semantics = [#tpu.dimension_semantics<arbitrary>], iteration_bounds = array<i64: 5>, scalar_prefetch = 0 : i64, scratch_operands = 0 : i64, tpu.core_type = #tpu.core_type<tc>, window_params = [{transform_indices = @transform_0, window_bounds = array<i64: 2, 256, 128>}, {transform_indices = @transform_1, window_bounds = array<i64: 256, 128>}, {transform_indices = @transform_2, window_bounds = array<i64: 256, 128>}, {transform_indices = @transform_3, window_bounds = array<i64: 256, 128>}]} {
    %get3A = arith.constant 0 : index
    %get3A_0 = arith.constant 0 : index
    %get3A_1 = arith.constant 0 : index
    %get3A_2 = vector.load %arg1[%get3A, %get3A_0, %get3A_1] : memref<2x256x128xf32, #tpu.memory_space<vmem>>, vector<1x256x128xf32>
    %get3A_3 = vector.shape_cast %get3A_2 : vector<1x256x128xf32> to vector<256x128xf32>
    %get3A_4 = arith.constant 1 : index
    %get3A_5 = arith.constant 0 : index
    %get3A_6 = arith.constant 0 : index
    %get3A_7 = vector.load %arg1[%get3A_4, %get3A_5, %get3A_6] : memref<2x256x128xf32, #tpu.memory_space<vmem>>, vector<1x256x128xf32>
    %get3A_8 = vector.shape_cast %get3A_7 : vector<1x256x128xf32> to vector<256x128xf32>
    %add3A = arith.addf %get3A_3, %get3A_8 : vector<256x128xf32>
    %get3A_9 = arith.constant 0 : index
    %get3A_10 = arith.constant 0 : index
    %get3A_11 = vector.load %arg2[%get3A_9, %get3A_10] : memref<256x128xf32, #tpu.memory_space<vmem>>, vector<256x128xf32>
    %add3A_12 = arith.addf %add3A, %get3A_11 : vector<256x128xf32>
    %get3A_13 = arith.constant 0 : index
    %get3A_14 = arith.constant 0 : index
    %get3A_15 = vector.load %arg3[%get3A_13, %get3A_14] : memref<256x128xf32, #tpu.memory_space<vmem>>, vector<256x128xf32>
    %mul3A = arith.mulf %add3A_12, %get3A_15 : vector<256x128xf32>
    %swap3A = arith.constant 0 : index
    %swap3A_16 = arith.constant 0 : index
    %swap3A_17 = vector.load %arg4[%swap3A, %swap3A_16] : memref<256x128xf32, #tpu.memory_space<vmem>>, vector<256x128xf32>
    tpu.vector_store %arg4[%swap3A, %swap3A_16], %mul3A {strides = array<i32>} : memref<256x128xf32, #tpu.memory_space<vmem>>, vector<256x128xf32>,
    return
  }
  func.func @transform_0(%arg0: i32) -> (i32, i32, i32) {
    %c0_i32 = arith.constant 0 : i32
    %c0_i32_0 = arith.constant 0 : i32
    %c0_i32_1 = arith.constant 0 : i32
    return %c0_i32, %arg0, %c0_i32_0 : i32, i32, i32
  }
  func.func @transform_1(%arg0: i32) -> (i32, i32) {
    %c0_i32 = arith.constant 0 : i32
    %c0_i32_0 = arith.constant 0 : i32
    return %arg0, %c0_i32 : i32, i32
  }
  func.func @transform_2(%arg0: i32) -> (i32, i32) {
    %c0_i32 = arith.constant 0 : i32
    %c0_i32_0 = arith.constant 0 : i32
    return %arg0, %c0_i32 : i32, i32
  }
  func.func @transform_3(%arg0: i32) -> (i32, i32) {
    %c0_i32 = arith.constant 0 : i32
    %c0_i32_0 = arith.constant 0 : i32
    return %arg0, %c0_i32 : i32, i32
  }
}

module attributes {stable_mosaic.version = 14 : i64} {
  func.func @_tc_out_body(%arg0: memref<10000x16xf32, #tpu.memory_space<vmem>>, %arg1: memref<16x100xf32, #tpu.memory_space<vmem>>, %arg2: memref<1x100xf32, #tpu.memory_space<vmem>>, %arg3: memref<100x10000xf32, #tpu.memory_space<vmem>>) attributes {dimension_semantics = [], scalar_prefetch = 0 : i64, scratch_operands = 0 : i64, tpu.core_type = #tpu.core_type<tc>} {
    %get3A = arith.constant 0 : index
    %get3A_0 = arith.constant 0 : index
    %get3A_1 = vector.load %arg0[%get3A, %get3A_0] : memref<10000x16xf32, #tpu.memory_space<vmem>>, vector<10000x16xf32>
    %get3A_2 = arith.constant 0 : index
    %get3A_3 = arith.constant 0 : index
    %get3A_4 = vector.load %arg1[%get3A_2, %get3A_3] : memref<16x100xf32, #tpu.memory_space<vmem>>, vector<16x100xf32>
    %dot_general3A = arith.constant dense<0.000000e+00> : vector<10000x100xf32>
    %dot_general3A_5 = tpu.matmul %get3A_1, %get3A_4, %dot_general3A {dimension_numbers = #tpu.dot_dimension_numbers<[1], [0], [0], [1], [0, 0, 1, 1], [], []>, transpose_lhs_hint = false} : vector<10000x16xf32>, vector<16x100xf32>, vector<10000x100xf32> -> vector<10000x100xf32>
    %get3A_6 = arith.constant 0 : index
    %get3A_7 = arith.constant 0 : index
    %get3A_8 = vector.load %arg2[%get3A_6, %get3A_7] : memref<1x100xf32, #tpu.memory_space<vmem>>, vector<1x100xf32>
    %add3A = vector.broadcast %get3A_8 : vector<1x100xf32> to vector<10000x100xf32>
    %add3A_9 = arith.addf %dot_general3A_5, %add3A : vector<10000x100xf32>
    %reduce_max3A = arith.constant dense<0xFF800000> : vector<10000xf32>
    %reduce_max3A_10 = vector.multi_reduction <maximumf>, %add3A_9, %reduce_max3A [1] : vector<10000x100xf32> to vector<10000xf32>
    %broadcast_in_dim3A = vector.shape_cast %reduce_max3A_10 : vector<10000xf32> to vector<10000x1xf32>
    %sub3A = vector.broadcast %broadcast_in_dim3A : vector<10000x1xf32> to vector<10000x100xf32>
    %sub3A_11 = arith.subf %add3A_9, %sub3A : vector<10000x100xf32>
    %exp3A = math.exp %sub3A_11 : vector<10000x100xf32>
    %reduce_sum3A = arith.constant dense<0.000000e+00> : vector<10000xf32>
    %reduce_sum3A_12 = vector.multi_reduction <add>, %exp3A, %reduce_sum3A [1] : vector<10000x100xf32> to vector<10000xf32>
    %broadcast_in_dim3A_13 = vector.shape_cast %reduce_sum3A_12 : vector<10000xf32> to vector<10000x1xf32>
    %log3A = math.log %broadcast_in_dim3A_13 : vector<10000x1xf32>
    %sub3A_14 = vector.broadcast %log3A : vector<10000x1xf32> to vector<10000x100xf32>
    %sub3A_15 = arith.subf %sub3A_11, %sub3A_14 : vector<10000x100xf32>
    %transpose3A = tpu.transpose %sub3A_15, [1, 0] : vector<10000x100xf32> -> vector<100x10000xf32>
    %swap3A = arith.constant 0 : index
    %swap3A_16 = arith.constant 0 : index
    %swap3A_17 = vector.load %arg3[%swap3A, %swap3A_16] : memref<100x10000xf32, #tpu.memory_space<vmem>>, vector<100x10000xf32>
    tpu.vector_store %arg3[%swap3A, %swap3A_16], %transpose3A {strides = array<i32>} : memref<100x10000xf32, #tpu.memory_space<vmem>>, vector<100x10000xf32>,
    return
  }
}

</mosaic_0001>

<sc_bundles>
// kernel: kernel.11.cloned.1.call-start
scs
__scs_entry_jumppad:
0x0: {  	(pc) =	sbr.rel $0x88, $3  }
0x1: {  	(tag) =	ssettag $0x0;
	lr =	simm.s32 $0x1  }
0x2: {  	[smem:$0x3F9B] =	sst lr;
	_ =	strace $0xD0000000  }
0x3: {  	_ = 	snop  }
0x4: {  	_ = 	snop  }
0x5: {  	_ = 	snop  }
0x6: {  	_ = 	snop  }
0x7: {  	_ = 	snop  }
__scs_overlays_trampoline_lowered:
0x8: {  	[smem:$0x3FAA] =	sst s0  }
0x9: {  	[smem:$0x3FAB] =	sst s1  }
0xa: {  	[smem:$0x3FAC] =	sst s2  }
0xb: {  	[smem:$0x3FAD] =	sst s3  }
0xc: {  	[smem:$0x3FAE] =	sst s4  }
0xd: {  	[smem:$0x3FAF] =	sst s5  }
0xe: {  	[smem:$0x3FB0] =	sst s6  }
0xf: {  	[smem:$0x3FB1] =	sst s7  }
0x10: {  	[smem:$0x3FB2] =	sst s8  }
0x11: {  	[smem:$0x3FB3] =	sst s9;
	s0 =	simm.s32 @!p0 $0x0  }
0x12: {  	s1 =	sld [smem:$0x3F99];
	s0 =	simm.s32 @p0 $0x1  }
0x13: {  	[smem:$0x3FB4] =	sst s0;
	s0 =	simm.s32 @!p1 $0x0  }
0x14: {  	s2 =	sld [smem:$0x3F98];
	s0 =	simm.s32 @p1 $0x1  }
0x15: {  	[smem:$0x3FB5] =	sst s0;
	s0 =	simm.s32 @!p2 $0x0  }
0x16: {  	s3 =	sld [smem:$0x3FDB];
	s0 =	simm.s32 @p2 $0x1  }
0x17: {  	s4 =	simm.s32 $0x1BF5;
	[smem:$0x3FB7] =	sst s0  }
0x18: {  	s0 =	sld [smem:$0x3F9A];
	_ =	swait.ge [sflag:s4], $0x0  }
0x19: {  	s7 =	sld [smem:$0x3F9B]  }
0x1a: {  	s8 =	sadd.s32 $0xFFFFE003, lr  }
0x1b: {  	s9 =	sadd.s32 $0xFFFFFEF7, lr;
	s5 =	simm.s32 $0xFFFFFFFF;
	p2 =	slt.u32 s8, $0xFFFFF086  }
0x1c: {  	p1 =	slt.u32 s9, $0xF7A;
	s5 =	simm.s32 @!p2 $0x0  }
0x1d: {  	s5 =	simm.s32 @p1 $0x1;
	p0 =	seq.s32 s7, s2  }
0x1e: {  	s7 =	smul.u32 @!p0 $0xF7A, s2;
	p2 =	seq.s32 @!p0 s5, $0x0  }
0x1f: {  	s9 =	smul.u32 $0xF7A, s1;
	s8 =	simm.s32 @!p0 $0x1BF5;
	p2 =	por !p2, p0  }
0x20: {  	[sflag:s8] =	ssyncset.s32 @!p0 $0xFFFFF086;
	s6 =	sadd.s32 @!p0 s3, s7;
	s7 =	simm.s32 @!p0 $0x108  }
0x21: {  	s3 =	sadd.s32 s3, s9;
	s6 =	sadd.s32 @!p0 $0x88, s6;
	s7 =	simm.s32 @p2 $0x1082  }
0x22: {  	[simem:s7], [sflag:s8] =	dma.local @!p0 [hbm:s6], $0xF7A  }
0x23: {  	s9 =	sor.u32 $0xD0000000, s2;
	s6 =	simm.s32 $0x108;
	_ =	swait.ge @!p0 [sflag:s8], $0x0  }
0x24: {  	s3 =	sadd.s32 $0x88, s3;
	s6 =	simm.s32 @!p1 $0x1082;
	[sflag:s4] =	ssyncset.s32 $0xFFFFF086  }
0x25: {  	[simem:s6], [sflag:s4] =	dma.local [hbm:s3], $0xF7A  }
0x26: {  	[smem:$0x3F9B] =	sst s1;
	(tag) =	ssettag s2;
	_ =	strace s9  }
0x27: {  	s1 =	sld [smem:$0x3FAB]  }
0x28: {  	s2 =	sld [smem:$0x3FAC]  }
0x29: {  	s4 =	sld [smem:$0x3FAE]  }
0x2a: {  	p0 =	seq.s32 s5, $0x0;
	s5 =	sld [smem:$0x3FAF]  }
0x2b: {  	s6 =	sld [smem:$0x3FB0]  }
0x2c: {  	s7 =	sld [smem:$0x3FB1]  }
0x2d: {  	s3 =	simm.s32 $0x108;
	s8 =	sld [smem:$0x3FB2]  }
0x2e: {  	s3 =	simm.s32 @!p0 $0x1082;
	s9 =	sld [smem:$0x3FB3]  }
0x2f: {  	lr =	sadd.s32 s0, s3;
	s0 =	sld [smem:$0x3FAA]  }
0x30: {  	s3 =	sld [smem:$0x3FAD]  }
0x31: {  	[smem:$0x3FB6] =	sst s10  }
0x32: {  	s10 =	sld [smem:$0x3FB4];
	_ =	sdelay $0x3  }
0x33: {  	p0 =	seq.s32 s10, $0x1;
	s10 =	sld [smem:$0x3FB6];
	_ =	sdelay $0x3  }
0x34: {  	[smem:$0x3FB6] =	sst s10  }
0x35: {  	s10 =	sld [smem:$0x3FB5];
	_ =	sdelay $0x3  }
0x36: {  	p1 =	seq.s32 s10, $0x1;
	s10 =	sld [smem:$0x3FB6];
	_ =	sdelay $0x3  }
0x37: {  	[smem:$0x3FB6] =	sst s10  }
0x38: {  	s10 =	sld [smem:$0x3FB7]  }
0x39: {  	_ = 	snop;
	(pc) =	sbr.ind lr, $3  }
0x3a: {  	_ = 	snop  }
0x3b: {  	_ = 	snop  }
0x3c: {  	p2 =	seq.s32 s10, $0x1;
	s10 =	sld [smem:$0x3FB6]  }
0x3d: {  	_ =	shalt  }
0x3e: {  	_ =	shalt  }
0x3f: {  	_ =	shalt  }
0x40: {  	_ =	shalt  }
0x41: {  	_ =	shalt  }
0x42: {  	_ =	shalt  }
0x43: {  	_ =	shalt  }
0x44: {  	_ =	shalt  }
0x45: {  	_ =	shalt  }
0x46: {  	_ =	shalt  }
0x47: {  	_ =	shalt  }
0x48: {  	_ =	shalt  }
0x49: {  	_ =	shalt  }
0x4a: {  	_ =	shalt  }
0x4b: {  	_ =	shalt  }
0x4c: {  	_ =	shalt  }
0x4d: {  	_ =	shalt  }
0x4e: {  	_ =	shalt  }
0x4f: {  	_ =	shalt  }
0x50: {  	_ =	shalt  }
0x51: {  	_ =	shalt  }
0x52: {  	_ =	shalt  }
0x53: {  	_ =	shalt  }
0x54: {  	_ =	shalt  }
0x55: {  	_ =	shalt  }
0x56: {  	_ =	shalt  }
0x57: {  	_ =	shalt  }
0x58: {  	_ =	shalt  }
0x59: {  	_ =	shalt  }
0x5a: {  	_ =	shalt  }
0x5b: {  	_ =	shalt  }
0x5c: {  	_ =	shalt  }
0x5d: {  	_ =	shalt  }
0x5e: {  	_ =	shalt  }
0x5f: {  	_ =	shalt  }
0x60: {  	_ =	shalt  }
0x61: {  	_ =	shalt  }
0x62: {  	_ =	shalt  }
0x63: {  	_ =	shalt  }
0x64: {  	_ =	shalt  }
0x65: {  	_ =	shalt  }
0x66: {  	_ =	shalt  }
0x67: {  	_ =	shalt  }
0x68: {  	_ =	shalt  }
0x69: {  	_ =	shalt  }
0x6a: {  	_ =	shalt  }
0x6b: {  	_ =	shalt  }
0x6c: {  	_ =	shalt  }
0x6d: {  	_ =	shalt  }
0x6e: {  	_ =	shalt  }
0x6f: {  	_ =	shalt  }
0x70: {  	_ =	shalt  }
0x71: {  	_ =	shalt  }
0x72: {  	_ =	shalt  }
0x73: {  	_ =	shalt  }
0x74: {  	_ =	shalt  }
0x75: {  	_ =	shalt  }
0x76: {  	_ =	shalt  }
0x77: {  	_ =	shalt  }
0x78: {  	_ =	shalt  }
0x79: {  	_ =	shalt  }
0x7a: {  	_ =	shalt  }
0x7b: {  	_ =	shalt  }
0x7c: {  	_ =	shalt  }
0x7d: {  	_ =	shalt  }
0x7e: {  	_ =	shalt  }
0x7f: {  	_ =	shalt  }
0x80: {  	_ =	shalt  }
0x81: {  	_ =	shalt  }
0x82: {  	_ =	shalt  }
0x83: {  	_ =	shalt  }
0x84: {  	_ =	shalt  }
0x85: {  	_ =	shalt  }
0x86: {  	_ =	shalt  }
0x87: {  	_ =	shalt  }
.Lfunc_end0:
.L_simem_size_0:
called_computation_lowered:
.L_overlay_start_0:
0x88: {  	s2 =	sld [smem:$0x3FD9]  }
0x89: {  	s3 =	sld [smem:$0x3FFE];
	_ =	sdelay $0x1  }
0x8a: {  	s1 =	srdreg.scid  }
0x8b: {  	s0 =	sand.u32 $0x1, s1  }
0x8c: {  	s17 =	sshll.u32 s0, $0xA;
	s2 =	sadd.s32 s3, s2  }
0x8d: {  	s2 =	sadd.s32 s2, s17  }
0x8e: {  	[smem:$0x3FC2] =	sst s2  }
0x8f: {  	_ = 	snop  }
0x90: {  	s2 =	sld [smem:$0x3FD0];
	(tm) =	ssettm $0x1  }
0x91: {  	s18 =	sld [smem:$0x3FFB];
	_ =	sdelay $0x3  }
0x92: {  	_ =	strace s18  }
0x93: {  	s3 =	sld [smem:$0x3FFC];
	_ =	sdelay $0x3  }
0x94: {  	_ =	strace s3  }
0x95: {  	s3 =	sld [smem:$0x3FFD];
	_ =	sdelay $0x3  }
0x96: {  	_ =	strace s3  }
0x97: {  	_ =	strace $0x8FFFFFFF  }
0x98: {  	s19 =	sld [smem:$0x3FDB];
	_ =	sdelay $0x1  }
0x99: {  	s4 =	simm.s32 $_scs_section_size  }
0x9a: {  	s5 =	simm.s32 $_size__tile_overlayer_lowered;
	s6 =	simm.s32 $_tile_overlayer_lowered  }
0x9b: {  	s22 =	simm.s32 $0x1BFF;
	s21 =	sshll.u32 s6, $0x1;
	s3 =	sadd.s32 s4, s19  }
0x9c: {  	s7 =	simm.s32 $0x0;
	s20 =	sshll.u32 s5, $0x1;
	s5 =	sadd.s32 s21, s3  }
0x9d: {  	[timem:s7], [sflag:s22] =	dma.local [hbm:s5], s20  }
0x9e: {  	_ =	swait.ge [sflag:s22], s20  }
0x9f: {  	s4 =	ssub.s32 $0x0, s20;
	[sflag:s22] =	ssyncset.done $0x0  }
0xa0: {  	[sflag:s22] =	ssyncadd.s32 s4;
	_ =	sdelay $0x1  }
0xa1: {  	s23 =	simm.s32 $0x1B8B  }
0xa2: {  	_ =	swait.ge [sflag:s23], $0x1  }
0xa3: {  	[sflag:s23] =	ssyncset.done $0x0  }
0xa4: {  	s25 =	simm.s32 $0x1B8E;
	s24 =	sld [smem:$0x3FFE];
	[sflag:s23] =	ssyncadd.s32 $0xFFFFFFFF  }
0xa5: {  	s26 =	simm.s32 $execute0_lowered;
	[smem:$0x3FD2] =	sst s25  }
0xa6: {  	s5 =	sshll.u32 s26, $0x1;
	_ =	strace $0x80000046;
	[dreg:$0x1] =	wrdreg $0xFFFFFFFF  }
0xa7: {  	s28 =	simm.s32 $_size_execute0_lowered;
	s3 =	sadd.s32 s3, s5;
	[dreg:$0x0] =	wrdreg $0x0  }
0xa8: {  	s5 =	sshll.u32 s28, $0x1;
	[dreg:$0x2] =	wrdreg s3  }
0xa9: {  	[dreg:$0x3] =	wrdreg s5  }
0xaa: {  	[dreg:$0x4] =	wrdreg $0xC0  }
0xab: {  	_ =	task [dreg:s7], $0x5FFFF  }
0xac: {  	[dreg:$0x1] =	wrdreg $0xFFFFFFFF  }
0xad: {  	[dreg:$0x0] =	wrdreg $0x60  }
0xae: {  	[dreg:$0x2] =	wrdreg s24  }
0xaf: {  	[dreg:$0x3] =	wrdreg s2  }
0xb0: {  	[dreg:$0x4] =	wrdreg $0x52800  }
0xb1: {  	[dreg:$0x5] =	wrdreg $0x9  }
0xb2: {  	_ =	task.clear_ibuf [dreg:s7], $0x6FFFF;
	_ =	strace $0x90000046  }
0xb3: {  	s29 =	simm.s32 $0x9;
	_ =	strace $0x80000048  }
0xb4: {  	_ =	swait.ge [sflag:s29], $0x1  }
0xb5: {  	[sflag:s29] =	ssyncadd.s32 $0xFFFFFFFF  }
0xb6: {  	_ =	strace $0x90000048  }
0xb7: {  	_ =	sfence  }
0xb8: {  	s30 =	sld [smem:$0x0];
	_ =	sdelay $0x2  }
0xb9: {  	s31 =	sshll.u32 s1, $0xD;
	s1 =	sshrl.u32 s1, $0x2  }
0xba: {  	s3 =	sand.u32 $0x4000, s31;
	s1 =	sadd.s32 s1, s30  }
0xbb: {  	s0 =	sor.u32 s3, s0;
	s1 =	sshll.u32 s1, $0x11  }
0xbc: {  	s0 =	sor.u32 s1, s0  }
0xbd: {  	s0 =	sadd.s32 $0x8F2B, s0  }
0xbe: {  	[sflag:s0] =	ssyncadd.remote.s32 $0x1  }
0xbf: {  	_ =	sfence.sel $0xFFFF  }
0xc0: {  	[dreg:$0x0] =	wrdreg $0xFFFFFFFF;
	(pc) =	sbr.abs _section_cstart, $3  }
0xc1: {  	[dreg:$0x1] =	wrdreg $0xFFFFFFFF  }
0xc2: {  	_ =	task.clear_ibuf [dreg:s7], $0x2FFFF;
	_ =	strace $0x9FFFFFFF  }
0xc3: {  	(tm) =	ssettm $0x7FFFFFFF  }
tec
execute0_lowered:
.L_overlay_start_1:
0x0: {  	(tag) =	ssettag $0x1  }
0x1: {  	s5 =	rddreg [dreg:$0x0]  }
0x2: {  	s8 =	rddreg [dreg:$0x1]  }
0x3: {  	s0 =	srdreg.scid;
	s2 =	rddreg [dreg:$0x2]  }
0x4: {  	s3 =	simm.s32 $0x0;
	s13 =	simm.s32 $0x2;
	s14 =	simm.s32 $0x80  }
0x5: {  	s15 =	simm.s32 $0x1;
	s16 =	simm.s32 $0x2A80;
	s6 =	sand.u32 $0x1, s0  }
0x6: {  	s17 =	simm.s32 $0x0;
	s0 =	stileid.u32;
	s7 =	smul.u32 $0x28000, s6  }
0x7: {  	[smem:$0x7FF] =	sst s3;
	s1 =	sshll.u32 s6, $0x4;
	s10 =	smul.u32 $0x2800, s0  }
0x8: {  	s6 =	ssub.s32 $0x2, s6;
	s11 =	smul.u32 $0xA00, s0;
	s4 =	sor.u32 s0, s1  }
0x9: {  	s1 =	rddreg [dreg:$0x3];
	_ =	strace $0x80000047;
	s12 =	sshrl.u32 s6, $0x1  }
0xa: {  	s4 =	smul.u32 $0x4F0, s4;
	s7 =	sadd.s32 s10, s7;
	s30 =	ssub.s32 s6, s12  }
0xb: {  	s11 =	sshrl.u32 s11, $0x2;
	s10 =	simm.s32 $0x2780;
	s12 =	simm.s32 $0x2800  }
0xc: {  	s31 =	sshrl.u32 s7, $0x3;
	s7 =	sadd.s32 s11, s2;
	s11 =	simm.s32 $0x3  }
0xd: {  	s9 =	sadd.s32 s4, s5;
	s4 =	sadd.s32 $0x17200, s5;
	s5 =	sadd.s32 $0x17000, s5  }
0xe: {  	s8 =	sadd.s32 s8, s31;
	s6 =	sadd.s32 $0x3400, s9;
	s9 =	smax.u32 s30, $0x1  }
.LBB2_1:
0xf: {  	[tilespmem:s3], [sflag:$0x2] =	stream.linear.gather [hbm4b:s6+s3], $0x2780, $0x38;
	[tilespmem:$0x5500] =	vst v63  }
0x10: {  	_ = 	snop  }
0x11: {  	[tilespmem:s10], [sflag:$0x3] =	stream.linear.gather [hbm4b:s4+s3], $0x80, $0x38;
	[tilespmem:$0x5500] =	vst v63  }
0x12: {  	_ =	swait.ge [sflag:s11], $0x80  }
0x13: {  	[sflag:s11] =	ssyncset.done $0x0  }
0x14: {  	[sflag:s11] =	ssyncadd.s32 $0xFFFFFF80  }
0x15: {  	[tilespmem:s12], [sflag:$0x3] =	stream.linear.gather [hbm4b:s5+s3], $0x280, $0x38;
	[tilespmem:$0x5500] =	vst v63  }
0x16: {  	_ =	swait.ge [sflag:s11], $0x280  }
0x17: {  	[sflag:s11] =	ssyncset.done $0x0  }
0x18: {  	[sflag:s11] =	ssyncadd.s32 $0xFFFFFD80  }
0x19: {  	[spmem:s7] =	stream.linear.scatter [tilespmem:s12], [sflag:$0x3], $0x280, $0x38;
	[tilespmem:$0x5500] =	vst v63  }
0x1a: {  	_ =	swait.ge [sflag:s11], $0x280  }
0x1b: {  	[sflag:s11] =	ssyncset.done $0x0  }
0x1c: {  	[sflag:s11] =	ssyncadd.s32 $0xFFFFFD80  }
0x1d: {  	_ =	swait.ge [sflag:s13], $0x2780  }
0x1e: {  	[sflag:s13] =	ssyncset.done $0x0  }
0x1f: {  	[sflag:s13] =	ssyncadd.s32 $0xFFFFD880  }
0x20: {  	s18 =	simm.s32 $0x0;
	[bflag:$0x0] =	sbarrier.arrive $0xFFFF  }
.LBB2_2:
0x21: {  	p0 =	sne.s32 s18, $0x9C00  }
.Ltmp0:
0x22: {  	_ = 	snop;
	(pc) =	sbr.rel @p0 .LBB2_2-.Ltmp0, $3  }
0x23: {  	_ =	sdelay $0x1  }
0x24: {  	s19 =	sshra.s32 s18, $0x2;
	s18 =	sadd.s32 $0x200, s18  }
0x25: {  	[spmem:s2] =	stream.indirect.scatter.add.f32 [tilespmem:s10], [sflag:$0x1], $0x1, s19, s14, $0xb8;
	[tilespmem:$0x5500] =	vst v63  }
0x26: {  	_ =	swait.ge [sflag:s15], $0x80  }
0x27: {  	s18 =	simm.s32 $0x4E;
	[sflag:s15] =	ssyncset.done $0x0  }
.LBB2_4:
0x28: {  	p0 =	sne.s32 s18, $0x1;
	s18 =	sadd.s32 $0xFFFFFFFF, s18;
	[sflag:s15] =	ssyncadd.s32 $0xFFFFFF80  }
.Ltmp1:
0x29: {  	(pc) =	sbr.rel @p0 .LBB2_4-.Ltmp1, $3  }
0x2a: {  	_ =	sdelay $0x1  }
0x2b: {  	_ =	swait.ge [sflag:s15], $0x80  }
0x2c: {  	[sflag:s15] =	ssyncset.done $0x0  }
0x2d: {  	[sflag:s15] =	ssyncadd.s32 $0xFFFFFF80  }
0x2e: {  	[bflag:$0x0] =	sbarrier.arrive $0xFFFF  }
0x2f: {  	[tilespmem:s12], [sflag:$0x3] =	stream.linear.gather [spmem:s7], $0x280, $0x38;
	[tilespmem:$0x5500] =	vst v63  }
0x30: {  	_ =	swait.ge [sflag:s11], $0x280  }
0x31: {  	[sflag:s11] =	ssyncset.done $0x0  }
0x32: {  	s18 =	simm.s32 $0x0;
	[sflag:s11] =	ssyncadd.s32 $0xFFFFFD80  }
0x33: {  	v0 =	vld [tilespmem:s18+$0x2800];
	_ =	sdelay $0x4  }
0x34: {  	v1 =	vbroadcast v0, $0x0  }
0x35: {  	s18 =	simm.s32 $0x2B00;
	v2 =	vbroadcast v0, $0x1  }
0x36: {  	v3 =	vbroadcast v0, $0x2;
	[tilespmem:s18+$0xFFFFFF80] =	vst v1  }
0x37: {  	v52 =	vbroadcast v0, $0x3;
	[tilespmem:s18+$0xFFFFFF90] =	vst v2  }
0x38: {  	v53 =	vbroadcast v0, $0x4;
	[tilespmem:s18+$0xFFFFFFA0] =	vst v3  }
0x39: {  	v54 =	vbroadcast v0, $0x5;
	[tilespmem:s18+$0xFFFFFFB0] =	vst v52  }
0x3a: {  	v55 =	vbroadcast v0, $0x6;
	[tilespmem:s18+$0xFFFFFFC0] =	vst v53  }
0x3b: {  	v56 =	vbroadcast v0, $0x7;
	[tilespmem:s18+$0xFFFFFFD0] =	vst v54  }
0x3c: {  	v57 =	vbroadcast v0, $0x8;
	[tilespmem:s18+$0xFFFFFFE0] =	vst v55  }
0x3d: {  	v58 =	vbroadcast v0, $0x9;
	[tilespmem:s18+$0xFFFFFFF0] =	vst v56  }
0x3e: {  	v59 =	vbroadcast v0, $0xA;
	[tilespmem:s18+$0x0] =	vst v57  }
0x3f: {  	v60 =	vbroadcast v0, $0xB;
	[tilespmem:s18+$0x10] =	vst v58  }
0x40: {  	v61 =	vbroadcast v0, $0xC;
	[tilespmem:s18+$0x20] =	vst v59  }
0x41: {  	v62 =	vbroadcast v0, $0xD;
	[tilespmem:s18+$0x30] =	vst v60  }
0x42: {  	v63 =	vbroadcast v0, $0xE;
	[tilespmem:s18+$0x40] =	vst v61  }
0x43: {  	v0 =	vbroadcast v0, $0xF;
	[tilespmem:s18+$0x50] =	vst v62  }
0x44: {  	[tilespmem:s18+$0x60] =	vst v63  }
0x45: {  	s20 =	simm.s32 $0x10;
	s19 =	simm.s32 $0x80;
	[tilespmem:s18+$0x70] =	vst v0  }
.LBB2_6:
0x46: {  	p0 =	sne.s32 s19, $0x9C0;
	v0 =	vld [tilespmem:s20+$0x2800];
	_ =	sdelay $0x4  }
0x47: {  	v1 =	vbroadcast v0, $0x0;
	v2 =	vbroadcast v0, $0x1  }
0x48: {  	s18 =	sadd.s32 $0x100, s18;
	v3 =	vbroadcast v0, $0x2;
	v4 =	vbroadcast v0, $0x3  }
0x49: {  	v5 =	vbroadcast v0, $0x5;
	[tilespmem:s18+$0xFFFFFF80] =	vst v1;
	v1 =	vbroadcast v0, $0x4  }
0x4a: {  	v6 =	vbroadcast v0, $0x7;
	[tilespmem:s18+$0xFFFFFF90] =	vst v2;
	v2 =	vbroadcast v0, $0x6  }
0x4b: {  	v7 =	vbroadcast v0, $0x9;
	[tilespmem:s18+$0xFFFFFFA0] =	vst v3;
	v3 =	vbroadcast v0, $0x8  }
0x4c: {  	v8 =	vbroadcast v0, $0xB;
	[tilespmem:s18+$0xFFFFFFB0] =	vst v4;
	v4 =	vbroadcast v0, $0xA  }
0x4d: {  	v9 =	vbroadcast v0, $0xD;
	[tilespmem:s18+$0xFFFFFFC0] =	vst v1;
	v1 =	vbroadcast v0, $0xC  }
0x4e: {  	[tilespmem:s18+$0xFFFFFFD0] =	vst v5;
	v5 =	vbroadcast v0, $0xE;
	v0 =	vbroadcast v0, $0xF  }
0x4f: {  	[tilespmem:s18+$0xFFFFFFE0] =	vst v2  }
0x50: {  	[tilespmem:s18+$0xFFFFFFF0] =	vst v6  }
0x51: {  	[tilespmem:s18+$0x0] =	vst v3  }
0x52: {  	[tilespmem:s18+$0x10] =	vst v7  }
0x53: {  	[tilespmem:s18+$0x20] =	vst v4  }
.Ltmp2:
0x54: {  	[tilespmem:s18+$0x30] =	vst v8;
	(pc) =	sbr.rel @p0 .LBB2_6-.Ltmp2, $4  }
0x55: {  	[tilespmem:s18+$0x40] =	vst v1  }
0x56: {  	[tilespmem:s18+$0x50] =	vst v9  }
0x57: {  	[tilespmem:s18+$0x60] =	vst v5  }
0x58: {  	s20 =	sshra.s32 s19, $0x2;
	s19 =	sadd.s32 $0x40, s19;
	[tilespmem:s18+$0x70] =	vst v0  }
0x59: {  	v0 =	vld [tilespmem:s20+$0x2800];
	_ =	sdelay $0x4  }
0x5a: {  	v1 =	vbroadcast v0, $0x0  }
0x5b: {  	s18 =	sadd.s32 $0x100, s18;
	v2 =	vbroadcast v0, $0x1  }
0x5c: {  	v3 =	vbroadcast v0, $0x2;
	[tilespmem:s18+$0xFFFFFF80] =	vst v1  }
0x5d: {  	v52 =	vbroadcast v0, $0x3;
	[tilespmem:s18+$0xFFFFFF90] =	vst v2  }
0x5e: {  	v53 =	vbroadcast v0, $0x4;
	[tilespmem:s18+$0xFFFFFFA0] =	vst v3  }
0x5f: {  	v54 =	vbroadcast v0, $0x5;
	[tilespmem:s18+$0xFFFFFFB0] =	vst v52  }
0x60: {  	v55 =	vbroadcast v0, $0x6;
	[tilespmem:s18+$0xFFFFFFC0] =	vst v53  }
0x61: {  	v56 =	vbroadcast v0, $0x7;
	[tilespmem:s18+$0xFFFFFFD0] =	vst v54  }
0x62: {  	v57 =	vbroadcast v0, $0x8;
	[tilespmem:s18+$0xFFFFFFE0] =	vst v55  }
0x63: {  	v58 =	vbroadcast v0, $0x9;
	[tilespmem:s18+$0xFFFFFFF0] =	vst v56  }
0x64: {  	v59 =	vbroadcast v0, $0xA;
	[tilespmem:s18+$0x0] =	vst v57  }
0x65: {  	v60 =	vbroadcast v0, $0xB;
	[tilespmem:s18+$0x10] =	vst v58  }
0x66: {  	v61 =	vbroadcast v0, $0xC;
	[tilespmem:s18+$0x20] =	vst v59  }
0x67: {  	v62 =	vbroadcast v0, $0xD;
	[tilespmem:s18+$0x30] =	vst v60  }
0x68: {  	v63 =	vbroadcast v0, $0xE;
	[tilespmem:s18+$0x40] =	vst v61  }
0x69: {  	s17 =	sadd.s32 $0x1, s17;
	v0 =	vbroadcast v0, $0xF;
	[tilespmem:s18+$0x50] =	vst v62  }
0x6a: {  	p0 =	sne.s32 s17, s9;
	[tilespmem:s18+$0x60] =	vst v63  }
.Ltmp3:
0x6b: {  	[tilespmem:s18+$0x70] =	vst v0;
	(pc) =	sbr.rel @p0 .LBB2_1-.Ltmp3, $4  }
0x6c: {  	[hbm4b:s8+s3] =	stream.linear.scatter [tilespmem:s16], [sflag:$0x3], $0x2800, $0x38;
	[tilespmem:$0x5500] =	vst v63  }
0x6d: {  	_ =	swait.ge [sflag:s11], $0x2800  }
0x6e: {  	[sflag:s11] =	ssyncset.done $0x0  }
0x6f: {  	[sflag:s11] =	ssyncadd.s32 $0xFFFFD800  }
0x70: {  	_ =	sfence.sel $0x180000  }
0x71: {  	[bflag:$0x0] =	sbarrier.arrive $0xFFFF  }
0x72: {  	p0 =	sne.s32 s0, $0x0;
	_ =	strace $0x90000047  }
0x73: {  	s0 =	sadd.s32 @!p0 $0x100000, s1;
	[bflag:$0x2] =	sbarrier.arrive $0xFFFF  }
0x74: {  	[sflag:s0] =	ssyncadd.tile.s32 @!p0 $0x1;
	_ =	shalt  }
.Lfunc_end2:
_tile_overlayer_lowered:
.L_overlay_start_2:
0x75: {  	(tag) =	ssettag $0x2  }
0x76: {  	s0 =	rddreg [dreg:$0x0];
	s2 =	stileid.u32  }
0x77: {  	s1 =	rddreg [dreg:$0x1];
	p0 =	sne.s32 s2, $0x0  }
0x78: {  	s3 =	rddreg [dreg:$0x2];
	[bflag:$0x3] =	sbarrier.arrive $0xFFFF;
	s2 =	simm.s32 @!p0 $0x1C03  }
0x79: {  	[timem:s3], [sflag:s2] =	dma.local @!p0 [hbm:s0], s1  }
0x7a: {  	s0 =	simm.s32 @!p0 $0x3  }
0x7b: {  	_ =	swait.ge @!p0 [sflag:s0], s1  }
0x7c: {  	s1 =	ssub.s32 @!p0 $0x0, s1;
	[sflag:s0] =	ssyncset.done @!p0 $0x0  }
0x7d: {  	[sflag:s0] =	ssyncadd.s32 @!p0 s1  }
0x7e: {  	[bflag:$0x3] =	sbarrier.arrive $0xFFFF  }
0x7f: {  	_ =	shalt  }

// kernel: kernel.14.cloned.1.call-start
scs
__scs_entry_jumppad:
0x0: {  	(pc) =	sbr.rel $0x88, $3  }
0x1: {  	(tag) =	ssettag $0x0;
	lr =	simm.s32 $0x1  }
0x2: {  	[smem:$0x3F9B] =	sst lr;
	_ =	strace $0xD0000000  }
0x3: {  	_ = 	snop  }
0x4: {  	_ = 	snop  }
0x5: {  	_ = 	snop  }
0x6: {  	_ = 	snop  }
0x7: {  	_ = 	snop  }
__scs_overlays_trampoline_lowered:
0x8: {  	[smem:$0x3FAA] =	sst s0  }
0x9: {  	[smem:$0x3FAB] =	sst s1  }
0xa: {  	[smem:$0x3FAC] =	sst s2  }
0xb: {  	[smem:$0x3FAD] =	sst s3  }
0xc: {  	[smem:$0x3FAE] =	sst s4  }
0xd: {  	[smem:$0x3FAF] =	sst s5  }
0xe: {  	[smem:$0x3FB0] =	sst s6  }
0xf: {  	[smem:$0x3FB1] =	sst s7  }
0x10: {  	[smem:$0x3FB2] =	sst s8  }
0x11: {  	[smem:$0x3FB3] =	sst s9;
	s0 =	simm.s32 @!p0 $0x0  }
0x12: {  	s1 =	sld [smem:$0x3F99];
	s0 =	simm.s32 @p0 $0x1  }
0x13: {  	[smem:$0x3FB4] =	sst s0;
	s0 =	simm.s32 @!p1 $0x0  }
0x14: {  	s2 =	sld [smem:$0x3F98];
	s0 =	simm.s32 @p1 $0x1  }
0x15: {  	[smem:$0x3FB5] =	sst s0;
	s0 =	simm.s32 @!p2 $0x0  }
0x16: {  	s3 =	sld [smem:$0x3FDB];
	s0 =	simm.s32 @p2 $0x1  }
0x17: {  	s4 =	simm.s32 $0x1BF5;
	[smem:$0x3FB7] =	sst s0  }
0x18: {  	s0 =	sld [smem:$0x3F9A];
	_ =	swait.ge [sflag:s4], $0x0  }
0x19: {  	s7 =	sld [smem:$0x3F9B]  }
0x1a: {  	s8 =	sadd.s32 $0xFFFFE003, lr  }
0x1b: {  	s9 =	sadd.s32 $0xFFFFFEF7, lr;
	s5 =	simm.s32 $0xFFFFFFFF;
	p2 =	slt.u32 s8, $0xFFFFF086  }
0x1c: {  	p1 =	slt.u32 s9, $0xF7A;
	s5 =	simm.s32 @!p2 $0x0  }
0x1d: {  	s5 =	simm.s32 @p1 $0x1;
	p0 =	seq.s32 s7, s2  }
0x1e: {  	s7 =	smul.u32 @!p0 $0xF7A, s2;
	p2 =	seq.s32 @!p0 s5, $0x0  }
0x1f: {  	s9 =	smul.u32 $0xF7A, s1;
	s8 =	simm.s32 @!p0 $0x1BF5;
	p2 =	por !p2, p0  }
0x20: {  	[sflag:s8] =	ssyncset.s32 @!p0 $0xFFFFF086;
	s6 =	sadd.s32 @!p0 s3, s7;
	s7 =	simm.s32 @!p0 $0x108  }
0x21: {  	s3 =	sadd.s32 s3, s9;
	s6 =	sadd.s32 @!p0 $0x88, s6;
	s7 =	simm.s32 @p2 $0x1082  }
0x22: {  	[simem:s7], [sflag:s8] =	dma.local @!p0 [hbm:s6], $0xF7A  }
0x23: {  	s9 =	sor.u32 $0xD0000000, s2;
	s6 =	simm.s32 $0x108;
	_ =	swait.ge @!p0 [sflag:s8], $0x0  }
0x24: {  	s3 =	sadd.s32 $0x88, s3;
	s6 =	simm.s32 @!p1 $0x1082;
	[sflag:s4] =	ssyncset.s32 $0xFFFFF086  }
0x25: {  	[simem:s6], [sflag:s4] =	dma.local [hbm:s3], $0xF7A  }
0x26: {  	[smem:$0x3F9B] =	sst s1;
	(tag) =	ssettag s2;
	_ =	strace s9  }
0x27: {  	s1 =	sld [smem:$0x3FAB]  }
0x28: {  	s2 =	sld [smem:$0x3FAC]  }
0x29: {  	s4 =	sld [smem:$0x3FAE]  }
0x2a: {  	p0 =	seq.s32 s5, $0x0;
	s5 =	sld [smem:$0x3FAF]  }
0x2b: {  	s6 =	sld [smem:$0x3FB0]  }
0x2c: {  	s7 =	sld [smem:$0x3FB1]  }
0x2d: {  	s3 =	simm.s32 $0x108;
	s8 =	sld [smem:$0x3FB2]  }
0x2e: {  	s3 =	simm.s32 @!p0 $0x1082;
	s9 =	sld [smem:$0x3FB3]  }
0x2f: {  	lr =	sadd.s32 s0, s3;
	s0 =	sld [smem:$0x3FAA]  }
0x30: {  	s3 =	sld [smem:$0x3FAD]  }
0x31: {  	[smem:$0x3FB6] =	sst s10  }
0x32: {  	s10 =	sld [smem:$0x3FB4];
	_ =	sdelay $0x3  }
0x33: {  	p0 =	seq.s32 s10, $0x1;
	s10 =	sld [smem:$0x3FB6];
	_ =	sdelay $0x3  }
0x34: {  	[smem:$0x3FB6] =	sst s10  }
0x35: {  	s10 =	sld [smem:$0x3FB5];
	_ =	sdelay $0x3  }
0x36: {  	p1 =	seq.s32 s10, $0x1;
	s10 =	sld [smem:$0x3FB6];
	_ =	sdelay $0x3  }
0x37: {  	[smem:$0x3FB6] =	sst s10  }
0x38: {  	s10 =	sld [smem:$0x3FB7]  }
0x39: {  	_ = 	snop;
	(pc) =	sbr.ind lr, $3  }
0x3a: {  	_ = 	snop  }
0x3b: {  	_ = 	snop  }
0x3c: {  	p2 =	seq.s32 s10, $0x1;
	s10 =	sld [smem:$0x3FB6]  }
0x3d: {  	_ =	shalt  }
0x3e: {  	_ =	shalt  }
0x3f: {  	_ =	shalt  }
0x40: {  	_ =	shalt  }
0x41: {  	_ =	shalt  }
0x42: {  	_ =	shalt  }
0x43: {  	_ =	shalt  }
0x44: {  	_ =	shalt  }
0x45: {  	_ =	shalt  }
0x46: {  	_ =	shalt  }
0x47: {  	_ =	shalt  }
0x48: {  	_ =	shalt  }
0x49: {  	_ =	shalt  }
0x4a: {  	_ =	shalt  }
0x4b: {  	_ =	shalt  }
0x4c: {  	_ =	shalt  }
0x4d: {  	_ =	shalt  }
0x4e: {  	_ =	shalt  }
0x4f: {  	_ =	shalt  }
0x50: {  	_ =	shalt  }
0x51: {  	_ =	shalt  }
0x52: {  	_ =	shalt  }
0x53: {  	_ =	shalt  }
0x54: {  	_ =	shalt  }
0x55: {  	_ =	shalt  }
0x56: {  	_ =	shalt  }
0x57: {  	_ =	shalt  }
0x58: {  	_ =	shalt  }
0x59: {  	_ =	shalt  }
0x5a: {  	_ =	shalt  }
0x5b: {  	_ =	shalt  }
0x5c: {  	_ =	shalt  }
0x5d: {  	_ =	shalt  }
0x5e: {  	_ =	shalt  }
0x5f: {  	_ =	shalt  }
0x60: {  	_ =	shalt  }
0x61: {  	_ =	shalt  }
0x62: {  	_ =	shalt  }
0x63: {  	_ =	shalt  }
0x64: {  	_ =	shalt  }
0x65: {  	_ =	shalt  }
0x66: {  	_ =	shalt  }
0x67: {  	_ =	shalt  }
0x68: {  	_ =	shalt  }
0x69: {  	_ =	shalt  }
0x6a: {  	_ =	shalt  }
0x6b: {  	_ =	shalt  }
0x6c: {  	_ =	shalt  }
0x6d: {  	_ =	shalt  }
0x6e: {  	_ =	shalt  }
0x6f: {  	_ =	shalt  }
0x70: {  	_ =	shalt  }
0x71: {  	_ =	shalt  }
0x72: {  	_ =	shalt  }
0x73: {  	_ =	shalt  }
0x74: {  	_ =	shalt  }
0x75: {  	_ =	shalt  }
0x76: {  	_ =	shalt  }
0x77: {  	_ =	shalt  }
0x78: {  	_ =	shalt  }
0x79: {  	_ =	shalt  }
0x7a: {  	_ =	shalt  }
0x7b: {  	_ =	shalt  }
0x7c: {  	_ =	shalt  }
0x7d: {  	_ =	shalt  }
0x7e: {  	_ =	shalt  }
0x7f: {  	_ =	shalt  }
0x80: {  	_ =	shalt  }
0x81: {  	_ =	shalt  }
0x82: {  	_ =	shalt  }
0x83: {  	_ =	shalt  }
0x84: {  	_ =	shalt  }
0x85: {  	_ =	shalt  }
0x86: {  	_ =	shalt  }
0x87: {  	_ =	shalt  }
.Lfunc_end0:
.L_simem_size_0:
called_computation.1_lowered:
.L_overlay_start_0:
0x88: {  	s2 =	sld [smem:$0x3FD9]  }
0x89: {  	s3 =	sld [smem:$0x3FFE];
	_ =	sdelay $0x1  }
0x8a: {  	s1 =	srdreg.scid  }
0x8b: {  	s0 =	sand.u32 $0x1, s1  }
0x8c: {  	s17 =	sshll.u32 s0, $0xA;
	s2 =	sadd.s32 s3, s2  }
0x8d: {  	s2 =	sadd.s32 s2, s17  }
0x8e: {  	[smem:$0x3FC2] =	sst s2  }
0x8f: {  	_ = 	snop  }
0x90: {  	s2 =	sld [smem:$0x3FD0];
	(tm) =	ssettm $0x1  }
0x91: {  	s18 =	sld [smem:$0x3FFB];
	_ =	sdelay $0x3  }
0x92: {  	_ =	strace s18  }
0x93: {  	s3 =	sld [smem:$0x3FFC];
	_ =	sdelay $0x3  }
0x94: {  	_ =	strace s3  }
0x95: {  	s3 =	sld [smem:$0x3FFD];
	_ =	sdelay $0x3  }
0x96: {  	_ =	strace s3  }
0x97: {  	_ =	strace $0x8FFFFFFF  }
0x98: {  	s19 =	sld [smem:$0x3FDB];
	_ =	sdelay $0x1  }
0x99: {  	s4 =	simm.s32 $_scs_section_size  }
0x9a: {  	s5 =	simm.s32 $_size__tile_overlayer_lowered;
	s6 =	simm.s32 $_tile_overlayer_lowered  }
0x9b: {  	s22 =	simm.s32 $0x1BFF;
	s21 =	sshll.u32 s6, $0x1;
	s3 =	sadd.s32 s4, s19  }
0x9c: {  	s7 =	simm.s32 $0x0;
	s20 =	sshll.u32 s5, $0x1;
	s5 =	sadd.s32 s21, s3  }
0x9d: {  	[timem:s7], [sflag:s22] =	dma.local [hbm:s5], s20  }
0x9e: {  	_ =	swait.ge [sflag:s22], s20  }
0x9f: {  	s4 =	ssub.s32 $0x0, s20;
	[sflag:s22] =	ssyncset.done $0x0  }
0xa0: {  	[sflag:s22] =	ssyncadd.s32 s4;
	_ =	sdelay $0x1  }
0xa1: {  	s23 =	simm.s32 $0x1B8B  }
0xa2: {  	_ =	swait.ge [sflag:s23], $0x1  }
0xa3: {  	[sflag:s23] =	ssyncset.done $0x0  }
0xa4: {  	s25 =	simm.s32 $0x1B8E;
	s24 =	sld [smem:$0x3FFE];
	[sflag:s23] =	ssyncadd.s32 $0xFFFFFFFF  }
0xa5: {  	s26 =	simm.s32 $execute0_lowered;
	[smem:$0x3FD2] =	sst s25  }
0xa6: {  	s5 =	sshll.u32 s26, $0x1;
	_ =	strace $0x80000049;
	[dreg:$0x1] =	wrdreg $0xFFFFFFFF  }
0xa7: {  	s28 =	simm.s32 $_size_execute0_lowered;
	s3 =	sadd.s32 s3, s5;
	[dreg:$0x0] =	wrdreg $0x0  }
0xa8: {  	s5 =	sshll.u32 s28, $0x1;
	[dreg:$0x2] =	wrdreg s3  }
0xa9: {  	[dreg:$0x3] =	wrdreg s5  }
0xaa: {  	[dreg:$0x4] =	wrdreg $0xC0  }
0xab: {  	_ =	task [dreg:s7], $0x5FFFF  }
0xac: {  	[dreg:$0x1] =	wrdreg $0xFFFFFFFF  }
0xad: {  	[dreg:$0x0] =	wrdreg $0x60  }
0xae: {  	[dreg:$0x2] =	wrdreg s24  }
0xaf: {  	[dreg:$0x3] =	wrdreg s2  }
0xb0: {  	[dreg:$0x4] =	wrdreg $0xE7000  }
0xb1: {  	[dreg:$0x5] =	wrdreg $0xBF000  }
0xb2: {  	[dreg:$0x6] =	wrdreg $0x9  }
0xb3: {  	_ =	task.clear_ibuf [dreg:s7], $0x7FFFF;
	_ =	strace $0x90000049  }
0xb4: {  	s29 =	simm.s32 $0x9;
	_ =	strace $0x8000004B  }
0xb5: {  	_ =	swait.ge [sflag:s29], $0x1  }
0xb6: {  	[sflag:s29] =	ssyncadd.s32 $0xFFFFFFFF  }
0xb7: {  	_ =	strace $0x9000004B  }
0xb8: {  	_ =	sfence  }
0xb9: {  	s30 =	sld [smem:$0x0];
	_ =	sdelay $0x2  }
0xba: {  	s31 =	sshll.u32 s1, $0xD;
	s1 =	sshrl.u32 s1, $0x2  }
0xbb: {  	s3 =	sand.u32 $0x4000, s31;
	s1 =	sadd.s32 s1, s30  }
0xbc: {  	s0 =	sor.u32 s3, s0;
	s1 =	sshll.u32 s1, $0x11  }
0xbd: {  	s0 =	sor.u32 s1, s0  }
0xbe: {  	s0 =	sadd.s32 $0x8F2B, s0  }
0xbf: {  	[sflag:s0] =	ssyncadd.remote.s32 $0x1  }
0xc0: {  	_ =	sfence.sel $0xFFFF  }
0xc1: {  	[dreg:$0x0] =	wrdreg $0xFFFFFFFF;
	(pc) =	sbr.abs _section_cstart, $3  }
0xc2: {  	[dreg:$0x1] =	wrdreg $0xFFFFFFFF  }
0xc3: {  	_ =	task.clear_ibuf [dreg:s7], $0x2FFFF;
	_ =	strace $0x9FFFFFFF  }
0xc4: {  	(tm) =	ssettm $0x7FFFFFFF  }
0xc5: {  	_ =	shalt  }
tec
execute0_lowered:
.L_overlay_start_1:
0x0: {  	(tag) =	ssettag $0x1  }
0x1: {  	s0 =	rddreg [dreg:$0x0]  }
0x2: {  	s1 =	rddreg [dreg:$0x1]  }
0x3: {  	s2 =	rddreg [dreg:$0x2]  }
0x4: {  	s3 =	rddreg [dreg:$0x3]  }
0x5: {  	s4 =	srdreg.scid;
	s7 =	stileid.u32;
	s13 =	simm.s32 $0x9700  }
0x6: {  	s15 =	simm.s32 $0x6F00;
	s16 =	simm.s32 $0xB;
	s17 =	simm.s32 $0xA  }
0x7: {  	s18 =	simm.s32 $0x9;
	s19 =	simm.s32 $0x80;
	s20 =	simm.s32 $0x4F00  }
0x8: {  	s21 =	simm.s32 $0x5700;
	s23 =	simm.s32 $0x5F00;
	s28 =	simm.s32 $0x5  }
0x9: {  	s29 =	simm.s32 $0x2;
	s30 =	simm.s32 $0x6;
	s31 =	simm.s32 $0x3  }
0xa: {  	s14 =	simm.s32 $0x8;
	s22 =	simm.s32 $0x0;
	s5 =	sand.u32 $0x1, s4  }
0xb: {  	s4 =	simm.s32 $0x0;
	s10 =	smul.u32 $0x2800, s7;
	s6 =	sshll.u32 s5, $0x4  }
0xc: {  	[smem:$0x7FF] =	sst s4;
	s8 =	ssub.s32 $0x2, s5;
	s5 =	smul.u32 $0x28000, s5  }
0xd: {  	s6 =	sor.u32 s7, s6;
	_ =	strace $0x8000004A;
	s25 =	sshrl.u32 s10, $0x3  }
0xe: {  	s26 =	sshrl.u32 s8, $0x1;
	s6 =	smul.u32 $0x4F0, s6;
	s7 =	sadd.s32 s25, s0  }
0xf: {  	s5 =	sadd.s32 s10, s5;
	s25 =	simm.s32 $0x6700;
	s7 =	sadd.s32 $0x17000, s7  }
0x10: {  	s5 =	sshrl.u32 s5, $0x3;
	s9 =	sadd.s32 s6, s0;
	s0 =	sadd.s32 $0x1C000, s0  }
0x11: {  	s11 =	sadd.s32 s1, s5;
	s1 =	simm.s32 $0x4;
	[dreg:$0x5] =	wrdreg s0  }
0x12: {  	s0 =	ssub.s32 s8, s26;
	s6 =	sadd.s32 $0xD200, s9;
	s8 =	sadd.s32 $0x3400, s9  }
0x13: {  	s9 =	sadd.s32 s10, s2;
	s10 =	sadd.s32 s10, s3;
	s26 =	simm.s32 $0x1  }
0x14: {  	[dreg:$0x6] =	wrdreg s6;
	s12 =	smax.u32 s0, $0x1;
	s0 =	simm.s32 $0x7  }
.LBB2_1:
0x15: {  	s5 =	rddreg [dreg:$0x6]  }
0x16: {  	[tilespmem:s4], [sflag:$0x9] =	stream.linear.gather [hbm4b:s5+s4], $0x2780, $0x38;
	[tilespmem:$0x10F00] =	vst v63  }
0x17: {  	_ = 	snop  }
0x18: {  	[tilespmem:s13], [sflag:$0xA] =	stream.linear.gather [hbm4b:s7+s4], $0x2800, $0x38;
	[tilespmem:$0x10F00] =	vst v63  }
0x19: {  	s24 =	simm.s32 $0x2780  }
0x1a: {  	[tilespmem:s24], [sflag:$0x9] =	stream.linear.gather [hbm4b:s8+s4], $0x2780, $0x38;
	[tilespmem:$0x10F00] =	vst v63  }
0x1b: {  	s6 =	rddreg [dreg:$0x5]  }
0x1c: {  	[tilespmem:s15], [sflag:$0xB] =	stream.linear.gather [hbm4b:s6+s4], $0x2800, $0x38;
	[tilespmem:$0x10F00] =	vst v63  }
0x1d: {  	_ =	swait.ge [sflag:s16], $0x2800  }
0x1e: {  	[sflag:s16] =	ssyncset.done $0x0  }
0x1f: {  	[sflag:s16] =	ssyncadd.s32 $0xFFFFD800  }
0x20: {  	[spmem:s9] =	stream.linear.scatter [tilespmem:s15], [sflag:$0xB], $0x2800, $0x38;
	[tilespmem:$0x10F00] =	vst v63  }
0x21: {  	_ =	swait.ge [sflag:s16], $0x2800  }
0x22: {  	[sflag:s16] =	ssyncset.done $0x0  }
0x23: {  	[sflag:s16] =	ssyncadd.s32 $0xFFFFD800  }
0x24: {  	_ =	swait.ge [sflag:s17], $0x2800  }
0x25: {  	[sflag:s17] =	ssyncset.done $0x0  }
0x26: {  	[sflag:s17] =	ssyncadd.s32 $0xFFFFD800  }
0x27: {  	[spmem:s10] =	stream.linear.scatter [tilespmem:s13], [sflag:$0xB], $0x2800, $0x38;
	[tilespmem:$0x10F00] =	vst v63  }
0x28: {  	_ =	swait.ge [sflag:s16], $0x2800  }
0x29: {  	[sflag:s16] =	ssyncset.done $0x0  }
0x2a: {  	[sflag:s16] =	ssyncadd.s32 $0xFFFFD800  }
0x2b: {  	_ =	swait.ge [sflag:s18], $0x2780  }
0x2c: {  	[sflag:s18] =	ssyncset.done $0x0  }
0x2d: {  	[sflag:s18] =	ssyncadd.s32 $0xFFFFD880  }
0x2e: {  	_ =	swait.ge [sflag:s18], $0x2780  }
0x2f: {  	[sflag:s18] =	ssyncset.done $0x0  }
0x30: {  	[sflag:s18] =	ssyncadd.s32 $0xFFFFD880  }
0x31: {  	[bflag:$0x0] =	sbarrier.arrive $0xFFFF  }
0x32: {  	[tilespmem:s20], [sflag:$0x1] =	stream.indirect.gather [spmem:s3], $0x10, s4, s19, $0xb8;
	[tilespmem:$0x10F00] =	vst v63  }
0x33: {  	_ = 	snop  }
0x34: {  	[tilespmem:s21], [sflag:$0x2] =	stream.indirect.gather [spmem:s3], $0x10, s19, s19, $0xb8;
	[tilespmem:$0x10F00] =	vst v63  }
0x35: {  	s24 =	simm.s32 $0x100  }
0x36: {  	[tilespmem:s23], [sflag:$0x3] =	stream.indirect.gather [spmem:s3], $0x10, s24, s19, $0xb8;
	[tilespmem:$0x10F00] =	vst v63  }
0x37: {  	s6 =	simm.s32 $0x180  }
0x38: {  	[tilespmem:s25], [sflag:$0x4] =	stream.indirect.gather [spmem:s3], $0x10, s6, s19, $0xb8;
	[tilespmem:$0x10F00] =	vst v63  }
0x39: {  	_ =	swait.ge [sflag:s26], $0x800  }
0x3a: {  	[sflag:s26] =	ssyncset.done $0x0  }
0x3b: {  	s24 =	simm.s32 $0x2780;
	[sflag:s26] =	ssyncadd.s32 $0xFFFFF800  }
0x3c: {  	[spmem:s2] =	stream.indirect.scatter.add.f32 [tilespmem:s20], [sflag:$0x5], $0x10, s24, s19, $0xb8;
	[tilespmem:$0x10F00] =	vst v63  }
0x3d: {  	_ =	swait.ge [sflag:s28], $0x800  }
0x3e: {  	[sflag:s28] =	ssyncset.done $0x0  }
0x3f: {  	s6 =	simm.s32 $0x200;
	[sflag:s28] =	ssyncadd.s32 $0xFFFFF800  }
0x40: {  	[tilespmem:s20], [sflag:$0x1] =	stream.indirect.gather [spmem:s3], $0x10, s6, s19, $0xb8;
	[tilespmem:$0x10F00] =	vst v63  }
0x41: {  	_ =	swait.ge [sflag:s29], $0x800  }
0x42: {  	[sflag:s29] =	ssyncset.done $0x0  }
0x43: {  	s24 =	simm.s32 $0x2800;
	[sflag:s29] =	ssyncadd.s32 $0xFFFFF800  }
0x44: {  	[spmem:s2] =	stream.indirect.scatter.add.f32 [tilespmem:s21], [sflag:$0x6], $0x10, s24, s19, $0xb8;
	[tilespmem:$0x10F00] =	vst v63  }
0x45: {  	_ =	swait.ge [sflag:s30], $0x800  }
0x46: {  	[sflag:s30] =	ssyncset.done $0x0  }
0x47: {  	s6 =	simm.s32 $0x280;
	[sflag:s30] =	ssyncadd.s32 $0xFFFFF800  }
0x48: {  	[tilespmem:s21], [sflag:$0x2] =	stream.indirect.gather [spmem:s3], $0x10, s6, s19, $0xb8;
	[tilespmem:$0x10F00] =	vst v63  }
0x49: {  	_ =	swait.ge [sflag:s31], $0x800  }
0x4a: {  	[sflag:s31] =	ssyncset.done $0x0  }
0x4b: {  	s24 =	simm.s32 $0x2880;
	[sflag:s31] =	ssyncadd.s32 $0xFFFFF800  }
0x4c: {  	[spmem:s2] =	stream.indirect.scatter.add.f32 [tilespmem:s23], [sflag:$0x7], $0x10, s24, s19, $0xb8;
	[tilespmem:$0x10F00] =	vst v63  }
0x4d: {  	_ =	swait.ge [sflag:s0], $0x800  }
0x4e: {  	[sflag:s0] =	ssyncset.done $0x0  }
0x4f: {  	s6 =	simm.s32 $0x300;
	[sflag:s0] =	ssyncadd.s32 $0xFFFFF800  }
0x50: {  	[tilespmem:s23], [sflag:$0x3] =	stream.indirect.gather [spmem:s3], $0x10, s6, s19, $0xb8;
	[tilespmem:$0x10F00] =	vst v63  }
0x51: {  	_ =	swait.ge [sflag:s1], $0x800  }
0x52: {  	[sflag:s1] =	ssyncset.done $0x0  }
0x53: {  	s24 =	simm.s32 $0x2900;
	[sflag:s1] =	ssyncadd.s32 $0xFFFFF800  }
0x54: {  	[spmem:s2] =	stream.indirect.scatter.add.f32 [tilespmem:s25], [sflag:$0x8], $0x10, s24, s19, $0xb8;
	[tilespmem:$0x10F00] =	vst v63  }
0x55: {  	_ =	swait.ge [sflag:s14], $0x800  }
0x56: {  	[sflag:s14] =	ssyncset.done $0x0  }
0x57: {  	s5 =	simm.s32 $0x380;
	s24 =	simm.s32 $0x800;
	[sflag:s14] =	ssyncadd.s32 $0xFFFFF800  }
.LBB2_2:
0x58: {  	[tilespmem:s25], [sflag:$0x4] =	stream.indirect.gather [spmem:s3], $0x10, s5, s19, $0xb8;
	[tilespmem:$0x10F00] =	vst v63  }
0x59: {  	s5 =	smov.u32 s24  }
0x5a: {  	p0 =	sne.s32 s24, $0x8800;
	s24 =	sadd.s32 $0x800, s24;
	_ =	swait.ge [sflag:s26], $0x800  }
0x5b: {  	s5 =	sshra.s32 s5, $0x2;
	[sflag:s26] =	ssyncset.done $0x0  }
0x5c: {  	s6 =	sadd.s32 $0x2780, s5;
	[sflag:s26] =	ssyncadd.s32 $0xFFFFF800  }
0x5d: {  	[spmem:s2] =	stream.indirect.scatter.add.f32 [tilespmem:s20], [sflag:$0x5], $0x10, s6, s19, $0xb8;
	[tilespmem:$0x10F00] =	vst v63  }
0x5e: {  	_ =	swait.ge [sflag:s28], $0x800  }
0x5f: {  	[sflag:s28] =	ssyncset.done $0x0  }
0x60: {  	s6 =	sadd.s32 $0x200, s5;
	[sflag:s28] =	ssyncadd.s32 $0xFFFFF800  }
0x61: {  	[tilespmem:s20], [sflag:$0x1] =	stream.indirect.gather [spmem:s3], $0x10, s6, s19, $0xb8;
	[tilespmem:$0x10F00] =	vst v63  }
0x62: {  	_ =	swait.ge [sflag:s29], $0x800  }
0x63: {  	[sflag:s29] =	ssyncset.done $0x0  }
0x64: {  	s6 =	sadd.s32 $0x2800, s5;
	[sflag:s29] =	ssyncadd.s32 $0xFFFFF800  }
0x65: {  	[spmem:s2] =	stream.indirect.scatter.add.f32 [tilespmem:s21], [sflag:$0x6], $0x10, s6, s19, $0xb8;
	[tilespmem:$0x10F00] =	vst v63  }
0x66: {  	_ =	swait.ge [sflag:s30], $0x800  }
0x67: {  	[sflag:s30] =	ssyncset.done $0x0  }
0x68: {  	s6 =	sadd.s32 $0x280, s5;
	[sflag:s30] =	ssyncadd.s32 $0xFFFFF800  }
0x69: {  	[tilespmem:s21], [sflag:$0x2] =	stream.indirect.gather [spmem:s3], $0x10, s6, s19, $0xb8;
	[tilespmem:$0x10F00] =	vst v63  }
0x6a: {  	_ =	swait.ge [sflag:s31], $0x800  }
0x6b: {  	[sflag:s31] =	ssyncset.done $0x0  }
0x6c: {  	s6 =	sadd.s32 $0x2880, s5;
	[sflag:s31] =	ssyncadd.s32 $0xFFFFF800  }
0x6d: {  	[spmem:s2] =	stream.indirect.scatter.add.f32 [tilespmem:s23], [sflag:$0x7], $0x10, s6, s19, $0xb8;
	[tilespmem:$0x10F00] =	vst v63  }
0x6e: {  	_ =	swait.ge [sflag:s0], $0x800  }
0x6f: {  	[sflag:s0] =	ssyncset.done $0x0  }
0x70: {  	s6 =	sadd.s32 $0x300, s5;
	[sflag:s0] =	ssyncadd.s32 $0xFFFFF800  }
0x71: {  	[tilespmem:s23], [sflag:$0x3] =	stream.indirect.gather [spmem:s3], $0x10, s6, s19, $0xb8;
	[tilespmem:$0x10F00] =	vst v63  }
0x72: {  	_ =	swait.ge [sflag:s1], $0x800  }
0x73: {  	[sflag:s1] =	ssyncset.done $0x0  }
.Ltmp0:
0x74: {  	s6 =	sadd.s32 $0x2900, s5;
	[sflag:s1] =	ssyncadd.s32 $0xFFFFF800;
	(pc) =	sbr.rel @p0 .LBB2_2-.Ltmp0, $4  }
0x75: {  	[spmem:s2] =	stream.indirect.scatter.add.f32 [tilespmem:s25], [sflag:$0x8], $0x10, s6, s19, $0xb8;
	[tilespmem:$0x10F00] =	vst v63  }
0x76: {  	_ =	swait.ge [sflag:s14], $0x800  }
0x77: {  	[sflag:s14] =	ssyncset.done $0x0  }
0x78: {  	s5 =	sadd.s32 $0x380, s5;
	[sflag:s14] =	ssyncadd.s32 $0xFFFFF800  }
0x79: {  	[tilespmem:s25], [sflag:$0x4] =	stream.indirect.gather [spmem:s3], $0x10, s5, s19, $0xb8;
	[tilespmem:$0x10F00] =	vst v63  }
0x7a: {  	_ =	swait.ge [sflag:s26], $0x800  }
0x7b: {  	[sflag:s26] =	ssyncset.done $0x0  }
0x7c: {  	s6 =	simm.s32 $0x4B80;
	[sflag:s26] =	ssyncadd.s32 $0xFFFFF800  }
0x7d: {  	[spmem:s2] =	stream.indirect.scatter.add.f32 [tilespmem:s20], [sflag:$0x5], $0x10, s6, s19, $0xb8;
	[tilespmem:$0x10F00] =	vst v63  }
0x7e: {  	_ =	swait.ge [sflag:s28], $0x800  }
0x7f: {  	[sflag:s28] =	ssyncset.done $0x0  }
0x80: {  	s24 =	simm.s32 $0x2600;
	[sflag:s28] =	ssyncadd.s32 $0xFFFFF800  }
0x81: {  	[tilespmem:s20], [sflag:$0x1] =	stream.indirect.gather [spmem:s3], $0x10, s24, s19, $0xb8;
	[tilespmem:$0x10F00] =	vst v63  }
0x82: {  	_ =	swait.ge [sflag:s29], $0x800  }
0x83: {  	[sflag:s29] =	ssyncset.done $0x0  }
0x84: {  	s6 =	simm.s32 $0x4C00;
	[sflag:s29] =	ssyncadd.s32 $0xFFFFF800  }
0x85: {  	[spmem:s2] =	stream.indirect.scatter.add.f32 [tilespmem:s21], [sflag:$0x6], $0x10, s6, s19, $0xb8;
	[tilespmem:$0x10F00] =	vst v63  }
0x86: {  	_ =	swait.ge [sflag:s30], $0x800  }
0x87: {  	[sflag:s30] =	ssyncset.done $0x0  }
0x88: {  	s24 =	simm.s32 $0x2680;
	[sflag:s30] =	ssyncadd.s32 $0xFFFFF800  }
0x89: {  	[tilespmem:s21], [sflag:$0x2] =	stream.indirect.gather [spmem:s3], $0x10, s24, s19, $0xb8;
	[tilespmem:$0x10F00] =	vst v63  }
0x8a: {  	_ =	swait.ge [sflag:s31], $0x800  }
0x8b: {  	[sflag:s31] =	ssyncset.done $0x0  }
0x8c: {  	s6 =	simm.s32 $0x4C80;
	[sflag:s31] =	ssyncadd.s32 $0xFFFFF800  }
0x8d: {  	[spmem:s2] =	stream.indirect.scatter.add.f32 [tilespmem:s23], [sflag:$0x7], $0x10, s6, s19, $0xb8;
	[tilespmem:$0x10F00] =	vst v63  }
0x8e: {  	_ =	swait.ge [sflag:s0], $0x800  }
0x8f: {  	[sflag:s0] =	ssyncset.done $0x0  }
0x90: {  	s24 =	simm.s32 $0x2700;
	[sflag:s0] =	ssyncadd.s32 $0xFFFFF800  }
0x91: {  	[tilespmem:s23], [sflag:$0x3] =	stream.indirect.gather [spmem:s3], $0x10, s24, s19, $0xb8;
	[tilespmem:$0x10F00] =	vst v63  }
0x92: {  	_ =	swait.ge [sflag:s1], $0x800  }
0x93: {  	[sflag:s1] =	ssyncset.done $0x0  }
0x94: {  	s6 =	simm.s32 $0x4D00;
	[sflag:s1] =	ssyncadd.s32 $0xFFFFF800  }
0x95: {  	[spmem:s2] =	stream.indirect.scatter.add.f32 [tilespmem:s25], [sflag:$0x8], $0x10, s6, s19, $0xb8;
	[tilespmem:$0x10F00] =	vst v63  }
0x96: {  	_ =	swait.ge [sflag:s14], $0x800  }
0x97: {  	[sflag:s14] =	ssyncset.done $0x0  }
0x98: {  	[sflag:s14] =	ssyncadd.s32 $0xFFFFF800  }
0x99: {  	_ =	swait.ge [sflag:s26], $0x800  }
0x9a: {  	[sflag:s26] =	ssyncset.done $0x0  }
0x9b: {  	s24 =	simm.s32 $0x4D80;
	[sflag:s26] =	ssyncadd.s32 $0xFFFFF800  }
0x9c: {  	[spmem:s2] =	stream.indirect.scatter.add.f32 [tilespmem:s20], [sflag:$0x5], $0x10, s24, s19, $0xb8;
	[tilespmem:$0x10F00] =	vst v63  }
0x9d: {  	_ =	swait.ge [sflag:s28], $0x800  }
0x9e: {  	[sflag:s28] =	ssyncset.done $0x0  }
0x9f: {  	[sflag:s28] =	ssyncadd.s32 $0xFFFFF800  }
0xa0: {  	_ =	swait.ge [sflag:s29], $0x800  }
0xa1: {  	[sflag:s29] =	ssyncset.done $0x0  }
0xa2: {  	s6 =	simm.s32 $0x4E00;
	[sflag:s29] =	ssyncadd.s32 $0xFFFFF800  }
0xa3: {  	[spmem:s2] =	stream.indirect.scatter.add.f32 [tilespmem:s21], [sflag:$0x6], $0x10, s6, s19, $0xb8;
	[tilespmem:$0x10F00] =	vst v63  }
0xa4: {  	_ =	swait.ge [sflag:s30], $0x800  }
0xa5: {  	[sflag:s30] =	ssyncset.done $0x0  }
0xa6: {  	[sflag:s30] =	ssyncadd.s32 $0xFFFFF800  }
0xa7: {  	_ =	swait.ge [sflag:s31], $0x800  }
0xa8: {  	[sflag:s31] =	ssyncset.done $0x0  }
0xa9: {  	s24 =	simm.s32 $0x4E80;
	[sflag:s31] =	ssyncadd.s32 $0xFFFFF800  }
0xaa: {  	[spmem:s2] =	stream.indirect.scatter.add.f32 [tilespmem:s23], [sflag:$0x7], $0x10, s24, s19, $0xb8;
	[tilespmem:$0x10F00] =	vst v63  }
0xab: {  	_ =	swait.ge [sflag:s0], $0x800  }
0xac: {  	[sflag:s0] =	ssyncset.done $0x0  }
0xad: {  	[sflag:s0] =	ssyncadd.s32 $0xFFFFF800  }
0xae: {  	[bflag:$0x0] =	sbarrier.arrive $0xFFFF  }
0xaf: {  	[tilespmem:s15], [sflag:$0xB] =	stream.linear.gather [spmem:s9], $0x2800, $0x38;
	[tilespmem:$0x10F00] =	vst v63  }
0xb0: {  	s22 =	sadd.s32 $0x1, s22;
	_ =	swait.ge [sflag:s16], $0x2800  }
0xb1: {  	p0 =	sne.s32 s22, s12;
	[sflag:s16] =	ssyncset.done $0x0  }
.Ltmp1:
0xb2: {  	[sflag:s16] =	ssyncadd.s32 $0xFFFFD800;
	(pc) =	sbr.rel @p0 .LBB2_1-.Ltmp1, $4  }
0xb3: {  	[hbm4b:s11+s4] =	stream.linear.scatter [tilespmem:s15], [sflag:$0xB], $0x2800, $0x38;
	[tilespmem:$0x10F00] =	vst v63  }
0xb4: {  	_ =	swait.ge [sflag:s16], $0x2800  }
0xb5: {  	[sflag:s16] =	ssyncset.done $0x0  }
0xb6: {  	[sflag:s16] =	ssyncadd.s32 $0xFFFFD800  }
0xb7: {  	_ =	sfence.sel $0x180000  }
0xb8: {  	[bflag:$0x0] =	sbarrier.arrive $0xFFFF  }
0xb9: {  	_ =	strace $0x9000004A  }
0xba: {  	s0 =	stileid.u32;
	[bflag:$0x2] =	sbarrier.arrive $0xFFFF  }
0xbb: {  	p0 =	sne.s32 s0, $0x0;
	s0 =	rddreg [dreg:$0x4]  }
0xbc: {  	s0 =	sadd.s32 @!p0 $0x100000, s0  }
0xbd: {  	[sflag:s0] =	ssyncadd.tile.s32 @!p0 $0x1;
	_ =	shalt  }
.Lfunc_end2:
_tile_overlayer_lowered:
.L_overlay_start_2:
0xbe: {  	(tag) =	ssettag $0x2  }
0xbf: {  	s0 =	rddreg [dreg:$0x0];
	s2 =	stileid.u32  }
0xc0: {  	s1 =	rddreg [dreg:$0x1];
	p0 =	sne.s32 s2, $0x0  }
0xc1: {  	s3 =	rddreg [dreg:$0x2];
	[bflag:$0x3] =	sbarrier.arrive $0xFFFF;
	s2 =	simm.s32 @!p0 $0x1C0B  }
0xc2: {  	[timem:s3], [sflag:s2] =	dma.local @!p0 [hbm:s0], s1  }
0xc3: {  	s0 =	simm.s32 @!p0 $0xB  }
0xc4: {  	_ =	swait.ge @!p0 [sflag:s0], s1  }
0xc5: {  	s1 =	ssub.s32 @!p0 $0x0, s1;
	[sflag:s0] =	ssyncset.done @!p0 $0x0  }
0xc6: {  	[sflag:s0] =	ssyncadd.s32 @!p0 s1  }
0xc7: {  	[bflag:$0x3] =	sbarrier.arrive $0xFFFF  }
0xc8: {  	_ =	shalt  }

// kernel: kernel.17.cloned.1.call-start
scs
__scs_entry_jumppad:
0x0: {  	(pc) =	sbr.rel $0x88, $3  }
0x1: {  	(tag) =	ssettag $0x0;
	lr =	simm.s32 $0x1  }
0x2: {  	[smem:$0x3F9B] =	sst lr;
	_ =	strace $0xD0000000  }
0x3: {  	_ = 	snop  }
0x4: {  	_ = 	snop  }
0x5: {  	_ = 	snop  }
0x6: {  	_ = 	snop  }
0x7: {  	_ = 	snop  }
__scs_overlays_trampoline_lowered:
0x8: {  	[smem:$0x3FAA] =	sst s0  }
0x9: {  	[smem:$0x3FAB] =	sst s1  }
0xa: {  	[smem:$0x3FAC] =	sst s2  }
0xb: {  	[smem:$0x3FAD] =	sst s3  }
0xc: {  	[smem:$0x3FAE] =	sst s4  }
0xd: {  	[smem:$0x3FAF] =	sst s5  }
0xe: {  	[smem:$0x3FB0] =	sst s6  }
0xf: {  	[smem:$0x3FB1] =	sst s7  }
0x10: {  	[smem:$0x3FB2] =	sst s8  }
0x11: {  	[smem:$0x3FB3] =	sst s9;
	s0 =	simm.s32 @!p0 $0x0  }
0x12: {  	s1 =	sld [smem:$0x3F99];
	s0 =	simm.s32 @p0 $0x1  }
0x13: {  	[smem:$0x3FB4] =	sst s0;
	s0 =	simm.s32 @!p1 $0x0  }
0x14: {  	s2 =	sld [smem:$0x3F98];
	s0 =	simm.s32 @p1 $0x1  }
0x15: {  	[smem:$0x3FB5] =	sst s0;
	s0 =	simm.s32 @!p2 $0x0  }
0x16: {  	s3 =	sld [smem:$0x3FDB];
	s0 =	simm.s32 @p2 $0x1  }
0x17: {  	s4 =	simm.s32 $0x1BF5;
	[smem:$0x3FB7] =	sst s0  }
0x18: {  	s0 =	sld [smem:$0x3F9A];
	_ =	swait.ge [sflag:s4], $0x0  }
0x19: {  	s7 =	sld [smem:$0x3F9B]  }
0x1a: {  	s8 =	sadd.s32 $0xFFFFE003, lr  }
0x1b: {  	s9 =	sadd.s32 $0xFFFFFEF7, lr;
	s5 =	simm.s32 $0xFFFFFFFF;
	p2 =	slt.u32 s8, $0xFFFFF086  }
0x1c: {  	p1 =	slt.u32 s9, $0xF7A;
	s5 =	simm.s32 @!p2 $0x0  }
0x1d: {  	s5 =	simm.s32 @p1 $0x1;
	p0 =	seq.s32 s7, s2  }
0x1e: {  	s7 =	smul.u32 @!p0 $0xF7A, s2;
	p2 =	seq.s32 @!p0 s5, $0x0  }
0x1f: {  	s9 =	smul.u32 $0xF7A, s1;
	s8 =	simm.s32 @!p0 $0x1BF5;
	p2 =	por !p2, p0  }
0x20: {  	[sflag:s8] =	ssyncset.s32 @!p0 $0xFFFFF086;
	s6 =	sadd.s32 @!p0 s3, s7;
	s7 =	simm.s32 @!p0 $0x108  }
0x21: {  	s3 =	sadd.s32 s3, s9;
	s6 =	sadd.s32 @!p0 $0x88, s6;
	s7 =	simm.s32 @p2 $0x1082  }
0x22: {  	[simem:s7], [sflag:s8] =	dma.local @!p0 [hbm:s6], $0xF7A  }
0x23: {  	s9 =	sor.u32 $0xD0000000, s2;
	s6 =	simm.s32 $0x108;
	_ =	swait.ge @!p0 [sflag:s8], $0x0  }
0x24: {  	s3 =	sadd.s32 $0x88, s3;
	s6 =	simm.s32 @!p1 $0x1082;
	[sflag:s4] =	ssyncset.s32 $0xFFFFF086  }
0x25: {  	[simem:s6], [sflag:s4] =	dma.local [hbm:s3], $0xF7A  }
0x26: {  	[smem:$0x3F9B] =	sst s1;
	(tag) =	ssettag s2;
	_ =	strace s9  }
0x27: {  	s1 =	sld [smem:$0x3FAB]  }
0x28: {  	s2 =	sld [smem:$0x3FAC]  }
0x29: {  	s4 =	sld [smem:$0x3FAE]  }
0x2a: {  	p0 =	seq.s32 s5, $0x0;
	s5 =	sld [smem:$0x3FAF]  }
0x2b: {  	s6 =	sld [smem:$0x3FB0]  }
0x2c: {  	s7 =	sld [smem:$0x3FB1]  }
0x2d: {  	s3 =	simm.s32 $0x108;
	s8 =	sld [smem:$0x3FB2]  }
0x2e: {  	s3 =	simm.s32 @!p0 $0x1082;
	s9 =	sld [smem:$0x3FB3]  }
0x2f: {  	lr =	sadd.s32 s0, s3;
	s0 =	sld [smem:$0x3FAA]  }
0x30: {  	s3 =	sld [smem:$0x3FAD]  }
0x31: {  	[smem:$0x3FB6] =	sst s10  }
0x32: {  	s10 =	sld [smem:$0x3FB4];
	_ =	sdelay $0x3  }
0x33: {  	p0 =	seq.s32 s10, $0x1;
	s10 =	sld [smem:$0x3FB6];
	_ =	sdelay $0x3  }
0x34: {  	[smem:$0x3FB6] =	sst s10  }
0x35: {  	s10 =	sld [smem:$0x3FB5];
	_ =	sdelay $0x3  }
0x36: {  	p1 =	seq.s32 s10, $0x1;
	s10 =	sld [smem:$0x3FB6];
	_ =	sdelay $0x3  }
0x37: {  	[smem:$0x3FB6] =	sst s10  }
0x38: {  	s10 =	sld [smem:$0x3FB7]  }
0x39: {  	_ = 	snop;
	(pc) =	sbr.ind lr, $3  }
0x3a: {  	_ = 	snop  }
0x3b: {  	_ = 	snop  }
0x3c: {  	p2 =	seq.s32 s10, $0x1;
	s10 =	sld [smem:$0x3FB6]  }
0x3d: {  	_ =	shalt  }
0x3e: {  	_ =	shalt  }
0x3f: {  	_ =	shalt  }
0x40: {  	_ =	shalt  }
0x41: {  	_ =	shalt  }
0x42: {  	_ =	shalt  }
0x43: {  	_ =	shalt  }
0x44: {  	_ =	shalt  }
0x45: {  	_ =	shalt  }
0x46: {  	_ =	shalt  }
0x47: {  	_ =	shalt  }
0x48: {  	_ =	shalt  }
0x49: {  	_ =	shalt  }
0x4a: {  	_ =	shalt  }
0x4b: {  	_ =	shalt  }
0x4c: {  	_ =	shalt  }
0x4d: {  	_ =	shalt  }
0x4e: {  	_ =	shalt  }
0x4f: {  	_ =	shalt  }
0x50: {  	_ =	shalt  }
0x51: {  	_ =	shalt  }
0x52: {  	_ =	shalt  }
0x53: {  	_ =	shalt  }
0x54: {  	_ =	shalt  }
0x55: {  	_ =	shalt  }
0x56: {  	_ =	shalt  }
0x57: {  	_ =	shalt  }
0x58: {  	_ =	shalt  }
0x59: {  	_ =	shalt  }
0x5a: {  	_ =	shalt  }
0x5b: {  	_ =	shalt  }
0x5c: {  	_ =	shalt  }
0x5d: {  	_ =	shalt  }
0x5e: {  	_ =	shalt  }
0x5f: {  	_ =	shalt  }
0x60: {  	_ =	shalt  }
0x61: {  	_ =	shalt  }
0x62: {  	_ =	shalt  }
0x63: {  	_ =	shalt  }
0x64: {  	_ =	shalt  }
0x65: {  	_ =	shalt  }
0x66: {  	_ =	shalt  }
0x67: {  	_ =	shalt  }
0x68: {  	_ =	shalt  }
0x69: {  	_ =	shalt  }
0x6a: {  	_ =	shalt  }
0x6b: {  	_ =	shalt  }
0x6c: {  	_ =	shalt  }
0x6d: {  	_ =	shalt  }
0x6e: {  	_ =	shalt  }
0x6f: {  	_ =	shalt  }
0x70: {  	_ =	shalt  }
0x71: {  	_ =	shalt  }
0x72: {  	_ =	shalt  }
0x73: {  	_ =	shalt  }
0x74: {  	_ =	shalt  }
0x75: {  	_ =	shalt  }
0x76: {  	_ =	shalt  }
0x77: {  	_ =	shalt  }
0x78: {  	_ =	shalt  }
0x79: {  	_ =	shalt  }
0x7a: {  	_ =	shalt  }
0x7b: {  	_ =	shalt  }
0x7c: {  	_ =	shalt  }
0x7d: {  	_ =	shalt  }
0x7e: {  	_ =	shalt  }
0x7f: {  	_ =	shalt  }
0x80: {  	_ =	shalt  }
0x81: {  	_ =	shalt  }
0x82: {  	_ =	shalt  }
0x83: {  	_ =	shalt  }
0x84: {  	_ =	shalt  }
0x85: {  	_ =	shalt  }
0x86: {  	_ =	shalt  }
0x87: {  	_ =	shalt  }
.Lfunc_end0:
.L_simem_size_0:
called_computation.2_lowered:
.L_overlay_start_0:
0x88: {  	s2 =	sld [smem:$0x3FD9]  }
0x89: {  	s3 =	sld [smem:$0x3FFE];
	_ =	sdelay $0x1  }
0x8a: {  	s1 =	srdreg.scid  }
0x8b: {  	s0 =	sand.u32 $0x1, s1  }
0x8c: {  	s17 =	sshll.u32 s0, $0xA;
	s2 =	sadd.s32 s3, s2  }
0x8d: {  	s2 =	sadd.s32 s2, s17  }
0x8e: {  	[smem:$0x3FC2] =	sst s2  }
0x8f: {  	_ = 	snop  }
0x90: {  	s2 =	sld [smem:$0x3FD0];
	(tm) =	ssettm $0x1  }
0x91: {  	s18 =	sld [smem:$0x3FFB];
	_ =	sdelay $0x3  }
0x92: {  	_ =	strace s18  }
0x93: {  	s3 =	sld [smem:$0x3FFC];
	_ =	sdelay $0x3  }
0x94: {  	_ =	strace s3  }
0x95: {  	s3 =	sld [smem:$0x3FFD];
	_ =	sdelay $0x3  }
0x96: {  	_ =	strace s3  }
0x97: {  	_ =	strace $0x8FFFFFFF  }
0x98: {  	s19 =	sld [smem:$0x3FDB];
	_ =	sdelay $0x1  }
0x99: {  	s4 =	simm.s32 $_scs_section_size  }
0x9a: {  	s5 =	simm.s32 $_size__tile_overlayer_lowered;
	s6 =	simm.s32 $_tile_overlayer_lowered  }
0x9b: {  	s22 =	simm.s32 $0x1BFF;
	s21 =	sshll.u32 s6, $0x1;
	s3 =	sadd.s32 s4, s19  }
0x9c: {  	s7 =	simm.s32 $0x0;
	s20 =	sshll.u32 s5, $0x1;
	s5 =	sadd.s32 s21, s3  }
0x9d: {  	[timem:s7], [sflag:s22] =	dma.local [hbm:s5], s20  }
0x9e: {  	_ =	swait.ge [sflag:s22], s20  }
0x9f: {  	s4 =	ssub.s32 $0x0, s20;
	[sflag:s22] =	ssyncset.done $0x0  }
0xa0: {  	[sflag:s22] =	ssyncadd.s32 s4;
	_ =	sdelay $0x1  }
0xa1: {  	s23 =	simm.s32 $0x1B8B  }
0xa2: {  	_ =	swait.ge [sflag:s23], $0x1  }
0xa3: {  	[sflag:s23] =	ssyncset.done $0x0  }
0xa4: {  	s25 =	simm.s32 $0x1B8E;
	s24 =	sld [smem:$0x3FFE];
	[sflag:s23] =	ssyncadd.s32 $0xFFFFFFFF  }
0xa5: {  	s26 =	simm.s32 $execute0_lowered;
	[smem:$0x3FD2] =	sst s25  }
0xa6: {  	s5 =	sshll.u32 s26, $0x1;
	_ =	strace $0x8000004C;
	[dreg:$0x1] =	wrdreg $0xFFFFFFFF  }
0xa7: {  	s28 =	simm.s32 $_size_execute0_lowered;
	s3 =	sadd.s32 s3, s5;
	[dreg:$0x0] =	wrdreg $0x0  }
0xa8: {  	s5 =	sshll.u32 s28, $0x1;
	[dreg:$0x2] =	wrdreg s3  }
0xa9: {  	[dreg:$0x3] =	wrdreg s5  }
0xaa: {  	[dreg:$0x4] =	wrdreg $0xC0  }
0xab: {  	_ =	task [dreg:s7], $0x5FFFF  }
0xac: {  	[dreg:$0x1] =	wrdreg $0xFFFFFFFF  }
0xad: {  	[dreg:$0x0] =	wrdreg $0x60  }
0xae: {  	[dreg:$0x2] =	wrdreg s24  }
0xaf: {  	[dreg:$0x3] =	wrdreg s2  }
0xb0: {  	[dreg:$0x4] =	wrdreg $0xE7000  }
0xb1: {  	[dreg:$0x5] =	wrdreg $0xBF000  }
0xb2: {  	[dreg:$0x6] =	wrdreg $0x9  }
0xb3: {  	_ =	task.clear_ibuf [dreg:s7], $0x7FFFF;
	_ =	strace $0x9000004C  }
0xb4: {  	s29 =	simm.s32 $0x9;
	_ =	strace $0x8000004E  }
0xb5: {  	_ =	swait.ge [sflag:s29], $0x1  }
0xb6: {  	[sflag:s29] =	ssyncadd.s32 $0xFFFFFFFF  }
0xb7: {  	_ =	strace $0x9000004E  }
0xb8: {  	_ =	sfence  }
0xb9: {  	s30 =	sld [smem:$0x0];
	_ =	sdelay $0x2  }
0xba: {  	s31 =	sshll.u32 s1, $0xD;
	s1 =	sshrl.u32 s1, $0x2  }
0xbb: {  	s3 =	sand.u32 $0x4000, s31;
	s1 =	sadd.s32 s1, s30  }
0xbc: {  	s0 =	sor.u32 s3, s0;
	s1 =	sshll.u32 s1, $0x11  }
0xbd: {  	s0 =	sor.u32 s1, s0  }
0xbe: {  	s0 =	sadd.s32 $0x8F2B, s0  }
0xbf: {  	[sflag:s0] =	ssyncadd.remote.s32 $0x1  }
0xc0: {  	_ =	sfence.sel $0xFFFF  }
0xc1: {  	[dreg:$0x0] =	wrdreg $0xFFFFFFFF;
	(pc) =	sbr.abs _section_cstart, $3  }
0xc2: {  	[dreg:$0x1] =	wrdreg $0xFFFFFFFF  }
0xc3: {  	_ =	task.clear_ibuf [dreg:s7], $0x2FFFF;
	_ =	strace $0x9FFFFFFF  }
0xc4: {  	(tm) =	ssettm $0x7FFFFFFF  }
0xc5: {  	_ =	shalt  }
tec
execute0_lowered:
.L_overlay_start_1:
0x0: {  	(tag) =	ssettag $0x1  }
0x1: {  	s0 =	rddreg [dreg:$0x0]  }
0x2: {  	s1 =	rddreg [dreg:$0x1]  }
0x3: {  	s2 =	rddreg [dreg:$0x2]  }
0x4: {  	s3 =	rddreg [dreg:$0x3]  }
0x5: {  	s4 =	srdreg.scid;
	s7 =	stileid.u32;
	s13 =	simm.s32 $0x9700  }
0x6: {  	s15 =	simm.s32 $0x6F00;
	s16 =	simm.s32 $0xB;
	s17 =	simm.s32 $0xA  }
0x7: {  	s18 =	simm.s32 $0x9;
	s19 =	simm.s32 $0x80;
	s20 =	simm.s32 $0x4F00  }
0x8: {  	s21 =	simm.s32 $0x5700;
	s23 =	simm.s32 $0x5F00;
	s28 =	simm.s32 $0x5  }
0x9: {  	s29 =	simm.s32 $0x2;
	s30 =	simm.s32 $0x6;
	s31 =	simm.s32 $0x3  }
0xa: {  	s14 =	simm.s32 $0x8;
	s22 =	simm.s32 $0x0;
	s5 =	sand.u32 $0x1, s4  }
0xb: {  	s4 =	simm.s32 $0x0;
	s10 =	smul.u32 $0x2800, s7;
	s6 =	sshll.u32 s5, $0x4  }
0xc: {  	[smem:$0x7FF] =	sst s4;
	s8 =	ssub.s32 $0x2, s5;
	s5 =	smul.u32 $0x28000, s5  }
0xd: {  	s6 =	sor.u32 s7, s6;
	_ =	strace $0x8000004D;
	s25 =	sshrl.u32 s10, $0x3  }
0xe: {  	s26 =	sshrl.u32 s8, $0x1;
	s6 =	smul.u32 $0x4F0, s6;
	s7 =	sadd.s32 s25, s0  }
0xf: {  	s5 =	sadd.s32 s10, s5;
	s25 =	simm.s32 $0x6700;
	s7 =	sadd.s32 $0x17000, s7  }
0x10: {  	s5 =	sshrl.u32 s5, $0x3;
	s9 =	sadd.s32 s6, s0;
	s0 =	sadd.s32 $0x1C000, s0  }
0x11: {  	s11 =	sadd.s32 s1, s5;
	s1 =	simm.s32 $0x4;
	[dreg:$0x5] =	wrdreg s0  }
0x12: {  	s0 =	ssub.s32 s8, s26;
	s6 =	sadd.s32 $0xD200, s9;
	s8 =	sadd.s32 $0x3400, s9  }
0x13: {  	s9 =	sadd.s32 s10, s2;
	s10 =	sadd.s32 s10, s3;
	s26 =	simm.s32 $0x1  }
0x14: {  	[dreg:$0x6] =	wrdreg s6;
	s12 =	smax.u32 s0, $0x1;
	s0 =	simm.s32 $0x7  }
.LBB2_1:
0x15: {  	s5 =	rddreg [dreg:$0x6]  }
0x16: {  	[tilespmem:s4], [sflag:$0x9] =	stream.linear.gather [hbm4b:s5+s4], $0x2780, $0x38;
	[tilespmem:$0x10F00] =	vst v63  }
0x17: {  	_ = 	snop  }
0x18: {  	[tilespmem:s13], [sflag:$0xA] =	stream.linear.gather [hbm4b:s7+s4], $0x2800, $0x38;
	[tilespmem:$0x10F00] =	vst v63  }
0x19: {  	s24 =	simm.s32 $0x2780  }
0x1a: {  	[tilespmem:s24], [sflag:$0x9] =	stream.linear.gather [hbm4b:s8+s4], $0x2780, $0x38;
	[tilespmem:$0x10F00] =	vst v63  }
0x1b: {  	s6 =	rddreg [dreg:$0x5]  }
0x1c: {  	[tilespmem:s15], [sflag:$0xB] =	stream.linear.gather [hbm4b:s6+s4], $0x2800, $0x38;
	[tilespmem:$0x10F00] =	vst v63  }
0x1d: {  	_ =	swait.ge [sflag:s16], $0x2800  }
0x1e: {  	[sflag:s16] =	ssyncset.done $0x0  }
0x1f: {  	[sflag:s16] =	ssyncadd.s32 $0xFFFFD800  }
0x20: {  	[spmem:s9] =	stream.linear.scatter [tilespmem:s15], [sflag:$0xB], $0x2800, $0x38;
	[tilespmem:$0x10F00] =	vst v63  }
0x21: {  	_ =	swait.ge [sflag:s16], $0x2800  }
0x22: {  	[sflag:s16] =	ssyncset.done $0x0  }
0x23: {  	[sflag:s16] =	ssyncadd.s32 $0xFFFFD800  }
0x24: {  	_ =	swait.ge [sflag:s17], $0x2800  }
0x25: {  	[sflag:s17] =	ssyncset.done $0x0  }
0x26: {  	[sflag:s17] =	ssyncadd.s32 $0xFFFFD800  }
0x27: {  	[spmem:s10] =	stream.linear.scatter [tilespmem:s13], [sflag:$0xB], $0x2800, $0x38;
	[tilespmem:$0x10F00] =	vst v63  }
0x28: {  	_ =	swait.ge [sflag:s16], $0x2800  }
0x29: {  	[sflag:s16] =	ssyncset.done $0x0  }
0x2a: {  	[sflag:s16] =	ssyncadd.s32 $0xFFFFD800  }
0x2b: {  	_ =	swait.ge [sflag:s18], $0x2780  }
0x2c: {  	[sflag:s18] =	ssyncset.done $0x0  }
0x2d: {  	[sflag:s18] =	ssyncadd.s32 $0xFFFFD880  }
0x2e: {  	_ =	swait.ge [sflag:s18], $0x2780  }
0x2f: {  	[sflag:s18] =	ssyncset.done $0x0  }
0x30: {  	[sflag:s18] =	ssyncadd.s32 $0xFFFFD880  }
0x31: {  	[bflag:$0x0] =	sbarrier.arrive $0xFFFF  }
0x32: {  	[tilespmem:s20], [sflag:$0x1] =	stream.indirect.gather [spmem:s3], $0x10, s4, s19, $0xb8;
	[tilespmem:$0x10F00] =	vst v63  }
0x33: {  	_ = 	snop  }
0x34: {  	[tilespmem:s21], [sflag:$0x2] =	stream.indirect.gather [spmem:s3], $0x10, s19, s19, $0xb8;
	[tilespmem:$0x10F00] =	vst v63  }
0x35: {  	s24 =	simm.s32 $0x100  }
0x36: {  	[tilespmem:s23], [sflag:$0x3] =	stream.indirect.gather [spmem:s3], $0x10, s24, s19, $0xb8;
	[tilespmem:$0x10F00] =	vst v63  }
0x37: {  	s6 =	simm.s32 $0x180  }
0x38: {  	[tilespmem:s25], [sflag:$0x4] =	stream.indirect.gather [spmem:s3], $0x10, s6, s19, $0xb8;
	[tilespmem:$0x10F00] =	vst v63  }
0x39: {  	_ =	swait.ge [sflag:s26], $0x800  }
0x3a: {  	[sflag:s26] =	ssyncset.done $0x0  }
0x3b: {  	s24 =	simm.s32 $0x2780;
	[sflag:s26] =	ssyncadd.s32 $0xFFFFF800  }
0x3c: {  	[spmem:s2] =	stream.indirect.scatter.add.f32 [tilespmem:s20], [sflag:$0x5], $0x10, s24, s19, $0xb8;
	[tilespmem:$0x10F00] =	vst v63  }
0x3d: {  	_ =	swait.ge [sflag:s28], $0x800  }
0x3e: {  	[sflag:s28] =	ssyncset.done $0x0  }
0x3f: {  	s6 =	simm.s32 $0x200;
	[sflag:s28] =	ssyncadd.s32 $0xFFFFF800  }
0x40: {  	[tilespmem:s20], [sflag:$0x1] =	stream.indirect.gather [spmem:s3], $0x10, s6, s19, $0xb8;
	[tilespmem:$0x10F00] =	vst v63  }
0x41: {  	_ =	swait.ge [sflag:s29], $0x800  }
0x42: {  	[sflag:s29] =	ssyncset.done $0x0  }
0x43: {  	s24 =	simm.s32 $0x2800;
	[sflag:s29] =	ssyncadd.s32 $0xFFFFF800  }
0x44: {  	[spmem:s2] =	stream.indirect.scatter.add.f32 [tilespmem:s21], [sflag:$0x6], $0x10, s24, s19, $0xb8;
	[tilespmem:$0x10F00] =	vst v63  }
0x45: {  	_ =	swait.ge [sflag:s30], $0x800  }
0x46: {  	[sflag:s30] =	ssyncset.done $0x0  }
0x47: {  	s6 =	simm.s32 $0x280;
	[sflag:s30] =	ssyncadd.s32 $0xFFFFF800  }
0x48: {  	[tilespmem:s21], [sflag:$0x2] =	stream.indirect.gather [spmem:s3], $0x10, s6, s19, $0xb8;
	[tilespmem:$0x10F00] =	vst v63  }
0x49: {  	_ =	swait.ge [sflag:s31], $0x800  }
0x4a: {  	[sflag:s31] =	ssyncset.done $0x0  }
0x4b: {  	s24 =	simm.s32 $0x2880;
	[sflag:s31] =	ssyncadd.s32 $0xFFFFF800  }
0x4c: {  	[spmem:s2] =	stream.indirect.scatter.add.f32 [tilespmem:s23], [sflag:$0x7], $0x10, s24, s19, $0xb8;
	[tilespmem:$0x10F00] =	vst v63  }
0x4d: {  	_ =	swait.ge [sflag:s0], $0x800  }
0x4e: {  	[sflag:s0] =	ssyncset.done $0x0  }
0x4f: {  	s6 =	simm.s32 $0x300;
	[sflag:s0] =	ssyncadd.s32 $0xFFFFF800  }
0x50: {  	[tilespmem:s23], [sflag:$0x3] =	stream.indirect.gather [spmem:s3], $0x10, s6, s19, $0xb8;
	[tilespmem:$0x10F00] =	vst v63  }
0x51: {  	_ =	swait.ge [sflag:s1], $0x800  }
0x52: {  	[sflag:s1] =	ssyncset.done $0x0  }
0x53: {  	s24 =	simm.s32 $0x2900;
	[sflag:s1] =	ssyncadd.s32 $0xFFFFF800  }
0x54: {  	[spmem:s2] =	stream.indirect.scatter.add.f32 [tilespmem:s25], [sflag:$0x8], $0x10, s24, s19, $0xb8;
	[tilespmem:$0x10F00] =	vst v63  }
0x55: {  	_ =	swait.ge [sflag:s14], $0x800  }
0x56: {  	[sflag:s14] =	ssyncset.done $0x0  }
0x57: {  	s5 =	simm.s32 $0x380;
	s24 =	simm.s32 $0x800;
	[sflag:s14] =	ssyncadd.s32 $0xFFFFF800  }
.LBB2_2:
0x58: {  	[tilespmem:s25], [sflag:$0x4] =	stream.indirect.gather [spmem:s3], $0x10, s5, s19, $0xb8;
	[tilespmem:$0x10F00] =	vst v63  }
0x59: {  	s5 =	smov.u32 s24  }
0x5a: {  	p0 =	sne.s32 s24, $0x8800;
	s24 =	sadd.s32 $0x800, s24;
	_ =	swait.ge [sflag:s26], $0x800  }
0x5b: {  	s5 =	sshra.s32 s5, $0x2;
	[sflag:s26] =	ssyncset.done $0x0  }
0x5c: {  	s6 =	sadd.s32 $0x2780, s5;
	[sflag:s26] =	ssyncadd.s32 $0xFFFFF800  }
0x5d: {  	[spmem:s2] =	stream.indirect.scatter.add.f32 [tilespmem:s20], [sflag:$0x5], $0x10, s6, s19, $0xb8;
	[tilespmem:$0x10F00] =	vst v63  }
0x5e: {  	_ =	swait.ge [sflag:s28], $0x800  }
0x5f: {  	[sflag:s28] =	ssyncset.done $0x0  }
0x60: {  	s6 =	sadd.s32 $0x200, s5;
	[sflag:s28] =	ssyncadd.s32 $0xFFFFF800  }
0x61: {  	[tilespmem:s20], [sflag:$0x1] =	stream.indirect.gather [spmem:s3], $0x10, s6, s19, $0xb8;
	[tilespmem:$0x10F00] =	vst v63  }
0x62: {  	_ =	swait.ge [sflag:s29], $0x800  }
0x63: {  	[sflag:s29] =	ssyncset.done $0x0  }
0x64: {  	s6 =	sadd.s32 $0x2800, s5;
	[sflag:s29] =	ssyncadd.s32 $0xFFFFF800  }
0x65: {  	[spmem:s2] =	stream.indirect.scatter.add.f32 [tilespmem:s21], [sflag:$0x6], $0x10, s6, s19, $0xb8;
	[tilespmem:$0x10F00] =	vst v63  }
0x66: {  	_ =	swait.ge [sflag:s30], $0x800  }
0x67: {  	[sflag:s30] =	ssyncset.done $0x0  }
0x68: {  	s6 =	sadd.s32 $0x280, s5;
	[sflag:s30] =	ssyncadd.s32 $0xFFFFF800  }
0x69: {  	[tilespmem:s21], [sflag:$0x2] =	stream.indirect.gather [spmem:s3], $0x10, s6, s19, $0xb8;
	[tilespmem:$0x10F00] =	vst v63  }
0x6a: {  	_ =	swait.ge [sflag:s31], $0x800  }
0x6b: {  	[sflag:s31] =	ssyncset.done $0x0  }
0x6c: {  	s6 =	sadd.s32 $0x2880, s5;
	[sflag:s31] =	ssyncadd.s32 $0xFFFFF800  }
0x6d: {  	[spmem:s2] =	stream.indirect.scatter.add.f32 [tilespmem:s23], [sflag:$0x7], $0x10, s6, s19, $0xb8;
	[tilespmem:$0x10F00] =	vst v63  }
0x6e: {  	_ =	swait.ge [sflag:s0], $0x800  }
0x6f: {  	[sflag:s0] =	ssyncset.done $0x0  }
0x70: {  	s6 =	sadd.s32 $0x300, s5;
	[sflag:s0] =	ssyncadd.s32 $0xFFFFF800  }
0x71: {  	[tilespmem:s23], [sflag:$0x3] =	stream.indirect.gather [spmem:s3], $0x10, s6, s19, $0xb8;
	[tilespmem:$0x10F00] =	vst v63  }
0x72: {  	_ =	swait.ge [sflag:s1], $0x800  }
0x73: {  	[sflag:s1] =	ssyncset.done $0x0  }
.Ltmp0:
0x74: {  	s6 =	sadd.s32 $0x2900, s5;
	[sflag:s1] =	ssyncadd.s32 $0xFFFFF800;
	(pc) =	sbr.rel @p0 .LBB2_2-.Ltmp0, $4  }
0x75: {  	[spmem:s2] =	stream.indirect.scatter.add.f32 [tilespmem:s25], [sflag:$0x8], $0x10, s6, s19, $0xb8;
	[tilespmem:$0x10F00] =	vst v63  }
0x76: {  	_ =	swait.ge [sflag:s14], $0x800  }
0x77: {  	[sflag:s14] =	ssyncset.done $0x0  }
0x78: {  	s5 =	sadd.s32 $0x380, s5;
	[sflag:s14] =	ssyncadd.s32 $0xFFFFF800  }
0x79: {  	[tilespmem:s25], [sflag:$0x4] =	stream.indirect.gather [spmem:s3], $0x10, s5, s19, $0xb8;
	[tilespmem:$0x10F00] =	vst v63  }
0x7a: {  	_ =	swait.ge [sflag:s26], $0x800  }
0x7b: {  	[sflag:s26] =	ssyncset.done $0x0  }
0x7c: {  	s6 =	simm.s32 $0x4B80;
	[sflag:s26] =	ssyncadd.s32 $0xFFFFF800  }
0x7d: {  	[spmem:s2] =	stream.indirect.scatter.add.f32 [tilespmem:s20], [sflag:$0x5], $0x10, s6, s19, $0xb8;
	[tilespmem:$0x10F00] =	vst v63  }
0x7e: {  	_ =	swait.ge [sflag:s28], $0x800  }
0x7f: {  	[sflag:s28] =	ssyncset.done $0x0  }
0x80: {  	s24 =	simm.s32 $0x2600;
	[sflag:s28] =	ssyncadd.s32 $0xFFFFF800  }
0x81: {  	[tilespmem:s20], [sflag:$0x1] =	stream.indirect.gather [spmem:s3], $0x10, s24, s19, $0xb8;
	[tilespmem:$0x10F00] =	vst v63  }
0x82: {  	_ =	swait.ge [sflag:s29], $0x800  }
0x83: {  	[sflag:s29] =	ssyncset.done $0x0  }
0x84: {  	s6 =	simm.s32 $0x4C00;
	[sflag:s29] =	ssyncadd.s32 $0xFFFFF800  }
0x85: {  	[spmem:s2] =	stream.indirect.scatter.add.f32 [tilespmem:s21], [sflag:$0x6], $0x10, s6, s19, $0xb8;
	[tilespmem:$0x10F00] =	vst v63  }
0x86: {  	_ =	swait.ge [sflag:s30], $0x800  }
0x87: {  	[sflag:s30] =	ssyncset.done $0x0  }
0x88: {  	s24 =	simm.s32 $0x2680;
	[sflag:s30] =	ssyncadd.s32 $0xFFFFF800  }
0x89: {  	[tilespmem:s21], [sflag:$0x2] =	stream.indirect.gather [spmem:s3], $0x10, s24, s19, $0xb8;
	[tilespmem:$0x10F00] =	vst v63  }
0x8a: {  	_ =	swait.ge [sflag:s31], $0x800  }
0x8b: {  	[sflag:s31] =	ssyncset.done $0x0  }
0x8c: {  	s6 =	simm.s32 $0x4C80;
	[sflag:s31] =	ssyncadd.s32 $0xFFFFF800  }
0x8d: {  	[spmem:s2] =	stream.indirect.scatter.add.f32 [tilespmem:s23], [sflag:$0x7], $0x10, s6, s19, $0xb8;
	[tilespmem:$0x10F00] =	vst v63  }
0x8e: {  	_ =	swait.ge [sflag:s0], $0x800  }
0x8f: {  	[sflag:s0] =	ssyncset.done $0x0  }
0x90: {  	s24 =	simm.s32 $0x2700;
	[sflag:s0] =	ssyncadd.s32 $0xFFFFF800  }
0x91: {  	[tilespmem:s23], [sflag:$0x3] =	stream.indirect.gather [spmem:s3], $0x10, s24, s19, $0xb8;
	[tilespmem:$0x10F00] =	vst v63  }
0x92: {  	_ =	swait.ge [sflag:s1], $0x800  }
0x93: {  	[sflag:s1] =	ssyncset.done $0x0  }
0x94: {  	s6 =	simm.s32 $0x4D00;
	[sflag:s1] =	ssyncadd.s32 $0xFFFFF800  }
0x95: {  	[spmem:s2] =	stream.indirect.scatter.add.f32 [tilespmem:s25], [sflag:$0x8], $0x10, s6, s19, $0xb8;
	[tilespmem:$0x10F00] =	vst v63  }
0x96: {  	_ =	swait.ge [sflag:s14], $0x800  }
0x97: {  	[sflag:s14] =	ssyncset.done $0x0  }
0x98: {  	[sflag:s14] =	ssyncadd.s32 $0xFFFFF800  }
0x99: {  	_ =	swait.ge [sflag:s26], $0x800  }
0x9a: {  	[sflag:s26] =	ssyncset.done $0x0  }
0x9b: {  	s24 =	simm.s32 $0x4D80;
	[sflag:s26] =	ssyncadd.s32 $0xFFFFF800  }
0x9c: {  	[spmem:s2] =	stream.indirect.scatter.add.f32 [tilespmem:s20], [sflag:$0x5], $0x10, s24, s19, $0xb8;
	[tilespmem:$0x10F00] =	vst v63  }
0x9d: {  	_ =	swait.ge [sflag:s28], $0x800  }
0x9e: {  	[sflag:s28] =	ssyncset.done $0x0  }
0x9f: {  	[sflag:s28] =	ssyncadd.s32 $0xFFFFF800  }
0xa0: {  	_ =	swait.ge [sflag:s29], $0x800  }
0xa1: {  	[sflag:s29] =	ssyncset.done $0x0  }
0xa2: {  	s6 =	simm.s32 $0x4E00;
	[sflag:s29] =	ssyncadd.s32 $0xFFFFF800  }
0xa3: {  	[spmem:s2] =	stream.indirect.scatter.add.f32 [tilespmem:s21], [sflag:$0x6], $0x10, s6, s19, $0xb8;
	[tilespmem:$0x10F00] =	vst v63  }
0xa4: {  	_ =	swait.ge [sflag:s30], $0x800  }
0xa5: {  	[sflag:s30] =	ssyncset.done $0x0  }
0xa6: {  	[sflag:s30] =	ssyncadd.s32 $0xFFFFF800  }
0xa7: {  	_ =	swait.ge [sflag:s31], $0x800  }
0xa8: {  	[sflag:s31] =	ssyncset.done $0x0  }
0xa9: {  	s24 =	simm.s32 $0x4E80;
	[sflag:s31] =	ssyncadd.s32 $0xFFFFF800  }
0xaa: {  	[spmem:s2] =	stream.indirect.scatter.add.f32 [tilespmem:s23], [sflag:$0x7], $0x10, s24, s19, $0xb8;
	[tilespmem:$0x10F00] =	vst v63  }
0xab: {  	_ =	swait.ge [sflag:s0], $0x800  }
0xac: {  	[sflag:s0] =	ssyncset.done $0x0  }
0xad: {  	[sflag:s0] =	ssyncadd.s32 $0xFFFFF800  }
0xae: {  	[bflag:$0x0] =	sbarrier.arrive $0xFFFF  }
0xaf: {  	[tilespmem:s15], [sflag:$0xB] =	stream.linear.gather [spmem:s9], $0x2800, $0x38;
	[tilespmem:$0x10F00] =	vst v63  }
0xb0: {  	s22 =	sadd.s32 $0x1, s22;
	_ =	swait.ge [sflag:s16], $0x2800  }
0xb1: {  	p0 =	sne.s32 s22, s12;
	[sflag:s16] =	ssyncset.done $0x0  }
.Ltmp1:
0xb2: {  	[sflag:s16] =	ssyncadd.s32 $0xFFFFD800;
	(pc) =	sbr.rel @p0 .LBB2_1-.Ltmp1, $4  }
0xb3: {  	[hbm4b:s11+s4] =	stream.linear.scatter [tilespmem:s15], [sflag:$0xB], $0x2800, $0x38;
	[tilespmem:$0x10F00] =	vst v63  }
0xb4: {  	_ =	swait.ge [sflag:s16], $0x2800  }
0xb5: {  	[sflag:s16] =	ssyncset.done $0x0  }
0xb6: {  	[sflag:s16] =	ssyncadd.s32 $0xFFFFD800  }
0xb7: {  	_ =	sfence.sel $0x180000  }
0xb8: {  	[bflag:$0x0] =	sbarrier.arrive $0xFFFF  }
0xb9: {  	_ =	strace $0x9000004D  }
0xba: {  	s0 =	stileid.u32;
	[bflag:$0x2] =	sbarrier.arrive $0xFFFF  }
0xbb: {  	p0 =	sne.s32 s0, $0x0;
	s0 =	rddreg [dreg:$0x4]  }
0xbc: {  	s0 =	sadd.s32 @!p0 $0x100000, s0  }
0xbd: {  	[sflag:s0] =	ssyncadd.tile.s32 @!p0 $0x1;
	_ =	shalt  }
.Lfunc_end2:
_tile_overlayer_lowered:
.L_overlay_start_2:
0xbe: {  	(tag) =	ssettag $0x2  }
0xbf: {  	s0 =	rddreg [dreg:$0x0];
	s2 =	stileid.u32  }
0xc0: {  	s1 =	rddreg [dreg:$0x1];
	p0 =	sne.s32 s2, $0x0  }
0xc1: {  	s3 =	rddreg [dreg:$0x2];
	[bflag:$0x3] =	sbarrier.arrive $0xFFFF;
	s2 =	simm.s32 @!p0 $0x1C0B  }
0xc2: {  	[timem:s3], [sflag:s2] =	dma.local @!p0 [hbm:s0], s1  }
0xc3: {  	s0 =	simm.s32 @!p0 $0xB  }
0xc4: {  	_ =	swait.ge @!p0 [sflag:s0], s1  }
0xc5: {  	s1 =	ssub.s32 @!p0 $0x0, s1;
	[sflag:s0] =	ssyncset.done @!p0 $0x0  }
0xc6: {  	[sflag:s0] =	ssyncadd.s32 @!p0 s1  }
0xc7: {  	[bflag:$0x3] =	sbarrier.arrive $0xFFFF  }
0xc8: {  	_ =	shalt  }

</sc_bundles>
